<compile_context>
chip_gen: v7x
topology: tpu7x:2x2x1
jax: 0.10.2.dev20260603
libtpu: 0.0.44.dev20260713+nightly
codegen_flags: <defaults>
</compile_context>

<pallas_src>
import functools

import jax
import jax.numpy as jnp
from jax import lax
from jax.experimental import pallas as pl
from jax.experimental.pallas import tpu as pltpu
from jax.experimental.pallas import tpu_sc as plsc

N = 10000
E = 320000
IN = 128
H = 8
C = 32
HID = H * C
OUT = 256
HH = HID // 2

NS = 16
K = 80
NCH = 252
EPT = NCH * K
EPAD = NS * EPT
ROWS_PT = 632
NROW = NS * ROWS_PT

BN = 1000


def _pre_body(x_ref, wg_ref, asrc_ref, adst_ref, e4_ref,
              h2_ref, d16_ref, acc0_ref):
    hh = jnp.dot(x_ref[...], wg_ref[...], preferred_element_type=jnp.float32)
    s4 = jnp.dot(hh, asrc_ref[0], preferred_element_type=jnp.float32)
    d4 = jnp.dot(hh, adst_ref[0], preferred_element_type=jnp.float32)
    ss = s4 + d4
    exs4 = jnp.exp(jnp.where(ss > 0, ss, 0.2 * ss))
    h2_ref[...] = jnp.concatenate([hh, s4, s4, s4, s4], axis=1)
    d16_ref[...] = jnp.concatenate([d4, d4, d4, d4], axis=1)
    acc0_ref[...] = jnp.concatenate(
        [hh * jnp.dot(exs4, e4_ref[...], preferred_element_type=jnp.float32),
         exs4, exs4, exs4, exs4], axis=1)


def _post_body(a0_ref, a1_ref, p_ref, g_ref, bg_ref,
               w1_ref, b1_ref, w2_ref, b2_ref, z_ref, z1_ref, z2_ref):
    a0 = a0_ref[...]
    a1 = a1_ref[...]
    p = p_ref[...]
    g = g_ref[...]
    den0 = jnp.dot(a0, g, preferred_element_type=jnp.float32)
    den1 = jnp.dot(a1, g, preferred_element_type=jnp.float32)
    m0 = jnp.dot(a0, p, preferred_element_type=jnp.float32)
    m1 = jnp.dot(a1, p, preferred_element_type=jnp.float32)
    z = jnp.concatenate(
        [m0 / (den0 + 1e-16), m1 / (den1 + 1e-16)],
        axis=1) + bg_ref[...]
    z_ref[...] = z
    z1_ref[...] = jnp.dot(z, w1_ref[...],
                          preferred_element_type=jnp.float32) + b1_ref[...]
    z2_ref[...] = jnp.dot(z, w2_ref[...],
                          preferred_element_type=jnp.float32) + b2_ref[...]


WROW = HH + 16


def _edge_body(src_hbm, dst_hbm, d_hbm, h2_hbm, acc0_hbm,
               acc_out,
               src_v, dst_v, idx2_v, idxd_v, dsc_v, drows_v, hrows_v,
               acc_sh, sem_is, sem_id, sem_d, sem_h, sem_s):
    c = lax.axis_index("c")
    s = lax.axis_index("s")
    coff = c * NROW
    r0 = s * ROWS_PT
    pltpu.sync_copy(acc0_hbm.at[pl.ds(coff + r0, ROWS_PT)],
                    acc_sh.at[pl.ds(r0, ROWS_PT)])
    plsc.subcore_barrier()

    base = s * EPT

    def issue_idx(ch, b):
        off = base + ch * K
        pltpu.async_copy(src_hbm.at[pl.ds(off, K)], src_v.at[b],
                         sem_is.at[b])
        pltpu.async_copy(dst_hbm.at[pl.ds(off, K)], dst_v.at[b],
                         sem_id.at[b])

    def wait_idx(b):
        pltpu.make_async_copy(src_hbm.at[pl.ds(0, K)], src_v.at[b],
                              sem_is.at[b]).wait()
        pltpu.make_async_copy(dst_hbm.at[pl.ds(0, K)], dst_v.at[b],
                              sem_id.at[b]).wait()

    def comp_idx(b):
        @plsc.parallel_loop(0, K // 16, unroll=5)
        def _f(i):
            sl = pl.ds(i * 16, 16)
            idx2_v[b, sl] = src_v[b, sl] + coff
            idxd_v[b, sl] = dst_v[b, sl] + coff
            dsc_v[b, sl] = dst_v[b, sl]

    def issue_gathers(b):
        pltpu.async_copy(d_hbm.at[idxd_v.at[b]], drows_v.at[b], sem_d.at[b])
        pltpu.async_copy(h2_hbm.at[idx2_v.at[b]], hrows_v.at[b], sem_h.at[b])

    def wait_gathers(b):
        pltpu.make_async_copy(d_hbm.at[idxd_v.at[b]], drows_v.at[b],
                              sem_d.at[b]).wait()
        pltpu.make_async_copy(h2_hbm.at[idx2_v.at[b]], hrows_v.at[b],
                              sem_h.at[b]).wait()

    def issue_scatter(b):
        pltpu.async_copy(hrows_v.at[b], acc_sh.at[dsc_v.at[b]], sem_s.at[b],
                         add=True)

    def wait_scatter(b):
        pltpu.make_async_copy(hrows_v.at[b], acc_sh.at[dsc_v.at[b]],
                              sem_s.at[b]).wait()

    def compute(b):
        @plsc.parallel_loop(0, K, unroll=8)
        def _ex(e):
            sv = hrows_v[b, e, pl.ds(HH, 16)]
            dv = drows_v[b, e, pl.ds(0, 16)]
            al = sv + dv
            hrows_v[b, e, pl.ds(HH, 16)] = jnp.exp(jnp.maximum(al, 0.2 * al))

        @plsc.parallel_loop(0, K, unroll=4)
        def _scale(e):
            ex = hrows_v[b, e, pl.ds(HH, 16)]
            for j in range(HH // 16):
                hrows_v[b, e, pl.ds(j * 16, 16)] = (
                    hrows_v[b, e, pl.ds(j * 16, 16)]
                    * jnp.full((16,), ex[j // 2]))

    def step(ch, b):
        b1 = (b + 1) % 3
        b2 = (b + 2) % 3

        @pl.when(ch < NCH - 1)
        def _():
            wait_idx(b1)

        @pl.when(ch >= 2)
        def _():
            wait_scatter(b1)

        @pl.when(ch < NCH - 1)
        def _():
            comp_idx(b1)
            issue_gathers(b1)

        @pl.when(ch < NCH - 2)
        def _():
            issue_idx(ch + 2, b2)

        wait_gathers(b)
        compute(b)
        issue_scatter(b)

    issue_idx(0, 0)
    issue_idx(1, 1)
    wait_idx(0)
    comp_idx(0)
    issue_gathers(0)

    def triple(g, carry):
        step(3 * g, 0)
        step(3 * g + 1, 1)
        step(3 * g + 2, 2)
        return carry
    lax.fori_loop(0, NCH // 3, triple, 0)
    wait_scatter((NCH - 2) % 3)
    wait_scatter((NCH - 1) % 3)

    plsc.subcore_barrier()
    pltpu.sync_copy(acc_sh.at[pl.ds(r0, ROWS_PT)],
                    acc_out.at[pl.ds(coff + r0, ROWS_PT)])


def _edge_pass(srcp, dstp, D16, h2, acc0):
    mesh = plsc.VectorSubcoreMesh(core_axis_name="c", subcore_axis_name="s")
    f = functools.partial(
        pl.kernel,
        mesh=mesh,
        compiler_params=pltpu.CompilerParams(use_tc_tiling_on_sc=False),
        out_type=jax.ShapeDtypeStruct((2 * NROW, WROW), jnp.float32),
        scratch_types=[
            pltpu.VMEM((3, K), jnp.int32),
            pltpu.VMEM((3, K), jnp.int32),
            pltpu.VMEM((3, K), jnp.int32),
            pltpu.VMEM((3, K), jnp.int32),
            pltpu.VMEM((3, K), jnp.int32),
            pltpu.VMEM((3, K, 16), jnp.float32),
            pltpu.VMEM((3, K, WROW), jnp.float32),
            pltpu.VMEM_SHARED((NROW, WROW), jnp.float32),
            pltpu.SemaphoreType.DMA((3,)),
            pltpu.SemaphoreType.DMA((3,)),
            pltpu.SemaphoreType.DMA((3,)),
            pltpu.SemaphoreType.DMA((3,)),
            pltpu.SemaphoreType.DMA((3,)),
        ],
    )(_edge_body)
    return f(srcp, dstp, D16, h2, acc0)


def kernel(x, edge_index, W_gat, att_src, att_dst, b_gat, W1, b1, W2, b2):
    f32 = jnp.float32
    Asrc = (jnp.eye(H, dtype=f32)[:, None, :] * att_src[:, :, None]
            ).reshape(HID, H)
    Adst = (jnp.eye(H, dtype=f32)[:, None, :] * att_dst[:, :, None]
            ).reshape(HID, H)
    E4 = jnp.repeat(jnp.eye(4, dtype=f32), C, axis=1)

    h2, D16, acc0 = pl.pallas_call(
        _pre_body,
        grid=(2, NS),
        in_specs=[
            pl.BlockSpec((ROWS_PT, IN), lambda c, i: (i, 0)),
            pl.BlockSpec((IN, HH), lambda c, i: (0, c)),
            pl.BlockSpec((1, HH, 4), lambda c, i: (c, 0, 0)),
            pl.BlockSpec((1, HH, 4), lambda c, i: (c, 0, 0)),
            pl.BlockSpec((4, HH), lambda c, i: (0, 0)),
        ],
        out_specs=[
            pl.BlockSpec((ROWS_PT, WROW), lambda c, i: (c * NS + i, 0)),
            pl.BlockSpec((ROWS_PT, 16), lambda c, i: (c * NS + i, 0)),
            pl.BlockSpec((ROWS_PT, WROW), lambda c, i: (c * NS + i, 0)),
        ],
        out_shape=[
            jax.ShapeDtypeStruct((2 * NROW, WROW), f32),
            jax.ShapeDtypeStruct((2 * NROW, 16), f32),
            jax.ShapeDtypeStruct((2 * NROW, WROW), f32),
        ],
    )(x, W_gat,
      jnp.stack([Asrc[:HH, :4], Asrc[HH:, 4:]]),
      jnp.stack([Adst[:HH, :4], Adst[HH:, 4:]]),
      E4)

    src = edge_index[0]
    dst = edge_index[1]
    pad = EPAD - E
    srcp = jnp.concatenate([src, jnp.zeros((pad,), jnp.int32)])
    dstp = jnp.concatenate([dst, jnp.full((pad,), N, jnp.int32)])

    acc = _edge_pass(srcp, dstp, D16, h2, acc0)

    P = jnp.concatenate([jnp.eye(HH, dtype=f32), jnp.zeros((16, HH), f32)],
                        axis=0)
    G = jnp.concatenate([jnp.zeros((HH, HH), f32), E4,
                         jnp.zeros((12, HH), f32)], axis=0)
    z, z1, z2 = pl.pallas_call(
        _post_body,
        grid=(NS,),
        in_specs=[
            pl.BlockSpec((ROWS_PT, WROW), lambda i: (i, 0)),
            pl.BlockSpec((ROWS_PT, WROW), lambda i: (NS + i, 0)),
            pl.BlockSpec((WROW, HH), lambda i: (0, 0)),
            pl.BlockSpec((WROW, HH), lambda i: (0, 0)),
            pl.BlockSpec((1, HID), lambda i: (0, 0)),
            pl.BlockSpec((HID, OUT), lambda i: (0, 0)),
            pl.BlockSpec((1, OUT), lambda i: (0, 0)),
            pl.BlockSpec((HID, OUT), lambda i: (0, 0)),
            pl.BlockSpec((1, OUT), lambda i: (0, 0)),
        ],
        out_specs=[
            pl.BlockSpec((ROWS_PT, HID), lambda i: (i, 0)),
            pl.BlockSpec((ROWS_PT, OUT), lambda i: (i, 0)),
            pl.BlockSpec((ROWS_PT, OUT), lambda i: (i, 0)),
        ],
        out_shape=[
            jax.ShapeDtypeStruct((N, HID), f32),
            jax.ShapeDtypeStruct((N, OUT), f32),
            jax.ShapeDtypeStruct((N, OUT), f32),
        ],
    )(acc, acc, P, G, b_gat.reshape(1, HID), W1, b1.reshape(1, OUT),
      W2, b2.reshape(1, OUT))
    return (z, z1, z2)

# --- scband reference (transcript-rebuilt; emitter-appended) ---
"""Pipeline reference for scband-gatscl-87316685127963 (READ-ONLY COPY).

The authoritative reference and input builder live on the scoring server;
editing this copy changes nothing except your own understanding.
"""

import jax, jax.numpy as jnp
import numpy as np

N = 10000
E = 320000
IN = 128
H = 8
C = 32  # hidden_channels // heads = 256 // 8
HID = H * C  # 256
OUT = 256


def setup_inputs(seed: int = 0) -> dict:
    key = jax.random.key(seed)
    ks = jax.random.split(key, 12)
    x = jax.random.normal(ks[0], (N, IN), dtype=jnp.float32)
    edge_index = jax.random.randint(ks[1], (2, E), 0, N, dtype=jnp.int32)
    # GATConv parameters
    W_gat = jax.random.normal(ks[2], (IN, H * C), dtype=jnp.float32) * 0.05
    att_src = jax.random.normal(ks[3], (H, C), dtype=jnp.float32) * 0.05
    att_dst = jax.random.normal(ks[4], (H, C), dtype=jnp.float32) * 0.05
    b_gat = jnp.zeros((HID,), dtype=jnp.float32)
    # fc1 / fc2 (out_channels -> out_channels)
    W1 = jax.random.normal(ks[5], (HID, OUT), dtype=jnp.float32) * 0.05
    b1 = jnp.zeros((OUT,), dtype=jnp.float32)
    W2 = jax.random.normal(ks[6], (HID, OUT), dtype=jnp.float32) * 0.05
    b2 = jnp.zeros((OUT,), dtype=jnp.float32)
    return {"x": x, "edge_index": edge_index, "W_gat": W_gat, "att_src": att_src,
            "att_dst": att_dst, "b_gat": b_gat, "W1": W1, "b1": b1, "W2": W2, "b2": b2}


def _gat_conv(x, edge_index, W_gat, att_src, att_dst, b_gat):
    num_nodes = x.shape[0]
    # PyG GATConv default add_self_loops=True
    loop = jnp.arange(num_nodes, dtype=edge_index.dtype)
    src = jnp.concatenate([edge_index[0], loop])
    dst = jnp.concatenate([edge_index[1], loop])
    h = (x @ W_gat).reshape(num_nodes, H, C)
    a_src = jnp.sum(h * att_src[None, :, :], axis=-1)  # [N, H]
    a_dst = jnp.sum(h * att_dst[None, :, :], axis=-1)  # [N, H]
    alpha = a_src[src] + a_dst[dst]  # [E', H]
    alpha = jax.nn.leaky_relu(alpha, negative_slope=0.2)
    # softmax over incoming edges per destination node
    amax = jax.ops.segment_max(alpha, dst, num_segments=num_nodes)
    amax = jnp.where(jnp.isfinite(amax), amax, 0.0)
    ex = jnp.exp(alpha - amax[dst])
    denom = jax.ops.segment_sum(ex, dst, num_segments=num_nodes)
    attn = ex / (denom[dst] + 1e-16)  # [E', H]
    msg = h[src] * attn[:, :, None]  # [E', H, C]
    out = jax.ops.segment_sum(msg, dst, num_segments=num_nodes)  # [N, H, C]
    # concat=True -> reshape heads into feature dim, then add bias
    return out.reshape(num_nodes, H * C) + b_gat


def reference(x, edge_index, W_gat, att_src, att_dst, b_gat, W1, b1, W2, b2):
    z = _gat_conv(x, edge_index, W_gat, att_src, att_dst, b_gat)
    z1 = z @ W1 + b1
    z2 = z @ W2 + b2
    return (z, z1, z2)

if __name__ == "__main__":
    import jax
    _d = setup_inputs()
    print(jax.jit(kernel)(*tuple(_d.values())))

</pallas_src>

<mosaic_0001>
#map = affine_map<(d0, d1) -> (0)>
#map1 = affine_map<(d0, d1) -> (0, 0)>
module attributes {stable_mosaic.version = 14 : i64} {
  func.func @_edge_body(%arg0: i32, %arg1: i32, %arg2: memref<322560xi32, #tpu.memory_space<hbm>>, %arg3: memref<322560xi32, #tpu.memory_space<hbm>>, %arg4: memref<20224x16xf32, #tpu.memory_space<hbm>>, %arg5: memref<20224x144xf32, #tpu.memory_space<hbm>>, %arg6: memref<20224x144xf32, #tpu.memory_space<hbm>>, %arg7: memref<20224x144xf32, #tpu.memory_space<hbm>>, %arg8: memref<3x80xi32, #tpu.memory_space<vmem>>, %arg9: memref<3x80xi32, #tpu.memory_space<vmem>>, %arg10: memref<3x80xi32, #tpu.memory_space<vmem>>, %arg11: memref<3x80xi32, #tpu.memory_space<vmem>>, %arg12: memref<3x80xi32, #tpu.memory_space<vmem>>, %arg13: memref<3x80x16xf32, #tpu.memory_space<vmem>>, %arg14: memref<3x80x144xf32, #tpu.memory_space<vmem>>, %arg15: memref<10112x144xf32, #tpu.memory_space<vmem_shared>>, %arg16: memref<3x!tpu.dma_semaphore, #tpu.memory_space<semaphore_mem>>, %arg17: memref<3x!tpu.dma_semaphore, #tpu.memory_space<semaphore_mem>>, %arg18: memref<3x!tpu.dma_semaphore, #tpu.memory_space<semaphore_mem>>, %arg19: memref<3x!tpu.dma_semaphore, #tpu.memory_space<semaphore_mem>>, %arg20: memref<3x!tpu.dma_semaphore, #tpu.memory_space<semaphore_mem>>) attributes {dimension_semantics = [#tpu.dimension_semantics<core_parallel>, #tpu.dimension_semantics<subcore_parallel>], iteration_bounds = array<i64: 2, 16>, scalar_prefetch = 0 : i64, scratch_operands = 13 : i64, tpu.core_type = #tpu.core_type<sc_vector_subcore>, window_params = [{transform_indices = #map}, {transform_indices = #map}, {transform_indices = #map1}, {transform_indices = #map1}, {transform_indices = #map1}, {transform_indices = #map1}]} {
    %mul3A = arith.constant 10112 : i32
    %mul3A_0 = arith.muli %arg0, %mul3A : i32
    %mul3A_1 = arith.constant 632 : i32
    %mul3A_2 = arith.muli %arg1, %mul3A_1 : i32
    %add3A = arith.addi %mul3A_0, %mul3A_2 : i32
    "tpu.region"() ({
      %run_scoped3A = tpu.sem_alloc : memref<!tpu.dma_semaphore, #tpu.memory_space<semaphore_mem>>
      %dma_start3A_152 = arith.constant 0 : i32
      %dma_start3A_153 = tpu.memref_slice %arg15[%mul3A_2, %dma_start3A_152] : memref<10112x144xf32, #tpu.memory_space<vmem_shared>> -> memref<632x144xf32, #tpu.memory_space<vmem_shared>>
      %dma_start3A_154 = arith.constant 0 : i32
      %dma_start3A_155 = tpu.memref_slice %arg6[%add3A, %dma_start3A_154] : memref<20224x144xf32, #tpu.memory_space<hbm>> -> memref<632x144xf32, #tpu.memory_space<hbm>>
      tpu.enqueue_dma source(%dma_start3A_155 : memref<632x144xf32, #tpu.memory_space<hbm>>) target(%dma_start3A_153 : memref<632x144xf32, #tpu.memory_space<vmem_shared>>) target_semaphore(%run_scoped3A : memref<!tpu.dma_semaphore, #tpu.memory_space<semaphore_mem>>)
      %dma_wait3A_156 = arith.constant 0 : i32
      %dma_wait3A_157 = tpu.memref_slice %arg15[%mul3A_2, %dma_wait3A_156] : memref<10112x144xf32, #tpu.memory_space<vmem_shared>> -> memref<632x144xf32, #tpu.memory_space<vmem_shared>>
      %dma_wait3A_158 = arith.constant 0 : i32
      %dma_wait3A_159 = tpu.memref_slice %arg6[%add3A, %dma_wait3A_158] : memref<20224x144xf32, #tpu.memory_space<hbm>> -> memref<632x144xf32, #tpu.memory_space<hbm>>
      tpu.wait_dma2 semaphore(%run_scoped3A : memref<!tpu.dma_semaphore, #tpu.memory_space<semaphore_mem>>) src(%dma_wait3A_159 : memref<632x144xf32, #tpu.memory_space<hbm>>) dst(%dma_wait3A_157 : memref<632x144xf32, #tpu.memory_space<vmem_shared>>)
      tpu.yield
    }) : () -> ()
    %barrier3A = arith.constant 0 : index
    tpu.barrier barrier_id(%barrier3A)
    %mul3A_3 = arith.constant 20160 : i32
    %mul3A_4 = arith.muli %arg1, %mul3A_3 : i32
    %add3A_5 = arith.constant 0 : i32
    %add3A_6 = arith.addi %mul3A_4, %add3A_5 : i32
    %dma_start3A = arith.constant 0 : i32
    %dma_start3A_7 = arith.constant 0 : i32
    %dma_start3A_8 = arith.constant 0 : i32
    %dma_start3A_9 = tpu.memref_slice %arg8[%dma_start3A, %dma_start3A_8] : memref<3x80xi32, #tpu.memory_space<vmem>> -> memref<1x80xi32, #tpu.memory_space<vmem>>
    %dma_start3A_10 = tpu.memref_squeeze %dma_start3A_9 : memref<1x80xi32, #tpu.memory_space<vmem>> -> memref<80xi32, #tpu.memory_space<vmem>>
    %dma_start3A_11 = tpu.memref_slice %arg2[%add3A_6] : memref<322560xi32, #tpu.memory_space<hbm>> -> memref<80xi32, #tpu.memory_space<hbm>>
    %dma_start3A_12 = tpu.memref_slice %arg16[%dma_start3A_7] : memref<3x!tpu.dma_semaphore, #tpu.memory_space<semaphore_mem>> -> memref<1x!tpu.dma_semaphore, #tpu.memory_space<semaphore_mem>>
    %dma_start3A_13 = tpu.memref_squeeze %dma_start3A_12 : memref<1x!tpu.dma_semaphore, #tpu.memory_space<semaphore_mem>> -> memref<!tpu.dma_semaphore, #tpu.memory_space<semaphore_mem>>
    %dma_start3A_14 = arith.constant 0 : i32
    %dma_start3A_15 = tpu.memref_slice %arg8[%dma_start3A, %dma_start3A_14] : memref<3x80xi32, #tpu.memory_space<vmem>> -> memref<1x80xi32, #tpu.memory_space<vmem>>
    %dma_start3A_16 = tpu.memref_squeeze %dma_start3A_15 : memref<1x80xi32, #tpu.memory_space<vmem>> -> memref<80xi32, #tpu.memory_space<vmem>>
    %dma_start3A_17 = tpu.memref_slice %arg2[%add3A_6] : memref<322560xi32, #tpu.memory_space<hbm>> -> memref<80xi32, #tpu.memory_space<hbm>>
    tpu.enqueue_dma source(%dma_start3A_17 : memref<80xi32, #tpu.memory_space<hbm>>) target(%dma_start3A_16 : memref<80xi32, #tpu.memory_space<vmem>>) target_semaphore(%dma_start3A_13 : memref<!tpu.dma_semaphore, #tpu.memory_space<semaphore_mem>>)
    %dma_start3A_18 = arith.constant 0 : i32
    %dma_start3A_19 = arith.constant 0 : i32
    %dma_start3A_20 = arith.constant 0 : i32
    %dma_start3A_21 = tpu.memref_slice %arg9[%dma_start3A_18, %dma_start3A_20] : memref<3x80xi32, #tpu.memory_space<vmem>> -> memref<1x80xi32, #tpu.memory_space<vmem>>
    %dma_start3A_22 = tpu.memref_squeeze %dma_start3A_21 : memref<1x80xi32, #tpu.memory_space<vmem>> -> memref<80xi32, #tpu.memory_space<vmem>>
    %dma_start3A_23 = tpu.memref_slice %arg3[%add3A_6] : memref<322560xi32, #tpu.memory_space<hbm>> -> memref<80xi32, #tpu.memory_space<hbm>>
    %dma_start3A_24 = tpu.memref_slice %arg17[%dma_start3A_19] : memref<3x!tpu.dma_semaphore, #tpu.memory_space<semaphore_mem>> -> memref<1x!tpu.dma_semaphore, #tpu.memory_space<semaphore_mem>>
    %dma_start3A_25 = tpu.memref_squeeze %dma_start3A_24 : memref<1x!tpu.dma_semaphore, #tpu.memory_space<semaphore_mem>> -> memref<!tpu.dma_semaphore, #tpu.memory_space<semaphore_mem>>
    %dma_start3A_26 = arith.constant 0 : i32
    %dma_start3A_27 = tpu.memref_slice %arg9[%dma_start3A_18, %dma_start3A_26] : memref<3x80xi32, #tpu.memory_space<vmem>> -> memref<1x80xi32, #tpu.memory_space<vmem>>
    %dma_start3A_28 = tpu.memref_squeeze %dma_start3A_27 : memref<1x80xi32, #tpu.memory_space<vmem>> -> memref<80xi32, #tpu.memory_space<vmem>>
    %dma_start3A_29 = tpu.memref_slice %arg3[%add3A_6] : memref<322560xi32, #tpu.memory_space<hbm>> -> memref<80xi32, #tpu.memory_space<hbm>>
    tpu.enqueue_dma source(%dma_start3A_29 : memref<80xi32, #tpu.memory_space<hbm>>) target(%dma_start3A_28 : memref<80xi32, #tpu.memory_space<vmem>>) target_semaphore(%dma_start3A_25 : memref<!tpu.dma_semaphore, #tpu.memory_space<semaphore_mem>>)
    %add3A_30 = arith.constant 80 : i32
    %add3A_31 = arith.addi %mul3A_4, %add3A_30 : i32
    %dma_start3A_32 = arith.constant 1 : i32
    %dma_start3A_33 = arith.constant 1 : i32
    %dma_start3A_34 = arith.constant 0 : i32
    %dma_start3A_35 = tpu.memref_slice %arg8[%dma_start3A_32, %dma_start3A_34] : memref<3x80xi32, #tpu.memory_space<vmem>> -> memref<1x80xi32, #tpu.memory_space<vmem>>
    %dma_start3A_36 = tpu.memref_squeeze %dma_start3A_35 : memref<1x80xi32, #tpu.memory_space<vmem>> -> memref<80xi32, #tpu.memory_space<vmem>>
    %dma_start3A_37 = tpu.memref_slice %arg2[%add3A_31] : memref<322560xi32, #tpu.memory_space<hbm>> -> memref<80xi32, #tpu.memory_space<hbm>>
    %dma_start3A_38 = tpu.memref_slice %arg16[%dma_start3A_33] : memref<3x!tpu.dma_semaphore, #tpu.memory_space<semaphore_mem>> -> memref<1x!tpu.dma_semaphore, #tpu.memory_space<semaphore_mem>>
    %dma_start3A_39 = tpu.memref_squeeze %dma_start3A_38 : memref<1x!tpu.dma_semaphore, #tpu.memory_space<semaphore_mem>> -> memref<!tpu.dma_semaphore, #tpu.memory_space<semaphore_mem>>
    %dma_start3A_40 = arith.constant 0 : i32
    %dma_start3A_41 = tpu.memref_slice %arg8[%dma_start3A_32, %dma_start3A_40] : memref<3x80xi32, #tpu.memory_space<vmem>> -> memref<1x80xi32, #tpu.memory_space<vmem>>
    %dma_start3A_42 = tpu.memref_squeeze %dma_start3A_41 : memref<1x80xi32, #tpu.memory_space<vmem>> -> memref<80xi32, #tpu.memory_space<vmem>>
    %dma_start3A_43 = tpu.memref_slice %arg2[%add3A_31] : memref<322560xi32, #tpu.memory_space<hbm>> -> memref<80xi32, #tpu.memory_space<hbm>>
    tpu.enqueue_dma source(%dma_start3A_43 : memref<80xi32, #tpu.memory_space<hbm>>) target(%dma_start3A_42 : memref<80xi32, #tpu.memory_space<vmem>>) target_semaphore(%dma_start3A_39 : memref<!tpu.dma_semaphore, #tpu.memory_space<semaphore_mem>>)
    %dma_start3A_44 = arith.constant 1 : i32
    %dma_start3A_45 = arith.constant 1 : i32
    %dma_start3A_46 = arith.constant 0 : i32
    %dma_start3A_47 = tpu.memref_slice %arg9[%dma_start3A_44, %dma_start3A_46] : memref<3x80xi32, #tpu.memory_space<vmem>> -> memref<1x80xi32, #tpu.memory_space<vmem>>
    %dma_start3A_48 = tpu.memref_squeeze %dma_start3A_47 : memref<1x80xi32, #tpu.memory_space<vmem>> -> memref<80xi32, #tpu.memory_space<vmem>>
    %dma_start3A_49 = tpu.memref_slice %arg3[%add3A_31] : memref<322560xi32, #tpu.memory_space<hbm>> -> memref<80xi32, #tpu.memory_space<hbm>>
    %dma_start3A_50 = tpu.memref_slice %arg17[%dma_start3A_45] : memref<3x!tpu.dma_semaphore, #tpu.memory_space<semaphore_mem>> -> memref<1x!tpu.dma_semaphore, #tpu.memory_space<semaphore_mem>>
    %dma_start3A_51 = tpu.memref_squeeze %dma_start3A_50 : memref<1x!tpu.dma_semaphore, #tpu.memory_space<semaphore_mem>> -> memref<!tpu.dma_semaphore, #tpu.memory_space<semaphore_mem>>
    %dma_start3A_52 = arith.constant 0 : i32
    %dma_start3A_53 = tpu.memref_slice %arg9[%dma_start3A_44, %dma_start3A_52] : memref<3x80xi32, #tpu.memory_space<vmem>> -> memref<1x80xi32, #tpu.memory_space<vmem>>
    %dma_start3A_54 = tpu.memref_squeeze %dma_start3A_53 : memref<1x80xi32, #tpu.memory_space<vmem>> -> memref<80xi32, #tpu.memory_space<vmem>>
    %dma_start3A_55 = tpu.memref_slice %arg3[%add3A_31] : memref<322560xi32, #tpu.memory_space<hbm>> -> memref<80xi32, #tpu.memory_space<hbm>>
    tpu.enqueue_dma source(%dma_start3A_55 : memref<80xi32, #tpu.memory_space<hbm>>) target(%dma_start3A_54 : memref<80xi32, #tpu.memory_space<vmem>>) target_semaphore(%dma_start3A_51 : memref<!tpu.dma_semaphore, #tpu.memory_space<semaphore_mem>>)
    %dma_wait3A = arith.constant 0 : i32
    %dma_wait3A_56 = arith.constant 0 : i32
    %dma_wait3A_57 = arith.constant 0 : i32
    %dma_wait3A_58 = tpu.memref_slice %arg8[%dma_wait3A, %dma_wait3A_57] : memref<3x80xi32, #tpu.memory_space<vmem>> -> memref<1x80xi32, #tpu.memory_space<vmem>>
    %dma_wait3A_59 = tpu.memref_squeeze %dma_wait3A_58 : memref<1x80xi32, #tpu.memory_space<vmem>> -> memref<80xi32, #tpu.memory_space<vmem>>
    %dma_wait3A_60 = arith.constant 0 : i32
    %dma_wait3A_61 = tpu.memref_slice %arg2[%dma_wait3A_60] : memref<322560xi32, #tpu.memory_space<hbm>> -> memref<80xi32, #tpu.memory_space<hbm>>
    %dma_wait3A_62 = tpu.memref_slice %arg16[%dma_wait3A_56] : memref<3x!tpu.dma_semaphore, #tpu.memory_space<semaphore_mem>> -> memref<1x!tpu.dma_semaphore, #tpu.memory_space<semaphore_mem>>
    %dma_wait3A_63 = tpu.memref_squeeze %dma_wait3A_62 : memref<1x!tpu.dma_semaphore, #tpu.memory_space<semaphore_mem>> -> memref<!tpu.dma_semaphore, #tpu.memory_space<semaphore_mem>>
    %dma_wait3A_64 = arith.constant 0 : i32
    %dma_wait3A_65 = tpu.memref_slice %arg8[%dma_wait3A, %dma_wait3A_64] : memref<3x80xi32, #tpu.memory_space<vmem>> -> memref<1x80xi32, #tpu.memory_space<vmem>>
    %dma_wait3A_66 = tpu.memref_squeeze %dma_wait3A_65 : memref<1x80xi32, #tpu.memory_space<vmem>> -> memref<80xi32, #tpu.memory_space<vmem>>
    %dma_wait3A_67 = arith.constant 0 : i32
    %dma_wait3A_68 = tpu.memref_slice %arg2[%dma_wait3A_67] : memref<322560xi32, #tpu.memory_space<hbm>> -> memref<80xi32, #tpu.memory_space<hbm>>
    tpu.wait_dma2 semaphore(%dma_wait3A_63 : memref<!tpu.dma_semaphore, #tpu.memory_space<semaphore_mem>>) src(%dma_wait3A_68 : memref<80xi32, #tpu.memory_space<hbm>>) dst(%dma_wait3A_66 : memref<80xi32, #tpu.memory_space<vmem>>)
    %dma_wait3A_69 = arith.constant 0 : i32
    %dma_wait3A_70 = arith.constant 0 : i32
    %dma_wait3A_71 = arith.constant 0 : i32
    %dma_wait3A_72 = tpu.memref_slice %arg9[%dma_wait3A_69, %dma_wait3A_71] : memref<3x80xi32, #tpu.memory_space<vmem>> -> memref<1x80xi32, #tpu.memory_space<vmem>>
    %dma_wait3A_73 = tpu.memref_squeeze %dma_wait3A_72 : memref<1x80xi32, #tpu.memory_space<vmem>> -> memref<80xi32, #tpu.memory_space<vmem>>
    %dma_wait3A_74 = arith.constant 0 : i32
    %dma_wait3A_75 = tpu.memref_slice %arg3[%dma_wait3A_74] : memref<322560xi32, #tpu.memory_space<hbm>> -> memref<80xi32, #tpu.memory_space<hbm>>
    %dma_wait3A_76 = tpu.memref_slice %arg17[%dma_wait3A_70] : memref<3x!tpu.dma_semaphore, #tpu.memory_space<semaphore_mem>> -> memref<1x!tpu.dma_semaphore, #tpu.memory_space<semaphore_mem>>
    %dma_wait3A_77 = tpu.memref_squeeze %dma_wait3A_76 : memref<1x!tpu.dma_semaphore, #tpu.memory_space<semaphore_mem>> -> memref<!tpu.dma_semaphore, #tpu.memory_space<semaphore_mem>>
    %dma_wait3A_78 = arith.constant 0 : i32
    %dma_wait3A_79 = tpu.memref_slice %arg9[%dma_wait3A_69, %dma_wait3A_78] : memref<3x80xi32, #tpu.memory_space<vmem>> -> memref<1x80xi32, #tpu.memory_space<vmem>>
    %dma_wait3A_80 = tpu.memref_squeeze %dma_wait3A_79 : memref<1x80xi32, #tpu.memory_space<vmem>> -> memref<80xi32, #tpu.memory_space<vmem>>
    %dma_wait3A_81 = arith.constant 0 : i32
    %dma_wait3A_82 = tpu.memref_slice %arg3[%dma_wait3A_81] : memref<322560xi32, #tpu.memory_space<hbm>> -> memref<80xi32, #tpu.memory_space<hbm>>
    tpu.wait_dma2 semaphore(%dma_wait3A_77 : memref<!tpu.dma_semaphore, #tpu.memory_space<semaphore_mem>>) src(%dma_wait3A_82 : memref<80xi32, #tpu.memory_space<hbm>>) dst(%dma_wait3A_80 : memref<80xi32, #tpu.memory_space<vmem>>)
    %parallel_loop3A = arith.constant 0 : i32
    %parallel_loop3A_83 = arith.constant 5 : i32
    %parallel_loop3A_84 = arith.constant 1 : i32
    scf.for %parallel_loop3A_152 = %parallel_loop3A to %parallel_loop3A_83 step %parallel_loop3A_84  : i32 {
      %parallel_loop3A_153 = arith.constant 16 : i32
      %parallel_loop3A_154 = arith.muli %parallel_loop3A_152, %parallel_loop3A_153 : i32
      %parallel_loop3A_155 = arith.constant 0 : i32
      %parallel_loop3A_156 = arith.index_cast %parallel_loop3A_155 : i32 to index
      %parallel_loop3A_157 = arith.index_cast %parallel_loop3A_154 : i32 to index
      %parallel_loop3A_158 = tpu.vector_load %arg8[%parallel_loop3A_156, %parallel_loop3A_157] {strides = array<i32>} : memref<3x80xi32, #tpu.memory_space<vmem>>, vector<1x16xi32>,
      %parallel_loop3A_159 = vector.shape_cast %parallel_loop3A_158 : vector<1x16xi32> to vector<16xi32>
      %parallel_loop3A_160 = vector.broadcast %mul3A_0 : i32 to vector<16xi32>
      %parallel_loop3A_161 = arith.addi %parallel_loop3A_159, %parallel_loop3A_160 : vector<16xi32>
      %parallel_loop3A_162 = arith.constant 0 : i32
      %parallel_loop3A_163 = arith.index_cast %parallel_loop3A_162 : i32 to index
      %parallel_loop3A_164 = arith.index_cast %parallel_loop3A_154 : i32 to index
      %parallel_loop3A_165 = tpu.vector_load %arg10[%parallel_loop3A_163, %parallel_loop3A_164] {strides = array<i32>} : memref<3x80xi32, #tpu.memory_space<vmem>>, vector<1x16xi32>,
      %parallel_loop3A_166 = vector.shape_cast %parallel_loop3A_165 : vector<1x16xi32> to vector<16xi32>
      %parallel_loop3A_167 = vector.shape_cast %parallel_loop3A_161 : vector<16xi32> to vector<1x16xi32>
      tpu.vector_store %arg10[%parallel_loop3A_163, %parallel_loop3A_164], %parallel_loop3A_167 {strides = array<i32>} : memref<3x80xi32, #tpu.memory_space<vmem>>, vector<1x16xi32>,
      %parallel_loop3A_168 = arith.constant 0 : i32
      %parallel_loop3A_169 = arith.index_cast %parallel_loop3A_168 : i32 to index
      %parallel_loop3A_170 = arith.index_cast %parallel_loop3A_154 : i32 to index
      %parallel_loop3A_171 = tpu.vector_load %arg9[%parallel_loop3A_169, %parallel_loop3A_170] {strides = array<i32>} : memref<3x80xi32, #tpu.memory_space<vmem>>, vector<1x16xi32>,
      %parallel_loop3A_172 = vector.shape_cast %parallel_loop3A_171 : vector<1x16xi32> to vector<16xi32>
      %parallel_loop3A_173 = vector.broadcast %mul3A_0 : i32 to vector<16xi32>
      %parallel_loop3A_174 = arith.addi %parallel_loop3A_172, %parallel_loop3A_173 : vector<16xi32>
      %parallel_loop3A_175 = arith.constant 0 : i32
      %parallel_loop3A_176 = arith.index_cast %parallel_loop3A_175 : i32 to index
      %parallel_loop3A_177 = arith.index_cast %parallel_loop3A_154 : i32 to index
      %parallel_loop3A_178 = tpu.vector_load %arg11[%parallel_loop3A_176, %parallel_loop3A_177] {strides = array<i32>} : memref<3x80xi32, #tpu.memory_space<vmem>>, vector<1x16xi32>,
      %parallel_loop3A_179 = vector.shape_cast %parallel_loop3A_178 : vector<1x16xi32> to vector<16xi32>
      %parallel_loop3A_180 = vector.shape_cast %parallel_loop3A_174 : vector<16xi32> to vector<1x16xi32>
      tpu.vector_store %arg11[%parallel_loop3A_176, %parallel_loop3A_177], %parallel_loop3A_180 {strides = array<i32>} : memref<3x80xi32, #tpu.memory_space<vmem>>, vector<1x16xi32>,
      %parallel_loop3A_181 = arith.constant 0 : i32
      %parallel_loop3A_182 = arith.index_cast %parallel_loop3A_181 : i32 to index
      %parallel_loop3A_183 = arith.index_cast %parallel_loop3A_154 : i32 to index
      %parallel_loop3A_184 = tpu.vector_load %arg9[%parallel_loop3A_182, %parallel_loop3A_183] {strides = array<i32>} : memref<3x80xi32, #tpu.memory_space<vmem>>, vector<1x16xi32>,
      %parallel_loop3A_185 = vector.shape_cast %parallel_loop3A_184 : vector<1x16xi32> to vector<16xi32>
      %parallel_loop3A_186 = arith.constant 0 : i32
      %parallel_loop3A_187 = arith.index_cast %parallel_loop3A_186 : i32 to index
      %parallel_loop3A_188 = arith.index_cast %parallel_loop3A_154 : i32 to index
      %parallel_loop3A_189 = tpu.vector_load %arg12[%parallel_loop3A_187, %parallel_loop3A_188] {strides = array<i32>} : memref<3x80xi32, #tpu.memory_space<vmem>>, vector<1x16xi32>,
      %parallel_loop3A_190 = vector.shape_cast %parallel_loop3A_189 : vector<1x16xi32> to vector<16xi32>
      %parallel_loop3A_191 = vector.shape_cast %parallel_loop3A_185 : vector<16xi32> to vector<1x16xi32>
      tpu.vector_store %arg12[%parallel_loop3A_187, %parallel_loop3A_188], %parallel_loop3A_191 {strides = array<i32>} : memref<3x80xi32, #tpu.memory_space<vmem>>, vector<1x16xi32>,
    } {sc.loop_unroll_factor = 5 : i64, sc.parallel_access}
    %dma_start3A_85 = arith.constant 0 : i32
    %dma_start3A_86 = arith.constant 0 : i32
    %dma_start3A_87 = arith.constant 0 : i32
    %dma_start3A_88 = arith.constant 0 : i32
    %dma_start3A_89 = arith.constant 0 : i32
    %dma_start3A_90 = tpu.memref_slice %arg13[%dma_start3A_86, %dma_start3A_88, %dma_start3A_89] : memref<3x80x16xf32, #tpu.memory_space<vmem>> -> memref<1x80x16xf32, #tpu.memory_space<vmem>>
    %dma_start3A_91 = tpu.memref_squeeze %dma_start3A_90 : memref<1x80x16xf32, #tpu.memory_space<vmem>> -> memref<80x16xf32, #tpu.memory_space<vmem>>
    %dma_start3A_92 = arith.constant 0 : i32
    %dma_start3A_93 = tpu.memref_slice %arg11[%dma_start3A_85, %dma_start3A_92] : memref<3x80xi32, #tpu.memory_space<vmem>> -> memref<1x80xi32, #tpu.memory_space<vmem>>
    %dma_start3A_94 = tpu.memref_squeeze %dma_start3A_93 : memref<1x80xi32, #tpu.memory_space<vmem>> -> memref<80xi32, #tpu.memory_space<vmem>>
    %dma_start3A_95 = arith.constant 0 : i32
    %dma_start3A_96 = arith.constant 0 : i32
    %dma_start3A_97 = tpu.memref_slice %arg4[%dma_start3A_95, %dma_start3A_96] : memref<20224x16xf32, #tpu.memory_space<hbm>> -> memref<20224x16xf32, #tpu.memory_space<hbm>>
    %dma_start3A_98 = tpu.memref_slice %arg18[%dma_start3A_87] : memref<3x!tpu.dma_semaphore, #tpu.memory_space<semaphore_mem>> -> memref<1x!tpu.dma_semaphore, #tpu.memory_space<semaphore_mem>>
    %dma_start3A_99 = tpu.memref_squeeze %dma_start3A_98 : memref<1x!tpu.dma_semaphore, #tpu.memory_space<semaphore_mem>> -> memref<!tpu.dma_semaphore, #tpu.memory_space<semaphore_mem>>
    tpu.enqueue_indirect_dma source(%dma_start3A_97 : memref<20224x16xf32, #tpu.memory_space<hbm>>) target(%dma_start3A_91 : memref<80x16xf32, #tpu.memory_space<vmem>>) offsets(%dma_start3A_94 : memref<80xi32, #tpu.memory_space<vmem>>) semaphore(%dma_start3A_99 : memref<!tpu.dma_semaphore, #tpu.memory_space<semaphore_mem>>)
    %dma_start3A_100 = arith.constant 0 : i32
    %dma_start3A_101 = arith.constant 0 : i32
    %dma_start3A_102 = arith.constant 0 : i32
    %dma_start3A_103 = arith.constant 0 : i32
    %dma_start3A_104 = arith.constant 0 : i32
    %dma_start3A_105 = tpu.memref_slice %arg14[%dma_start3A_101, %dma_start3A_103, %dma_start3A_104] : memref<3x80x144xf32, #tpu.memory_space<vmem>> -> memref<1x80x144xf32, #tpu.memory_space<vmem>>
    %dma_start3A_106 = tpu.memref_squeeze %dma_start3A_105 : memref<1x80x144xf32, #tpu.memory_space<vmem>> -> memref<80x144xf32, #tpu.memory_space<vmem>>
    %dma_start3A_107 = arith.constant 0 : i32
    %dma_start3A_108 = tpu.memref_slice %arg10[%dma_start3A_100, %dma_start3A_107] : memref<3x80xi32, #tpu.memory_space<vmem>> -> memref<1x80xi32, #tpu.memory_space<vmem>>
    %dma_start3A_109 = tpu.memref_squeeze %dma_start3A_108 : memref<1x80xi32, #tpu.memory_space<vmem>> -> memref<80xi32, #tpu.memory_space<vmem>>
    %dma_start3A_110 = arith.constant 0 : i32
    %dma_start3A_111 = arith.constant 0 : i32
    %dma_start3A_112 = tpu.memref_slice %arg5[%dma_start3A_110, %dma_start3A_111] : memref<20224x144xf32, #tpu.memory_space<hbm>> -> memref<20224x144xf32, #tpu.memory_space<hbm>>
    %dma_start3A_113 = tpu.memref_slice %arg19[%dma_start3A_102] : memref<3x!tpu.dma_semaphore, #tpu.memory_space<semaphore_mem>> -> memref<1x!tpu.dma_semaphore, #tpu.memory_space<semaphore_mem>>
    %dma_start3A_114 = tpu.memref_squeeze %dma_start3A_113 : memref<1x!tpu.dma_semaphore, #tpu.memory_space<semaphore_mem>> -> memref<!tpu.dma_semaphore, #tpu.memory_space<semaphore_mem>>
    tpu.enqueue_indirect_dma source(%dma_start3A_112 : memref<20224x144xf32, #tpu.memory_space<hbm>>) target(%dma_start3A_106 : memref<80x144xf32, #tpu.memory_space<vmem>>) offsets(%dma_start3A_109 : memref<80xi32, #tpu.memory_space<vmem>>) semaphore(%dma_start3A_114 : memref<!tpu.dma_semaphore, #tpu.memory_space<semaphore_mem>>)
    %scan3A = arith.constant 0 : i32
    %scan3A_115 = arith.constant 0 : i32
    %scan3A_116 = arith.constant 84 : i32
    %scan3A_117 = arith.addi %scan3A_115, %scan3A_116 : i32
    %scan3A_118 = arith.constant 1 : i32
    scf.for %scan3A_152 = %scan3A_115 to %scan3A_117 step %scan3A_118  : i32 {
      %mul3A_153 = arith.constant 3 : i32
      %mul3A_154 = arith.muli %mul3A_153, %scan3A_152 : i32
      %lt3A = arith.constant 251 : i32
      %lt3A_155 = arith.cmpi slt, %mul3A_154, %lt3A : i32
      %convert_element_type3A = arith.extui %lt3A_155 : i1 to i32
      %cond3A = arith.constant 0 : i32
      %cond3A_156 = arith.cmpi ne, %convert_element_type3A, %cond3A : i32
      scf.if %cond3A_156 {
        %dma_wait3A_372 = arith.constant 1 : i32
        %dma_wait3A_373 = arith.constant 1 : i32
        %dma_wait3A_374 = arith.constant 0 : i32
        %dma_wait3A_375 = tpu.memref_slice %arg8[%dma_wait3A_372, %dma_wait3A_374] : memref<3x80xi32, #tpu.memory_space<vmem>> -> memref<1x80xi32, #tpu.memory_space<vmem>>
        %dma_wait3A_376 = tpu.memref_squeeze %dma_wait3A_375 : memref<1x80xi32, #tpu.memory_space<vmem>> -> memref<80xi32, #tpu.memory_space<vmem>>
        %dma_wait3A_377 = arith.constant 0 : i32
        %dma_wait3A_378 = tpu.memref_slice %arg2[%dma_wait3A_377] : memref<322560xi32, #tpu.memory_space<hbm>> -> memref<80xi32, #tpu.memory_space<hbm>>
        %dma_wait3A_379 = tpu.memref_slice %arg16[%dma_wait3A_373] : memref<3x!tpu.dma_semaphore, #tpu.memory_space<semaphore_mem>> -> memref<1x!tpu.dma_semaphore, #tpu.memory_space<semaphore_mem>>
        %dma_wait3A_380 = tpu.memref_squeeze %dma_wait3A_379 : memref<1x!tpu.dma_semaphore, #tpu.memory_space<semaphore_mem>> -> memref<!tpu.dma_semaphore, #tpu.memory_space<semaphore_mem>>
        %dma_wait3A_381 = arith.constant 0 : i32
        %dma_wait3A_382 = tpu.memref_slice %arg8[%dma_wait3A_372, %dma_wait3A_381] : memref<3x80xi32, #tpu.memory_space<vmem>> -> memref<1x80xi32, #tpu.memory_space<vmem>>
        %dma_wait3A_383 = tpu.memref_squeeze %dma_wait3A_382 : memref<1x80xi32, #tpu.memory_space<vmem>> -> memref<80xi32, #tpu.memory_space<vmem>>
        %dma_wait3A_384 = arith.constant 0 : i32
        %dma_wait3A_385 = tpu.memref_slice %arg2[%dma_wait3A_384] : memref<322560xi32, #tpu.memory_space<hbm>> -> memref<80xi32, #tpu.memory_space<hbm>>
        tpu.wait_dma2 semaphore(%dma_wait3A_380 : memref<!tpu.dma_semaphore, #tpu.memory_space<semaphore_mem>>) src(%dma_wait3A_385 : memref<80xi32, #tpu.memory_space<hbm>>) dst(%dma_wait3A_383 : memref<80xi32, #tpu.memory_space<vmem>>)
        %dma_wait3A_386 = arith.constant 1 : i32
        %dma_wait3A_387 = arith.constant 1 : i32
        %dma_wait3A_388 = arith.constant 0 : i32
        %dma_wait3A_389 = tpu.memref_slice %arg9[%dma_wait3A_386, %dma_wait3A_388] : memref<3x80xi32, #tpu.memory_space<vmem>> -> memref<1x80xi32, #tpu.memory_space<vmem>>
        %dma_wait3A_390 = tpu.memref_squeeze %dma_wait3A_389 : memref<1x80xi32, #tpu.memory_space<vmem>> -> memref<80xi32, #tpu.memory_space<vmem>>
        %dma_wait3A_391 = arith.constant 0 : i32
        %dma_wait3A_392 = tpu.memref_slice %arg3[%dma_wait3A_391] : memref<322560xi32, #tpu.memory_space<hbm>> -> memref<80xi32, #tpu.memory_space<hbm>>
        %dma_wait3A_393 = tpu.memref_slice %arg17[%dma_wait3A_387] : memref<3x!tpu.dma_semaphore, #tpu.memory_space<semaphore_mem>> -> memref<1x!tpu.dma_semaphore, #tpu.memory_space<semaphore_mem>>
        %dma_wait3A_394 = tpu.memref_squeeze %dma_wait3A_393 : memref<1x!tpu.dma_semaphore, #tpu.memory_space<semaphore_mem>> -> memref<!tpu.dma_semaphore, #tpu.memory_space<semaphore_mem>>
        %dma_wait3A_395 = arith.constant 0 : i32
        %dma_wait3A_396 = tpu.memref_slice %arg9[%dma_wait3A_386, %dma_wait3A_395] : memref<3x80xi32, #tpu.memory_space<vmem>> -> memref<1x80xi32, #tpu.memory_space<vmem>>
        %dma_wait3A_397 = tpu.memref_squeeze %dma_wait3A_396 : memref<1x80xi32, #tpu.memory_space<vmem>> -> memref<80xi32, #tpu.memory_space<vmem>>
        %dma_wait3A_398 = arith.constant 0 : i32
        %dma_wait3A_399 = tpu.memref_slice %arg3[%dma_wait3A_398] : memref<322560xi32, #tpu.memory_space<hbm>> -> memref<80xi32, #tpu.memory_space<hbm>>
        tpu.wait_dma2 semaphore(%dma_wait3A_394 : memref<!tpu.dma_semaphore, #tpu.memory_space<semaphore_mem>>) src(%dma_wait3A_399 : memref<80xi32, #tpu.memory_space<hbm>>) dst(%dma_wait3A_397 : memref<80xi32, #tpu.memory_space<vmem>>)
      } else {
      }
      %ge3A = arith.constant 2 : i32
      %ge3A_157 = arith.cmpi sge, %mul3A_154, %ge3A : i32
      %convert_element_type3A_158 = arith.extui %ge3A_157 : i1 to i32
      %cond3A_159 = arith.constant 0 : i32
      %cond3A_160 = arith.cmpi ne, %convert_element_type3A_158, %cond3A_159 : i32
      scf.if %cond3A_160 {
        %dma_wait3A_372 = arith.constant 1 : i32
        %dma_wait3A_373 = arith.constant 1 : i32
        %dma_wait3A_374 = arith.constant 1 : i32
        %dma_wait3A_375 = arith.constant 0 : i32
        %dma_wait3A_376 = arith.constant 0 : i32
        %dma_wait3A_377 = tpu.memref_slice %arg14[%dma_wait3A_372, %dma_wait3A_375, %dma_wait3A_376] : memref<3x80x144xf32, #tpu.memory_space<vmem>> -> memref<1x80x144xf32, #tpu.memory_space<vmem>>
        %dma_wait3A_378 = tpu.memref_squeeze %dma_wait3A_377 : memref<1x80x144xf32, #tpu.memory_space<vmem>> -> memref<80x144xf32, #tpu.memory_space<vmem>>
        %dma_wait3A_379 = arith.constant 0 : i32
        %dma_wait3A_380 = tpu.memref_slice %arg12[%dma_wait3A_373, %dma_wait3A_379] : memref<3x80xi32, #tpu.memory_space<vmem>> -> memref<1x80xi32, #tpu.memory_space<vmem>>
        %dma_wait3A_381 = tpu.memref_squeeze %dma_wait3A_380 : memref<1x80xi32, #tpu.memory_space<vmem>> -> memref<80xi32, #tpu.memory_space<vmem>>
        %dma_wait3A_382 = arith.constant 0 : i32
        %dma_wait3A_383 = arith.constant 0 : i32
        %dma_wait3A_384 = tpu.memref_slice %arg15[%dma_wait3A_382, %dma_wait3A_383] : memref<10112x144xf32, #tpu.memory_space<vmem_shared>> -> memref<10112x144xf32, #tpu.memory_space<vmem_shared>>
        %dma_wait3A_385 = tpu.memref_slice %arg20[%dma_wait3A_374] : memref<3x!tpu.dma_semaphore, #tpu.memory_space<semaphore_mem>> -> memref<1x!tpu.dma_semaphore, #tpu.memory_space<semaphore_mem>>
        %dma_wait3A_386 = tpu.memref_squeeze %dma_wait3A_385 : memref<1x!tpu.dma_semaphore, #tpu.memory_space<semaphore_mem>> -> memref<!tpu.dma_semaphore, #tpu.memory_space<semaphore_mem>>
        tpu.wait_indirect_dma semaphore(%dma_wait3A_386 : memref<!tpu.dma_semaphore, #tpu.memory_space<semaphore_mem>>) src(%dma_wait3A_378 : memref<80x144xf32, #tpu.memory_space<vmem>>) dst(%dma_wait3A_384 : memref<10112x144xf32, #tpu.memory_space<vmem_shared>>)
      } else {
      }
      %lt3A_161 = arith.constant 251 : i32
      %lt3A_162 = arith.cmpi slt, %mul3A_154, %lt3A_161 : i32
      %convert_element_type3A_163 = arith.extui %lt3A_162 : i1 to i32
      %cond3A_164 = arith.constant 0 : i32
      %cond3A_165 = arith.cmpi ne, %convert_element_type3A_163, %cond3A_164 : i32
      scf.if %cond3A_165 {
        %parallel_loop3A_372 = arith.constant 0 : i32
        %parallel_loop3A_373 = arith.constant 5 : i32
        %parallel_loop3A_374 = arith.constant 1 : i32
        scf.for %parallel_loop3A_405 = %parallel_loop3A_372 to %parallel_loop3A_373 step %parallel_loop3A_374  : i32 {
          %parallel_loop3A_406 = arith.constant 16 : i32
          %parallel_loop3A_407 = arith.muli %parallel_loop3A_405, %parallel_loop3A_406 : i32
          %parallel_loop3A_408 = arith.constant 1 : i32
          %parallel_loop3A_409 = arith.index_cast %parallel_loop3A_408 : i32 to index
          %parallel_loop3A_410 = arith.index_cast %parallel_loop3A_407 : i32 to index
          %parallel_loop3A_411 = tpu.vector_load %arg8[%parallel_loop3A_409, %parallel_loop3A_410] {strides = array<i32>} : memref<3x80xi32, #tpu.memory_space<vmem>>, vector<1x16xi32>,
          %parallel_loop3A_412 = vector.shape_cast %parallel_loop3A_411 : vector<1x16xi32> to vector<16xi32>
          %parallel_loop3A_413 = vector.broadcast %mul3A_0 : i32 to vector<16xi32>
          %parallel_loop3A_414 = arith.addi %parallel_loop3A_412, %parallel_loop3A_413 : vector<16xi32>
          %parallel_loop3A_415 = arith.constant 1 : i32
          %parallel_loop3A_416 = arith.index_cast %parallel_loop3A_415 : i32 to index
          %parallel_loop3A_417 = arith.index_cast %parallel_loop3A_407 : i32 to index
          %parallel_loop3A_418 = tpu.vector_load %arg10[%parallel_loop3A_416, %parallel_loop3A_417] {strides = array<i32>} : memref<3x80xi32, #tpu.memory_space<vmem>>, vector<1x16xi32>,
          %parallel_loop3A_419 = vector.shape_cast %parallel_loop3A_418 : vector<1x16xi32> to vector<16xi32>
          %parallel_loop3A_420 = vector.shape_cast %parallel_loop3A_414 : vector<16xi32> to vector<1x16xi32>
          tpu.vector_store %arg10[%parallel_loop3A_416, %parallel_loop3A_417], %parallel_loop3A_420 {strides = array<i32>} : memref<3x80xi32, #tpu.memory_space<vmem>>, vector<1x16xi32>,
          %parallel_loop3A_421 = arith.constant 1 : i32
          %parallel_loop3A_422 = arith.index_cast %parallel_loop3A_421 : i32 to index
          %parallel_loop3A_423 = arith.index_cast %parallel_loop3A_407 : i32 to index
          %parallel_loop3A_424 = tpu.vector_load %arg9[%parallel_loop3A_422, %parallel_loop3A_423] {strides = array<i32>} : memref<3x80xi32, #tpu.memory_space<vmem>>, vector<1x16xi32>,
          %parallel_loop3A_425 = vector.shape_cast %parallel_loop3A_424 : vector<1x16xi32> to vector<16xi32>
          %parallel_loop3A_426 = vector.broadcast %mul3A_0 : i32 to vector<16xi32>
          %parallel_loop3A_427 = arith.addi %parallel_loop3A_425, %parallel_loop3A_426 : vector<16xi32>
          %parallel_loop3A_428 = arith.constant 1 : i32
          %parallel_loop3A_429 = arith.index_cast %parallel_loop3A_428 : i32 to index
          %parallel_loop3A_430 = arith.index_cast %parallel_loop3A_407 : i32 to index
          %parallel_loop3A_431 = tpu.vector_load %arg11[%parallel_loop3A_429, %parallel_loop3A_430] {strides = array<i32>} : memref<3x80xi32, #tpu.memory_space<vmem>>, vector<1x16xi32>,
          %parallel_loop3A_432 = vector.shape_cast %parallel_loop3A_431 : vector<1x16xi32> to vector<16xi32>
          %parallel_loop3A_433 = vector.shape_cast %parallel_loop3A_427 : vector<16xi32> to vector<1x16xi32>
          tpu.vector_store %arg11[%parallel_loop3A_429, %parallel_loop3A_430], %parallel_loop3A_433 {strides = array<i32>} : memref<3x80xi32, #tpu.memory_space<vmem>>, vector<1x16xi32>,
          %parallel_loop3A_434 = arith.constant 1 : i32
          %parallel_loop3A_435 = arith.index_cast %parallel_loop3A_434 : i32 to index
          %parallel_loop3A_436 = arith.index_cast %parallel_loop3A_407 : i32 to index
          %parallel_loop3A_437 = tpu.vector_load %arg9[%parallel_loop3A_435, %parallel_loop3A_436] {strides = array<i32>} : memref<3x80xi32, #tpu.memory_space<vmem>>, vector<1x16xi32>,
          %parallel_loop3A_438 = vector.shape_cast %parallel_loop3A_437 : vector<1x16xi32> to vector<16xi32>
          %parallel_loop3A_439 = arith.constant 1 : i32
          %parallel_loop3A_440 = arith.index_cast %parallel_loop3A_439 : i32 to index
          %parallel_loop3A_441 = arith.index_cast %parallel_loop3A_407 : i32 to index
          %parallel_loop3A_442 = tpu.vector_load %arg12[%parallel_loop3A_440, %parallel_loop3A_441] {strides = array<i32>} : memref<3x80xi32, #tpu.memory_space<vmem>>, vector<1x16xi32>,
          %parallel_loop3A_443 = vector.shape_cast %parallel_loop3A_442 : vector<1x16xi32> to vector<16xi32>
          %parallel_loop3A_444 = vector.shape_cast %parallel_loop3A_438 : vector<16xi32> to vector<1x16xi32>
          tpu.vector_store %arg12[%parallel_loop3A_440, %parallel_loop3A_441], %parallel_loop3A_444 {strides = array<i32>} : memref<3x80xi32, #tpu.memory_space<vmem>>, vector<1x16xi32>,
        } {sc.loop_unroll_factor = 5 : i64, sc.parallel_access}
        %dma_start3A_375 = arith.constant 1 : i32
        %dma_start3A_376 = arith.constant 1 : i32
        %dma_start3A_377 = arith.constant 1 : i32
        %dma_start3A_378 = arith.constant 0 : i32
        %dma_start3A_379 = arith.constant 0 : i32
        %dma_start3A_380 = tpu.memref_slice %arg13[%dma_start3A_376, %dma_start3A_378, %dma_start3A_379] : memref<3x80x16xf32, #tpu.memory_space<vmem>> -> memref<1x80x16xf32, #tpu.memory_space<vmem>>
        %dma_start3A_381 = tpu.memref_squeeze %dma_start3A_380 : memref<1x80x16xf32, #tpu.memory_space<vmem>> -> memref<80x16xf32, #tpu.memory_space<vmem>>
        %dma_start3A_382 = arith.constant 0 : i32
        %dma_start3A_383 = tpu.memref_slice %arg11[%dma_start3A_375, %dma_start3A_382] : memref<3x80xi32, #tpu.memory_space<vmem>> -> memref<1x80xi32, #tpu.memory_space<vmem>>
        %dma_start3A_384 = tpu.memref_squeeze %dma_start3A_383 : memref<1x80xi32, #tpu.memory_space<vmem>> -> memref<80xi32, #tpu.memory_space<vmem>>
        %dma_start3A_385 = arith.constant 0 : i32
        %dma_start3A_386 = arith.constant 0 : i32
        %dma_start3A_387 = tpu.memref_slice %arg4[%dma_start3A_385, %dma_start3A_386] : memref<20224x16xf32, #tpu.memory_space<hbm>> -> memref<20224x16xf32, #tpu.memory_space<hbm>>
        %dma_start3A_388 = tpu.memref_slice %arg18[%dma_start3A_377] : memref<3x!tpu.dma_semaphore, #tpu.memory_space<semaphore_mem>> -> memref<1x!tpu.dma_semaphore, #tpu.memory_space<semaphore_mem>>
        %dma_start3A_389 = tpu.memref_squeeze %dma_start3A_388 : memref<1x!tpu.dma_semaphore, #tpu.memory_space<semaphore_mem>> -> memref<!tpu.dma_semaphore, #tpu.memory_space<semaphore_mem>>
        tpu.enqueue_indirect_dma source(%dma_start3A_387 : memref<20224x16xf32, #tpu.memory_space<hbm>>) target(%dma_start3A_381 : memref<80x16xf32, #tpu.memory_space<vmem>>) offsets(%dma_start3A_384 : memref<80xi32, #tpu.memory_space<vmem>>) semaphore(%dma_start3A_389 : memref<!tpu.dma_semaphore, #tpu.memory_space<semaphore_mem>>)
        %dma_start3A_390 = arith.constant 1 : i32
        %dma_start3A_391 = arith.constant 1 : i32
        %dma_start3A_392 = arith.constant 1 : i32
        %dma_start3A_393 = arith.constant 0 : i32
        %dma_start3A_394 = arith.constant 0 : i32
        %dma_start3A_395 = tpu.memref_slice %arg14[%dma_start3A_391, %dma_start3A_393, %dma_start3A_394] : memref<3x80x144xf32, #tpu.memory_space<vmem>> -> memref<1x80x144xf32, #tpu.memory_space<vmem>>
        %dma_start3A_396 = tpu.memref_squeeze %dma_start3A_395 : memref<1x80x144xf32, #tpu.memory_space<vmem>> -> memref<80x144xf32, #tpu.memory_space<vmem>>
        %dma_start3A_397 = arith.constant 0 : i32
        %dma_start3A_398 = tpu.memref_slice %arg10[%dma_start3A_390, %dma_start3A_397] : memref<3x80xi32, #tpu.memory_space<vmem>> -> memref<1x80xi32, #tpu.memory_space<vmem>>
        %dma_start3A_399 = tpu.memref_squeeze %dma_start3A_398 : memref<1x80xi32, #tpu.memory_space<vmem>> -> memref<80xi32, #tpu.memory_space<vmem>>
        %dma_start3A_400 = arith.constant 0 : i32
        %dma_start3A_401 = arith.constant 0 : i32
        %dma_start3A_402 = tpu.memref_slice %arg5[%dma_start3A_400, %dma_start3A_401] : memref<20224x144xf32, #tpu.memory_space<hbm>> -> memref<20224x144xf32, #tpu.memory_space<hbm>>
        %dma_start3A_403 = tpu.memref_slice %arg19[%dma_start3A_392] : memref<3x!tpu.dma_semaphore, #tpu.memory_space<semaphore_mem>> -> memref<1x!tpu.dma_semaphore, #tpu.memory_space<semaphore_mem>>
        %dma_start3A_404 = tpu.memref_squeeze %dma_start3A_403 : memref<1x!tpu.dma_semaphore, #tpu.memory_space<semaphore_mem>> -> memref<!tpu.dma_semaphore, #tpu.memory_space<semaphore_mem>>
        tpu.enqueue_indirect_dma source(%dma_start3A_402 : memref<20224x144xf32, #tpu.memory_space<hbm>>) target(%dma_start3A_396 : memref<80x144xf32, #tpu.memory_space<vmem>>) offsets(%dma_start3A_399 : memref<80xi32, #tpu.memory_space<vmem>>) semaphore(%dma_start3A_404 : memref<!tpu.dma_semaphore, #tpu.memory_space<semaphore_mem>>)
      } else {
      }
      %lt3A_166 = arith.constant 250 : i32
      %lt3A_167 = arith.cmpi slt, %mul3A_154, %lt3A_166 : i32
      %convert_element_type3A_168 = arith.extui %lt3A_167 : i1 to i32
      %cond3A_169 = arith.constant 0 : i32
      %cond3A_170 = arith.cmpi ne, %convert_element_type3A_168, %cond3A_169 : i32
      scf.if %cond3A_170 {
        %add3A_372 = arith.constant 2 : i32
        %add3A_373 = arith.addi %mul3A_154, %add3A_372 : i32
        %mul3A_374 = arith.constant 80 : i32
        %mul3A_375 = arith.muli %add3A_373, %mul3A_374 : i32
        %add3A_376 = arith.addi %mul3A_4, %mul3A_375 : i32
        %dma_start3A_377 = arith.constant 2 : i32
        %dma_start3A_378 = arith.constant 2 : i32
        %dma_start3A_379 = arith.constant 0 : i32
        %dma_start3A_380 = tpu.memref_slice %arg8[%dma_start3A_377, %dma_start3A_379] : memref<3x80xi32, #tpu.memory_space<vmem>> -> memref<1x80xi32, #tpu.memory_space<vmem>>
        %dma_start3A_381 = tpu.memref_squeeze %dma_start3A_380 : memref<1x80xi32, #tpu.memory_space<vmem>> -> memref<80xi32, #tpu.memory_space<vmem>>
        %dma_start3A_382 = tpu.memref_slice %arg2[%add3A_376] : memref<322560xi32, #tpu.memory_space<hbm>> -> memref<80xi32, #tpu.memory_space<hbm>>
        %dma_start3A_383 = tpu.memref_slice %arg16[%dma_start3A_378] : memref<3x!tpu.dma_semaphore, #tpu.memory_space<semaphore_mem>> -> memref<1x!tpu.dma_semaphore, #tpu.memory_space<semaphore_mem>>
        %dma_start3A_384 = tpu.memref_squeeze %dma_start3A_383 : memref<1x!tpu.dma_semaphore, #tpu.memory_space<semaphore_mem>> -> memref<!tpu.dma_semaphore, #tpu.memory_space<semaphore_mem>>
        %dma_start3A_385 = arith.constant 0 : i32
        %dma_start3A_386 = tpu.memref_slice %arg8[%dma_start3A_377, %dma_start3A_385] : memref<3x80xi32, #tpu.memory_space<vmem>> -> memref<1x80xi32, #tpu.memory_space<vmem>>
        %dma_start3A_387 = tpu.memref_squeeze %dma_start3A_386 : memref<1x80xi32, #tpu.memory_space<vmem>> -> memref<80xi32, #tpu.memory_space<vmem>>
        %dma_start3A_388 = tpu.memref_slice %arg2[%add3A_376] : memref<322560xi32, #tpu.memory_space<hbm>> -> memref<80xi32, #tpu.memory_space<hbm>>
        tpu.enqueue_dma source(%dma_start3A_388 : memref<80xi32, #tpu.memory_space<hbm>>) target(%dma_start3A_387 : memref<80xi32, #tpu.memory_space<vmem>>) target_semaphore(%dma_start3A_384 : memref<!tpu.dma_semaphore, #tpu.memory_space<semaphore_mem>>)
        %dma_start3A_389 = arith.constant 2 : i32
        %dma_start3A_390 = arith.constant 2 : i32
        %dma_start3A_391 = arith.constant 0 : i32
        %dma_start3A_392 = tpu.memref_slice %arg9[%dma_start3A_389, %dma_start3A_391] : memref<3x80xi32, #tpu.memory_space<vmem>> -> memref<1x80xi32, #tpu.memory_space<vmem>>
        %dma_start3A_393 = tpu.memref_squeeze %dma_start3A_392 : memref<1x80xi32, #tpu.memory_space<vmem>> -> memref<80xi32, #tpu.memory_space<vmem>>
        %dma_start3A_394 = tpu.memref_slice %arg3[%add3A_376] : memref<322560xi32, #tpu.memory_space<hbm>> -> memref<80xi32, #tpu.memory_space<hbm>>
        %dma_start3A_395 = tpu.memref_slice %arg17[%dma_start3A_390] : memref<3x!tpu.dma_semaphore, #tpu.memory_space<semaphore_mem>> -> memref<1x!tpu.dma_semaphore, #tpu.memory_space<semaphore_mem>>
        %dma_start3A_396 = tpu.memref_squeeze %dma_start3A_395 : memref<1x!tpu.dma_semaphore, #tpu.memory_space<semaphore_mem>> -> memref<!tpu.dma_semaphore, #tpu.memory_space<semaphore_mem>>
        %dma_start3A_397 = arith.constant 0 : i32
        %dma_start3A_398 = tpu.memref_slice %arg9[%dma_start3A_389, %dma_start3A_397] : memref<3x80xi32, #tpu.memory_space<vmem>> -> memref<1x80xi32, #tpu.memory_space<vmem>>
        %dma_start3A_399 = tpu.memref_squeeze %dma_start3A_398 : memref<1x80xi32, #tpu.memory_space<vmem>> -> memref<80xi32, #tpu.memory_space<vmem>>
        %dma_start3A_400 = tpu.memref_slice %arg3[%add3A_376] : memref<322560xi32, #tpu.memory_space<hbm>> -> memref<80xi32, #tpu.memory_space<hbm>>
        tpu.enqueue_dma source(%dma_start3A_400 : memref<80xi32, #tpu.memory_space<hbm>>) target(%dma_start3A_399 : memref<80xi32, #tpu.memory_space<vmem>>) target_semaphore(%dma_start3A_396 : memref<!tpu.dma_semaphore, #tpu.memory_space<semaphore_mem>>)
      } else {
      }
      %dma_wait3A_171 = arith.constant 0 : i32
      %dma_wait3A_172 = arith.constant 0 : i32
      %dma_wait3A_173 = arith.constant 0 : i32
      %dma_wait3A_174 = arith.constant 0 : i32
      %dma_wait3A_175 = arith.constant 0 : i32
      %dma_wait3A_176 = tpu.memref_slice %arg13[%dma_wait3A_172, %dma_wait3A_174, %dma_wait3A_175] : memref<3x80x16xf32, #tpu.memory_space<vmem>> -> memref<1x80x16xf32, #tpu.memory_space<vmem>>
      %dma_wait3A_177 = tpu.memref_squeeze %dma_wait3A_176 : memref<1x80x16xf32, #tpu.memory_space<vmem>> -> memref<80x16xf32, #tpu.memory_space<vmem>>
      %dma_wait3A_178 = arith.constant 0 : i32
      %dma_wait3A_179 = tpu.memref_slice %arg11[%dma_wait3A_171, %dma_wait3A_178] : memref<3x80xi32, #tpu.memory_space<vmem>> -> memref<1x80xi32, #tpu.memory_space<vmem>>
      %dma_wait3A_180 = tpu.memref_squeeze %dma_wait3A_179 : memref<1x80xi32, #tpu.memory_space<vmem>> -> memref<80xi32, #tpu.memory_space<vmem>>
      %dma_wait3A_181 = arith.constant 0 : i32
      %dma_wait3A_182 = arith.constant 0 : i32
      %dma_wait3A_183 = tpu.memref_slice %arg4[%dma_wait3A_181, %dma_wait3A_182] : memref<20224x16xf32, #tpu.memory_space<hbm>> -> memref<20224x16xf32, #tpu.memory_space<hbm>>
      %dma_wait3A_184 = tpu.memref_slice %arg18[%dma_wait3A_173] : memref<3x!tpu.dma_semaphore, #tpu.memory_space<semaphore_mem>> -> memref<1x!tpu.dma_semaphore, #tpu.memory_space<semaphore_mem>>
      %dma_wait3A_185 = tpu.memref_squeeze %dma_wait3A_184 : memref<1x!tpu.dma_semaphore, #tpu.memory_space<semaphore_mem>> -> memref<!tpu.dma_semaphore, #tpu.memory_space<semaphore_mem>>
      tpu.wait_indirect_dma semaphore(%dma_wait3A_185 : memref<!tpu.dma_semaphore, #tpu.memory_space<semaphore_mem>>) src(%dma_wait3A_183 : memref<20224x16xf32, #tpu.memory_space<hbm>>) dst(%dma_wait3A_177 : memref<80x16xf32, #tpu.memory_space<vmem>>)
      %dma_wait3A_186 = arith.constant 0 : i32
      %dma_wait3A_187 = arith.constant 0 : i32
      %dma_wait3A_188 = arith.constant 0 : i32
      %dma_wait3A_189 = arith.constant 0 : i32
      %dma_wait3A_190 = arith.constant 0 : i32
      %dma_wait3A_191 = tpu.memref_slice %arg14[%dma_wait3A_187, %dma_wait3A_189, %dma_wait3A_190] : memref<3x80x144xf32, #tpu.memory_space<vmem>> -> memref<1x80x144xf32, #tpu.memory_space<vmem>>
      %dma_wait3A_192 = tpu.memref_squeeze %dma_wait3A_191 : memref<1x80x144xf32, #tpu.memory_space<vmem>> -> memref<80x144xf32, #tpu.memory_space<vmem>>
      %dma_wait3A_193 = arith.constant 0 : i32
      %dma_wait3A_194 = tpu.memref_slice %arg10[%dma_wait3A_186, %dma_wait3A_193] : memref<3x80xi32, #tpu.memory_space<vmem>> -> memref<1x80xi32, #tpu.memory_space<vmem>>
      %dma_wait3A_195 = tpu.memref_squeeze %dma_wait3A_194 : memref<1x80xi32, #tpu.memory_space<vmem>> -> memref<80xi32, #tpu.memory_space<vmem>>
      %dma_wait3A_196 = arith.constant 0 : i32
      %dma_wait3A_197 = arith.constant 0 : i32
      %dma_wait3A_198 = tpu.memref_slice %arg5[%dma_wait3A_196, %dma_wait3A_197] : memref<20224x144xf32, #tpu.memory_space<hbm>> -> memref<20224x144xf32, #tpu.memory_space<hbm>>
      %dma_wait3A_199 = tpu.memref_slice %arg19[%dma_wait3A_188] : memref<3x!tpu.dma_semaphore, #tpu.memory_space<semaphore_mem>> -> memref<1x!tpu.dma_semaphore, #tpu.memory_space<semaphore_mem>>
      %dma_wait3A_200 = tpu.memref_squeeze %dma_wait3A_199 : memref<1x!tpu.dma_semaphore, #tpu.memory_space<semaphore_mem>> -> memref<!tpu.dma_semaphore, #tpu.memory_space<semaphore_mem>>
      tpu.wait_indirect_dma semaphore(%dma_wait3A_200 : memref<!tpu.dma_semaphore, #tpu.memory_space<semaphore_mem>>) src(%dma_wait3A_198 : memref<20224x144xf32, #tpu.memory_space<hbm>>) dst(%dma_wait3A_192 : memref<80x144xf32, #tpu.memory_space<vmem>>)
      %parallel_loop3A_201 = arith.constant 0 : i32
      %parallel_loop3A_202 = arith.constant 80 : i32
      %parallel_loop3A_203 = arith.constant 1 : i32
      scf.for %parallel_loop3A_372 = %parallel_loop3A_201 to %parallel_loop3A_202 step %parallel_loop3A_203  : i32 {
        %parallel_loop3A_373 = arith.constant 0 : i32
        %parallel_loop3A_374 = arith.index_cast %parallel_loop3A_373 : i32 to index
        %parallel_loop3A_375 = arith.index_cast %parallel_loop3A_372 : i32 to index
        %parallel_loop3A_376 = arith.constant 128 : index
        %parallel_loop3A_377 = tpu.vector_load %arg14[%parallel_loop3A_374, %parallel_loop3A_375, %parallel_loop3A_376] {strides = array<i32>} : memref<3x80x144xf32, #tpu.memory_space<vmem>>, vector<1x1x16xf32>,
        %parallel_loop3A_378 = vector.shape_cast %parallel_loop3A_377 : vector<1x1x16xf32> to vector<16xf32>
        %parallel_loop3A_379 = arith.constant 0 : i32
        %parallel_loop3A_380 = arith.index_cast %parallel_loop3A_379 : i32 to index
        %parallel_loop3A_381 = arith.index_cast %parallel_loop3A_372 : i32 to index
        %parallel_loop3A_382 = arith.constant 0 : index
        %parallel_loop3A_383 = tpu.vector_load %arg13[%parallel_loop3A_380, %parallel_loop3A_381, %parallel_loop3A_382] {strides = array<i32>} : memref<3x80x16xf32, #tpu.memory_space<vmem>>, vector<1x1x16xf32>,
        %parallel_loop3A_384 = vector.shape_cast %parallel_loop3A_383 : vector<1x1x16xf32> to vector<16xf32>
        %parallel_loop3A_385 = arith.addf %parallel_loop3A_378, %parallel_loop3A_384 : vector<16xf32>
        %parallel_loop3A_386 = arith.constant 2.000000e-01 : f32
        %parallel_loop3A_387 = vector.broadcast %parallel_loop3A_386 : f32 to vector<16xf32>
        %parallel_loop3A_388 = arith.mulf %parallel_loop3A_387, %parallel_loop3A_385 : vector<16xf32>
        %parallel_loop3A_389 = arith.maximumf %parallel_loop3A_385, %parallel_loop3A_388 : vector<16xf32>
        %parallel_loop3A_390 = math.exp %parallel_loop3A_389 : vector<16xf32>
        %parallel_loop3A_391 = arith.constant 0 : i32
        %parallel_loop3A_392 = arith.index_cast %parallel_loop3A_391 : i32 to index
        %parallel_loop3A_393 = arith.index_cast %parallel_loop3A_372 : i32 to index
        %parallel_loop3A_394 = arith.constant 128 : index
        %parallel_loop3A_395 = tpu.vector_load %arg14[%parallel_loop3A_392, %parallel_loop3A_393, %parallel_loop3A_394] {strides = array<i32>} : memref<3x80x144xf32, #tpu.memory_space<vmem>>, vector<1x1x16xf32>,
        %parallel_loop3A_396 = vector.shape_cast %parallel_loop3A_395 : vector<1x1x16xf32> to vector<16xf32>
        %parallel_loop3A_397 = vector.shape_cast %parallel_loop3A_390 : vector<16xf32> to vector<1x1x16xf32>
        tpu.vector_store %arg14[%parallel_loop3A_392, %parallel_loop3A_393, %parallel_loop3A_394], %parallel_loop3A_397 {strides = array<i32>} : memref<3x80x144xf32, #tpu.memory_space<vmem>>, vector<1x1x16xf32>,
      } {sc.loop_unroll_factor = 8 : i64, sc.parallel_access}
      %parallel_loop3A_204 = arith.constant 0 : i32
      %parallel_loop3A_205 = arith.constant 80 : i32
      %parallel_loop3A_206 = arith.constant 1 : i32
      scf.for %parallel_loop3A_372 = %parallel_loop3A_204 to %parallel_loop3A_205 step %parallel_loop3A_206  : i32 {
        %parallel_loop3A_373 = arith.constant 0 : i32
        %parallel_loop3A_374 = arith.index_cast %parallel_loop3A_373 : i32 to index
        %parallel_loop3A_375 = arith.index_cast %parallel_loop3A_372 : i32 to index
        %parallel_loop3A_376 = arith.constant 128 : index
        %parallel_loop3A_377 = tpu.vector_load %arg14[%parallel_loop3A_374, %parallel_loop3A_375, %parallel_loop3A_376] {strides = array<i32>} : memref<3x80x144xf32, #tpu.memory_space<vmem>>, vector<1x1x16xf32>,
        %parallel_loop3A_378 = vector.shape_cast %parallel_loop3A_377 : vector<1x1x16xf32> to vector<16xf32>
        %parallel_loop3A_379 = arith.constant 0 : i32
        %parallel_loop3A_380 = arith.index_cast %parallel_loop3A_379 : i32 to index
        %parallel_loop3A_381 = arith.index_cast %parallel_loop3A_372 : i32 to index
        %parallel_loop3A_382 = arith.constant 0 : index
        %parallel_loop3A_383 = tpu.vector_load %arg14[%parallel_loop3A_380, %parallel_loop3A_381, %parallel_loop3A_382] {strides = array<i32>} : memref<3x80x144xf32, #tpu.memory_space<vmem>>, vector<1x1x16xf32>,
        %parallel_loop3A_384 = vector.shape_cast %parallel_loop3A_383 : vector<1x1x16xf32> to vector<16xf32>
        %parallel_loop3A_385 = vector.extract_strided_slice %parallel_loop3A_378 {offsets = [0], sizes = [1], strides = [1]} : vector<16xf32> to vector<1xf32>
        %parallel_loop3A_386 = vector.extract %parallel_loop3A_385[0] : f32 from vector<1xf32>
        %parallel_loop3A_387 = vector.broadcast %parallel_loop3A_386 : f32 to vector<16xf32>
        %parallel_loop3A_388 = arith.mulf %parallel_loop3A_384, %parallel_loop3A_387 : vector<16xf32>
        %parallel_loop3A_389 = arith.constant 0 : i32
        %parallel_loop3A_390 = arith.index_cast %parallel_loop3A_389 : i32 to index
        %parallel_loop3A_391 = arith.index_cast %parallel_loop3A_372 : i32 to index
        %parallel_loop3A_392 = arith.constant 0 : index
        %parallel_loop3A_393 = tpu.vector_load %arg14[%parallel_loop3A_390, %parallel_loop3A_391, %parallel_loop3A_392] {strides = array<i32>} : memref<3x80x144xf32, #tpu.memory_space<vmem>>, vector<1x1x16xf32>,
        %parallel_loop3A_394 = vector.shape_cast %parallel_loop3A_393 : vector<1x1x16xf32> to vector<16xf32>
        %parallel_loop3A_395 = vector.shape_cast %parallel_loop3A_388 : vector<16xf32> to vector<1x1x16xf32>
        tpu.vector_store %arg14[%parallel_loop3A_390, %parallel_loop3A_391, %parallel_loop3A_392], %parallel_loop3A_395 {strides = array<i32>} : memref<3x80x144xf32, #tpu.memory_space<vmem>>, vector<1x1x16xf32>,
        %parallel_loop3A_396 = arith.constant 0 : i32
        %parallel_loop3A_397 = arith.index_cast %parallel_loop3A_396 : i32 to index
        %parallel_loop3A_398 = arith.index_cast %parallel_loop3A_372 : i32 to index
        %parallel_loop3A_399 = arith.constant 16 : index
        %parallel_loop3A_400 = tpu.vector_load %arg14[%parallel_loop3A_397, %parallel_loop3A_398, %parallel_loop3A_399] {strides = array<i32>} : memref<3x80x144xf32, #tpu.memory_space<vmem>>, vector<1x1x16xf32>,
        %parallel_loop3A_401 = vector.shape_cast %parallel_loop3A_400 : vector<1x1x16xf32> to vector<16xf32>
        %parallel_loop3A_402 = vector.extract_strided_slice %parallel_loop3A_378 {offsets = [0], sizes = [1], strides = [1]} : vector<16xf32> to vector<1xf32>
        %parallel_loop3A_403 = vector.extract %parallel_loop3A_402[0] : f32 from vector<1xf32>
        %parallel_loop3A_404 = vector.broadcast %parallel_loop3A_403 : f32 to vector<16xf32>
        %parallel_loop3A_405 = arith.mulf %parallel_loop3A_401, %parallel_loop3A_404 : vector<16xf32>
        %parallel_loop3A_406 = arith.constant 0 : i32
        %parallel_loop3A_407 = arith.index_cast %parallel_loop3A_406 : i32 to index
        %parallel_loop3A_408 = arith.index_cast %parallel_loop3A_372 : i32 to index
        %parallel_loop3A_409 = arith.constant 16 : index
        %parallel_loop3A_410 = tpu.vector_load %arg14[%parallel_loop3A_407, %parallel_loop3A_408, %parallel_loop3A_409] {strides = array<i32>} : memref<3x80x144xf32, #tpu.memory_space<vmem>>, vector<1x1x16xf32>,
        %parallel_loop3A_411 = vector.shape_cast %parallel_loop3A_410 : vector<1x1x16xf32> to vector<16xf32>
        %parallel_loop3A_412 = vector.shape_cast %parallel_loop3A_405 : vector<16xf32> to vector<1x1x16xf32>
        tpu.vector_store %arg14[%parallel_loop3A_407, %parallel_loop3A_408, %parallel_loop3A_409], %parallel_loop3A_412 {strides = array<i32>} : memref<3x80x144xf32, #tpu.memory_space<vmem>>, vector<1x1x16xf32>,
        %parallel_loop3A_413 = arith.constant 0 : i32
        %parallel_loop3A_414 = arith.index_cast %parallel_loop3A_413 : i32 to index
        %parallel_loop3A_415 = arith.index_cast %parallel_loop3A_372 : i32 to index
        %parallel_loop3A_416 = arith.constant 32 : index
        %parallel_loop3A_417 = tpu.vector_load %arg14[%parallel_loop3A_414, %parallel_loop3A_415, %parallel_loop3A_416] {strides = array<i32>} : memref<3x80x144xf32, #tpu.memory_space<vmem>>, vector<1x1x16xf32>,
        %parallel_loop3A_418 = vector.shape_cast %parallel_loop3A_417 : vector<1x1x16xf32> to vector<16xf32>
        %parallel_loop3A_419 = vector.extract_strided_slice %parallel_loop3A_378 {offsets = [1], sizes = [1], strides = [1]} : vector<16xf32> to vector<1xf32>
        %parallel_loop3A_420 = vector.extract %parallel_loop3A_419[0] : f32 from vector<1xf32>
        %parallel_loop3A_421 = vector.broadcast %parallel_loop3A_420 : f32 to vector<16xf32>
        %parallel_loop3A_422 = arith.mulf %parallel_loop3A_418, %parallel_loop3A_421 : vector<16xf32>
        %parallel_loop3A_423 = arith.constant 0 : i32
        %parallel_loop3A_424 = arith.index_cast %parallel_loop3A_423 : i32 to index
        %parallel_loop3A_425 = arith.index_cast %parallel_loop3A_372 : i32 to index
        %parallel_loop3A_426 = arith.constant 32 : index
        %parallel_loop3A_427 = tpu.vector_load %arg14[%parallel_loop3A_424, %parallel_loop3A_425, %parallel_loop3A_426] {strides = array<i32>} : memref<3x80x144xf32, #tpu.memory_space<vmem>>, vector<1x1x16xf32>,
        %parallel_loop3A_428 = vector.shape_cast %parallel_loop3A_427 : vector<1x1x16xf32> to vector<16xf32>
        %parallel_loop3A_429 = vector.shape_cast %parallel_loop3A_422 : vector<16xf32> to vector<1x1x16xf32>
        tpu.vector_store %arg14[%parallel_loop3A_424, %parallel_loop3A_425, %parallel_loop3A_426], %parallel_loop3A_429 {strides = array<i32>} : memref<3x80x144xf32, #tpu.memory_space<vmem>>, vector<1x1x16xf32>,
        %parallel_loop3A_430 = arith.constant 0 : i32
        %parallel_loop3A_431 = arith.index_cast %parallel_loop3A_430 : i32 to index
        %parallel_loop3A_432 = arith.index_cast %parallel_loop3A_372 : i32 to index
        %parallel_loop3A_433 = arith.constant 48 : index
        %parallel_loop3A_434 = tpu.vector_load %arg14[%parallel_loop3A_431, %parallel_loop3A_432, %parallel_loop3A_433] {strides = array<i32>} : memref<3x80x144xf32, #tpu.memory_space<vmem>>, vector<1x1x16xf32>,
        %parallel_loop3A_435 = vector.shape_cast %parallel_loop3A_434 : vector<1x1x16xf32> to vector<16xf32>
        %parallel_loop3A_436 = vector.extract_strided_slice %parallel_loop3A_378 {offsets = [1], sizes = [1], strides = [1]} : vector<16xf32> to vector<1xf32>
        %parallel_loop3A_437 = vector.extract %parallel_loop3A_436[0] : f32 from vector<1xf32>
        %parallel_loop3A_438 = vector.broadcast %parallel_loop3A_437 : f32 to vector<16xf32>
        %parallel_loop3A_439 = arith.mulf %parallel_loop3A_435, %parallel_loop3A_438 : vector<16xf32>
        %parallel_loop3A_440 = arith.constant 0 : i32
        %parallel_loop3A_441 = arith.index_cast %parallel_loop3A_440 : i32 to index
        %parallel_loop3A_442 = arith.index_cast %parallel_loop3A_372 : i32 to index
        %parallel_loop3A_443 = arith.constant 48 : index
        %parallel_loop3A_444 = tpu.vector_load %arg14[%parallel_loop3A_441, %parallel_loop3A_442, %parallel_loop3A_443] {strides = array<i32>} : memref<3x80x144xf32, #tpu.memory_space<vmem>>, vector<1x1x16xf32>,
        %parallel_loop3A_445 = vector.shape_cast %parallel_loop3A_444 : vector<1x1x16xf32> to vector<16xf32>
        %parallel_loop3A_446 = vector.shape_cast %parallel_loop3A_439 : vector<16xf32> to vector<1x1x16xf32>
        tpu.vector_store %arg14[%parallel_loop3A_441, %parallel_loop3A_442, %parallel_loop3A_443], %parallel_loop3A_446 {strides = array<i32>} : memref<3x80x144xf32, #tpu.memory_space<vmem>>, vector<1x1x16xf32>,
        %parallel_loop3A_447 = arith.constant 0 : i32
        %parallel_loop3A_448 = arith.index_cast %parallel_loop3A_447 : i32 to index
        %parallel_loop3A_449 = arith.index_cast %parallel_loop3A_372 : i32 to index
        %parallel_loop3A_450 = arith.constant 64 : index
        %parallel_loop3A_451 = tpu.vector_load %arg14[%parallel_loop3A_448, %parallel_loop3A_449, %parallel_loop3A_450] {strides = array<i32>} : memref<3x80x144xf32, #tpu.memory_space<vmem>>, vector<1x1x16xf32>,
        %parallel_loop3A_452 = vector.shape_cast %parallel_loop3A_451 : vector<1x1x16xf32> to vector<16xf32>
        %parallel_loop3A_453 = vector.extract_strided_slice %parallel_loop3A_378 {offsets = [2], sizes = [1], strides = [1]} : vector<16xf32> to vector<1xf32>
        %parallel_loop3A_454 = vector.extract %parallel_loop3A_453[0] : f32 from vector<1xf32>
        %parallel_loop3A_455 = vector.broadcast %parallel_loop3A_454 : f32 to vector<16xf32>
        %parallel_loop3A_456 = arith.mulf %parallel_loop3A_452, %parallel_loop3A_455 : vector<16xf32>
        %parallel_loop3A_457 = arith.constant 0 : i32
        %parallel_loop3A_458 = arith.index_cast %parallel_loop3A_457 : i32 to index
        %parallel_loop3A_459 = arith.index_cast %parallel_loop3A_372 : i32 to index
        %parallel_loop3A_460 = arith.constant 64 : index
        %parallel_loop3A_461 = tpu.vector_load %arg14[%parallel_loop3A_458, %parallel_loop3A_459, %parallel_loop3A_460] {strides = array<i32>} : memref<3x80x144xf32, #tpu.memory_space<vmem>>, vector<1x1x16xf32>,
        %parallel_loop3A_462 = vector.shape_cast %parallel_loop3A_461 : vector<1x1x16xf32> to vector<16xf32>
        %parallel_loop3A_463 = vector.shape_cast %parallel_loop3A_456 : vector<16xf32> to vector<1x1x16xf32>
        tpu.vector_store %arg14[%parallel_loop3A_458, %parallel_loop3A_459, %parallel_loop3A_460], %parallel_loop3A_463 {strides = array<i32>} : memref<3x80x144xf32, #tpu.memory_space<vmem>>, vector<1x1x16xf32>,
        %parallel_loop3A_464 = arith.constant 0 : i32
        %parallel_loop3A_465 = arith.index_cast %parallel_loop3A_464 : i32 to index
        %parallel_loop3A_466 = arith.index_cast %parallel_loop3A_372 : i32 to index
        %parallel_loop3A_467 = arith.constant 80 : index
        %parallel_loop3A_468 = tpu.vector_load %arg14[%parallel_loop3A_465, %parallel_loop3A_466, %parallel_loop3A_467] {strides = array<i32>} : memref<3x80x144xf32, #tpu.memory_space<vmem>>, vector<1x1x16xf32>,
        %parallel_loop3A_469 = vector.shape_cast %parallel_loop3A_468 : vector<1x1x16xf32> to vector<16xf32>
        %parallel_loop3A_470 = vector.extract_strided_slice %parallel_loop3A_378 {offsets = [2], sizes = [1], strides = [1]} : vector<16xf32> to vector<1xf32>
        %parallel_loop3A_471 = vector.extract %parallel_loop3A_470[0] : f32 from vector<1xf32>
        %parallel_loop3A_472 = vector.broadcast %parallel_loop3A_471 : f32 to vector<16xf32>
        %parallel_loop3A_473 = arith.mulf %parallel_loop3A_469, %parallel_loop3A_472 : vector<16xf32>
        %parallel_loop3A_474 = arith.constant 0 : i32
        %parallel_loop3A_475 = arith.index_cast %parallel_loop3A_474 : i32 to index
        %parallel_loop3A_476 = arith.index_cast %parallel_loop3A_372 : i32 to index
        %parallel_loop3A_477 = arith.constant 80 : index
        %parallel_loop3A_478 = tpu.vector_load %arg14[%parallel_loop3A_475, %parallel_loop3A_476, %parallel_loop3A_477] {strides = array<i32>} : memref<3x80x144xf32, #tpu.memory_space<vmem>>, vector<1x1x16xf32>,
        %parallel_loop3A_479 = vector.shape_cast %parallel_loop3A_478 : vector<1x1x16xf32> to vector<16xf32>
        %parallel_loop3A_480 = vector.shape_cast %parallel_loop3A_473 : vector<16xf32> to vector<1x1x16xf32>
        tpu.vector_store %arg14[%parallel_loop3A_475, %parallel_loop3A_476, %parallel_loop3A_477], %parallel_loop3A_480 {strides = array<i32>} : memref<3x80x144xf32, #tpu.memory_space<vmem>>, vector<1x1x16xf32>,
        %parallel_loop3A_481 = arith.constant 0 : i32
        %parallel_loop3A_482 = arith.index_cast %parallel_loop3A_481 : i32 to index
        %parallel_loop3A_483 = arith.index_cast %parallel_loop3A_372 : i32 to index
        %parallel_loop3A_484 = arith.constant 96 : index
        %parallel_loop3A_485 = tpu.vector_load %arg14[%parallel_loop3A_482, %parallel_loop3A_483, %parallel_loop3A_484] {strides = array<i32>} : memref<3x80x144xf32, #tpu.memory_space<vmem>>, vector<1x1x16xf32>,
        %parallel_loop3A_486 = vector.shape_cast %parallel_loop3A_485 : vector<1x1x16xf32> to vector<16xf32>
        %parallel_loop3A_487 = vector.extract_strided_slice %parallel_loop3A_378 {offsets = [3], sizes = [1], strides = [1]} : vector<16xf32> to vector<1xf32>
        %parallel_loop3A_488 = vector.extract %parallel_loop3A_487[0] : f32 from vector<1xf32>
        %parallel_loop3A_489 = vector.broadcast %parallel_loop3A_488 : f32 to vector<16xf32>
        %parallel_loop3A_490 = arith.mulf %parallel_loop3A_486, %parallel_loop3A_489 : vector<16xf32>
        %parallel_loop3A_491 = arith.constant 0 : i32
        %parallel_loop3A_492 = arith.index_cast %parallel_loop3A_491 : i32 to index
        %parallel_loop3A_493 = arith.index_cast %parallel_loop3A_372 : i32 to index
        %parallel_loop3A_494 = arith.constant 96 : index
        %parallel_loop3A_495 = tpu.vector_load %arg14[%parallel_loop3A_492, %parallel_loop3A_493, %parallel_loop3A_494] {strides = array<i32>} : memref<3x80x144xf32, #tpu.memory_space<vmem>>, vector<1x1x16xf32>,
        %parallel_loop3A_496 = vector.shape_cast %parallel_loop3A_495 : vector<1x1x16xf32> to vector<16xf32>
        %parallel_loop3A_497 = vector.shape_cast %parallel_loop3A_490 : vector<16xf32> to vector<1x1x16xf32>
        tpu.vector_store %arg14[%parallel_loop3A_492, %parallel_loop3A_493, %parallel_loop3A_494], %parallel_loop3A_497 {strides = array<i32>} : memref<3x80x144xf32, #tpu.memory_space<vmem>>, vector<1x1x16xf32>,
        %parallel_loop3A_498 = arith.constant 0 : i32
        %parallel_loop3A_499 = arith.index_cast %parallel_loop3A_498 : i32 to index
        %parallel_loop3A_500 = arith.index_cast %parallel_loop3A_372 : i32 to index
        %parallel_loop3A_501 = arith.constant 112 : index
        %parallel_loop3A_502 = tpu.vector_load %arg14[%parallel_loop3A_499, %parallel_loop3A_500, %parallel_loop3A_501] {strides = array<i32>} : memref<3x80x144xf32, #tpu.memory_space<vmem>>, vector<1x1x16xf32>,
        %parallel_loop3A_503 = vector.shape_cast %parallel_loop3A_502 : vector<1x1x16xf32> to vector<16xf32>
        %parallel_loop3A_504 = vector.extract_strided_slice %parallel_loop3A_378 {offsets = [3], sizes = [1], strides = [1]} : vector<16xf32> to vector<1xf32>
        %parallel_loop3A_505 = vector.extract %parallel_loop3A_504[0] : f32 from vector<1xf32>
        %parallel_loop3A_506 = vector.broadcast %parallel_loop3A_505 : f32 to vector<16xf32>
        %parallel_loop3A_507 = arith.mulf %parallel_loop3A_503, %parallel_loop3A_506 : vector<16xf32>
        %parallel_loop3A_508 = arith.constant 0 : i32
        %parallel_loop3A_509 = arith.index_cast %parallel_loop3A_508 : i32 to index
        %parallel_loop3A_510 = arith.index_cast %parallel_loop3A_372 : i32 to index
        %parallel_loop3A_511 = arith.constant 112 : index
        %parallel_loop3A_512 = tpu.vector_load %arg14[%parallel_loop3A_509, %parallel_loop3A_510, %parallel_loop3A_511] {strides = array<i32>} : memref<3x80x144xf32, #tpu.memory_space<vmem>>, vector<1x1x16xf32>,
        %parallel_loop3A_513 = vector.shape_cast %parallel_loop3A_512 : vector<1x1x16xf32> to vector<16xf32>
        %parallel_loop3A_514 = vector.shape_cast %parallel_loop3A_507 : vector<16xf32> to vector<1x1x16xf32>
        tpu.vector_store %arg14[%parallel_loop3A_509, %parallel_loop3A_510, %parallel_loop3A_511], %parallel_loop3A_514 {strides = array<i32>} : memref<3x80x144xf32, #tpu.memory_space<vmem>>, vector<1x1x16xf32>,
      } {sc.loop_unroll_factor = 4 : i64, sc.parallel_access}
      %dma_start3A_207 = arith.constant 0 : i32
      %dma_start3A_208 = arith.constant 0 : i32
      %dma_start3A_209 = arith.constant 0 : i32
      %dma_start3A_210 = arith.constant 0 : i32
      %dma_start3A_211 = arith.constant 0 : i32
      %dma_start3A_212 = tpu.memref_slice %arg14[%dma_start3A_207, %dma_start3A_210, %dma_start3A_211] : memref<3x80x144xf32, #tpu.memory_space<vmem>> -> memref<1x80x144xf32, #tpu.memory_space<vmem>>
      %dma_start3A_213 = tpu.memref_squeeze %dma_start3A_212 : memref<1x80x144xf32, #tpu.memory_space<vmem>> -> memref<80x144xf32, #tpu.memory_space<vmem>>
      %dma_start3A_214 = arith.constant 0 : i32
      %dma_start3A_215 = tpu.memref_slice %arg12[%dma_start3A_208, %dma_start3A_214] : memref<3x80xi32, #tpu.memory_space<vmem>> -> memref<1x80xi32, #tpu.memory_space<vmem>>
      %dma_start3A_216 = tpu.memref_squeeze %dma_start3A_215 : memref<1x80xi32, #tpu.memory_space<vmem>> -> memref<80xi32, #tpu.memory_space<vmem>>
      %dma_start3A_217 = arith.constant 0 : i32
      %dma_start3A_218 = arith.constant 0 : i32
      %dma_start3A_219 = tpu.memref_slice %arg15[%dma_start3A_217, %dma_start3A_218] : memref<10112x144xf32, #tpu.memory_space<vmem_shared>> -> memref<10112x144xf32, #tpu.memory_space<vmem_shared>>
      %dma_start3A_220 = tpu.memref_slice %arg20[%dma_start3A_209] : memref<3x!tpu.dma_semaphore, #tpu.memory_space<semaphore_mem>> -> memref<1x!tpu.dma_semaphore, #tpu.memory_space<semaphore_mem>>
      %dma_start3A_221 = tpu.memref_squeeze %dma_start3A_220 : memref<1x!tpu.dma_semaphore, #tpu.memory_space<semaphore_mem>> -> memref<!tpu.dma_semaphore, #tpu.memory_space<semaphore_mem>>
      tpu.enqueue_indirect_dma source(%dma_start3A_213 : memref<80x144xf32, #tpu.memory_space<vmem>>) target(%dma_start3A_219 : memref<10112x144xf32, #tpu.memory_space<vmem_shared>>) offsets(%dma_start3A_216 : memref<80xi32, #tpu.memory_space<vmem>>) semaphore(%dma_start3A_221 : memref<!tpu.dma_semaphore, #tpu.memory_space<semaphore_mem>>) {add = true}
      %mul3A_222 = arith.constant 3 : i32
      %mul3A_223 = arith.muli %mul3A_222, %scan3A_152 : i32
      %add3A_224 = arith.constant 1 : i32
      %add3A_225 = arith.addi %mul3A_223, %add3A_224 : i32
      %lt3A_226 = arith.constant 251 : i32
      %lt3A_227 = arith.cmpi slt, %add3A_225, %lt3A_226 : i32
      %convert_element_type3A_228 = arith.extui %lt3A_227 : i1 to i32
      %cond3A_229 = arith.constant 0 : i32
      %cond3A_230 = arith.cmpi ne, %convert_element_type3A_228, %cond3A_229 : i32
      scf.if %cond3A_230 {
        %dma_wait3A_372 = arith.constant 2 : i32
        %dma_wait3A_373 = arith.constant 2 : i32
        %dma_wait3A_374 = arith.constant 0 : i32
        %dma_wait3A_375 = tpu.memref_slice %arg8[%dma_wait3A_372, %dma_wait3A_374] : memref<3x80xi32, #tpu.memory_space<vmem>> -> memref<1x80xi32, #tpu.memory_space<vmem>>
        %dma_wait3A_376 = tpu.memref_squeeze %dma_wait3A_375 : memref<1x80xi32, #tpu.memory_space<vmem>> -> memref<80xi32, #tpu.memory_space<vmem>>
        %dma_wait3A_377 = arith.constant 0 : i32
        %dma_wait3A_378 = tpu.memref_slice %arg2[%dma_wait3A_377] : memref<322560xi32, #tpu.memory_space<hbm>> -> memref<80xi32, #tpu.memory_space<hbm>>
        %dma_wait3A_379 = tpu.memref_slice %arg16[%dma_wait3A_373] : memref<3x!tpu.dma_semaphore, #tpu.memory_space<semaphore_mem>> -> memref<1x!tpu.dma_semaphore, #tpu.memory_space<semaphore_mem>>
        %dma_wait3A_380 = tpu.memref_squeeze %dma_wait3A_379 : memref<1x!tpu.dma_semaphore, #tpu.memory_space<semaphore_mem>> -> memref<!tpu.dma_semaphore, #tpu.memory_space<semaphore_mem>>
        %dma_wait3A_381 = arith.constant 0 : i32
        %dma_wait3A_382 = tpu.memref_slice %arg8[%dma_wait3A_372, %dma_wait3A_381] : memref<3x80xi32, #tpu.memory_space<vmem>> -> memref<1x80xi32, #tpu.memory_space<vmem>>
        %dma_wait3A_383 = tpu.memref_squeeze %dma_wait3A_382 : memref<1x80xi32, #tpu.memory_space<vmem>> -> memref<80xi32, #tpu.memory_space<vmem>>
        %dma_wait3A_384 = arith.constant 0 : i32
        %dma_wait3A_385 = tpu.memref_slice %arg2[%dma_wait3A_384] : memref<322560xi32, #tpu.memory_space<hbm>> -> memref<80xi32, #tpu.memory_space<hbm>>
        tpu.wait_dma2 semaphore(%dma_wait3A_380 : memref<!tpu.dma_semaphore, #tpu.memory_space<semaphore_mem>>) src(%dma_wait3A_385 : memref<80xi32, #tpu.memory_space<hbm>>) dst(%dma_wait3A_383 : memref<80xi32, #tpu.memory_space<vmem>>)
        %dma_wait3A_386 = arith.constant 2 : i32
        %dma_wait3A_387 = arith.constant 2 : i32
        %dma_wait3A_388 = arith.constant 0 : i32
        %dma_wait3A_389 = tpu.memref_slice %arg9[%dma_wait3A_386, %dma_wait3A_388] : memref<3x80xi32, #tpu.memory_space<vmem>> -> memref<1x80xi32, #tpu.memory_space<vmem>>
        %dma_wait3A_390 = tpu.memref_squeeze %dma_wait3A_389 : memref<1x80xi32, #tpu.memory_space<vmem>> -> memref<80xi32, #tpu.memory_space<vmem>>
        %dma_wait3A_391 = arith.constant 0 : i32
        %dma_wait3A_392 = tpu.memref_slice %arg3[%dma_wait3A_391] : memref<322560xi32, #tpu.memory_space<hbm>> -> memref<80xi32, #tpu.memory_space<hbm>>
        %dma_wait3A_393 = tpu.memref_slice %arg17[%dma_wait3A_387] : memref<3x!tpu.dma_semaphore, #tpu.memory_space<semaphore_mem>> -> memref<1x!tpu.dma_semaphore, #tpu.memory_space<semaphore_mem>>
        %dma_wait3A_394 = tpu.memref_squeeze %dma_wait3A_393 : memref<1x!tpu.dma_semaphore, #tpu.memory_space<semaphore_mem>> -> memref<!tpu.dma_semaphore, #tpu.memory_space<semaphore_mem>>
        %dma_wait3A_395 = arith.constant 0 : i32
        %dma_wait3A_396 = tpu.memref_slice %arg9[%dma_wait3A_386, %dma_wait3A_395] : memref<3x80xi32, #tpu.memory_space<vmem>> -> memref<1x80xi32, #tpu.memory_space<vmem>>
        %dma_wait3A_397 = tpu.memref_squeeze %dma_wait3A_396 : memref<1x80xi32, #tpu.memory_space<vmem>> -> memref<80xi32, #tpu.memory_space<vmem>>
        %dma_wait3A_398 = arith.constant 0 : i32
        %dma_wait3A_399 = tpu.memref_slice %arg3[%dma_wait3A_398] : memref<322560xi32, #tpu.memory_space<hbm>> -> memref<80xi32, #tpu.memory_space<hbm>>
        tpu.wait_dma2 semaphore(%dma_wait3A_394 : memref<!tpu.dma_semaphore, #tpu.memory_space<semaphore_mem>>) src(%dma_wait3A_399 : memref<80xi32, #tpu.memory_space<hbm>>) dst(%dma_wait3A_397 : memref<80xi32, #tpu.memory_space<vmem>>)
      } else {
      }
      %ge3A_231 = arith.constant 2 : i32
      %ge3A_232 = arith.cmpi sge, %add3A_225, %ge3A_231 : i32
      %convert_element_type3A_233 = arith.extui %ge3A_232 : i1 to i32
      %cond3A_234 = arith.constant 0 : i32
      %cond3A_235 = arith.cmpi ne, %convert_element_type3A_233, %cond3A_234 : i32
      scf.if %cond3A_235 {
        %dma_wait3A_372 = arith.constant 2 : i32
        %dma_wait3A_373 = arith.constant 2 : i32
        %dma_wait3A_374 = arith.constant 2 : i32
        %dma_wait3A_375 = arith.constant 0 : i32
        %dma_wait3A_376 = arith.constant 0 : i32
        %dma_wait3A_377 = tpu.memref_slice %arg14[%dma_wait3A_372, %dma_wait3A_375, %dma_wait3A_376] : memref<3x80x144xf32, #tpu.memory_space<vmem>> -> memref<1x80x144xf32, #tpu.memory_space<vmem>>
        %dma_wait3A_378 = tpu.memref_squeeze %dma_wait3A_377 : memref<1x80x144xf32, #tpu.memory_space<vmem>> -> memref<80x144xf32, #tpu.memory_space<vmem>>
        %dma_wait3A_379 = arith.constant 0 : i32
        %dma_wait3A_380 = tpu.memref_slice %arg12[%dma_wait3A_373, %dma_wait3A_379] : memref<3x80xi32, #tpu.memory_space<vmem>> -> memref<1x80xi32, #tpu.memory_space<vmem>>
        %dma_wait3A_381 = tpu.memref_squeeze %dma_wait3A_380 : memref<1x80xi32, #tpu.memory_space<vmem>> -> memref<80xi32, #tpu.memory_space<vmem>>
        %dma_wait3A_382 = arith.constant 0 : i32
        %dma_wait3A_383 = arith.constant 0 : i32
        %dma_wait3A_384 = tpu.memref_slice %arg15[%dma_wait3A_382, %dma_wait3A_383] : memref<10112x144xf32, #tpu.memory_space<vmem_shared>> -> memref<10112x144xf32, #tpu.memory_space<vmem_shared>>
        %dma_wait3A_385 = tpu.memref_slice %arg20[%dma_wait3A_374] : memref<3x!tpu.dma_semaphore, #tpu.memory_space<semaphore_mem>> -> memref<1x!tpu.dma_semaphore, #tpu.memory_space<semaphore_mem>>
        %dma_wait3A_386 = tpu.memref_squeeze %dma_wait3A_385 : memref<1x!tpu.dma_semaphore, #tpu.memory_space<semaphore_mem>> -> memref<!tpu.dma_semaphore, #tpu.memory_space<semaphore_mem>>
        tpu.wait_indirect_dma semaphore(%dma_wait3A_386 : memref<!tpu.dma_semaphore, #tpu.memory_space<semaphore_mem>>) src(%dma_wait3A_378 : memref<80x144xf32, #tpu.memory_space<vmem>>) dst(%dma_wait3A_384 : memref<10112x144xf32, #tpu.memory_space<vmem_shared>>)
      } else {
      }
      %lt3A_236 = arith.constant 251 : i32
      %lt3A_237 = arith.cmpi slt, %add3A_225, %lt3A_236 : i32
      %convert_element_type3A_238 = arith.extui %lt3A_237 : i1 to i32
      %cond3A_239 = arith.constant 0 : i32
      %cond3A_240 = arith.cmpi ne, %convert_element_type3A_238, %cond3A_239 : i32
      scf.if %cond3A_240 {
        %parallel_loop3A_372 = arith.constant 0 : i32
        %parallel_loop3A_373 = arith.constant 5 : i32
        %parallel_loop3A_374 = arith.constant 1 : i32
        scf.for %parallel_loop3A_405 = %parallel_loop3A_372 to %parallel_loop3A_373 step %parallel_loop3A_374  : i32 {
          %parallel_loop3A_406 = arith.constant 16 : i32
          %parallel_loop3A_407 = arith.muli %parallel_loop3A_405, %parallel_loop3A_406 : i32
          %parallel_loop3A_408 = arith.constant 2 : i32
          %parallel_loop3A_409 = arith.index_cast %parallel_loop3A_408 : i32 to index
          %parallel_loop3A_410 = arith.index_cast %parallel_loop3A_407 : i32 to index
          %parallel_loop3A_411 = tpu.vector_load %arg8[%parallel_loop3A_409, %parallel_loop3A_410] {strides = array<i32>} : memref<3x80xi32, #tpu.memory_space<vmem>>, vector<1x16xi32>,
          %parallel_loop3A_412 = vector.shape_cast %parallel_loop3A_411 : vector<1x16xi32> to vector<16xi32>
          %parallel_loop3A_413 = vector.broadcast %mul3A_0 : i32 to vector<16xi32>
          %parallel_loop3A_414 = arith.addi %parallel_loop3A_412, %parallel_loop3A_413 : vector<16xi32>
          %parallel_loop3A_415 = arith.constant 2 : i32
          %parallel_loop3A_416 = arith.index_cast %parallel_loop3A_415 : i32 to index
          %parallel_loop3A_417 = arith.index_cast %parallel_loop3A_407 : i32 to index
          %parallel_loop3A_418 = tpu.vector_load %arg10[%parallel_loop3A_416, %parallel_loop3A_417] {strides = array<i32>} : memref<3x80xi32, #tpu.memory_space<vmem>>, vector<1x16xi32>,
          %parallel_loop3A_419 = vector.shape_cast %parallel_loop3A_418 : vector<1x16xi32> to vector<16xi32>
          %parallel_loop3A_420 = vector.shape_cast %parallel_loop3A_414 : vector<16xi32> to vector<1x16xi32>
          tpu.vector_store %arg10[%parallel_loop3A_416, %parallel_loop3A_417], %parallel_loop3A_420 {strides = array<i32>} : memref<3x80xi32, #tpu.memory_space<vmem>>, vector<1x16xi32>,
          %parallel_loop3A_421 = arith.constant 2 : i32
          %parallel_loop3A_422 = arith.index_cast %parallel_loop3A_421 : i32 to index
          %parallel_loop3A_423 = arith.index_cast %parallel_loop3A_407 : i32 to index
          %parallel_loop3A_424 = tpu.vector_load %arg9[%parallel_loop3A_422, %parallel_loop3A_423] {strides = array<i32>} : memref<3x80xi32, #tpu.memory_space<vmem>>, vector<1x16xi32>,
          %parallel_loop3A_425 = vector.shape_cast %parallel_loop3A_424 : vector<1x16xi32> to vector<16xi32>
          %parallel_loop3A_426 = vector.broadcast %mul3A_0 : i32 to vector<16xi32>
          %parallel_loop3A_427 = arith.addi %parallel_loop3A_425, %parallel_loop3A_426 : vector<16xi32>
          %parallel_loop3A_428 = arith.constant 2 : i32
          %parallel_loop3A_429 = arith.index_cast %parallel_loop3A_428 : i32 to index
          %parallel_loop3A_430 = arith.index_cast %parallel_loop3A_407 : i32 to index
          %parallel_loop3A_431 = tpu.vector_load %arg11[%parallel_loop3A_429, %parallel_loop3A_430] {strides = array<i32>} : memref<3x80xi32, #tpu.memory_space<vmem>>, vector<1x16xi32>,
          %parallel_loop3A_432 = vector.shape_cast %parallel_loop3A_431 : vector<1x16xi32> to vector<16xi32>
          %parallel_loop3A_433 = vector.shape_cast %parallel_loop3A_427 : vector<16xi32> to vector<1x16xi32>
          tpu.vector_store %arg11[%parallel_loop3A_429, %parallel_loop3A_430], %parallel_loop3A_433 {strides = array<i32>} : memref<3x80xi32, #tpu.memory_space<vmem>>, vector<1x16xi32>,
          %parallel_loop3A_434 = arith.constant 2 : i32
          %parallel_loop3A_435 = arith.index_cast %parallel_loop3A_434 : i32 to index
          %parallel_loop3A_436 = arith.index_cast %parallel_loop3A_407 : i32 to index
          %parallel_loop3A_437 = tpu.vector_load %arg9[%parallel_loop3A_435, %parallel_loop3A_436] {strides = array<i32>} : memref<3x80xi32, #tpu.memory_space<vmem>>, vector<1x16xi32>,
          %parallel_loop3A_438 = vector.shape_cast %parallel_loop3A_437 : vector<1x16xi32> to vector<16xi32>
          %parallel_loop3A_439 = arith.constant 2 : i32
          %parallel_loop3A_440 = arith.index_cast %parallel_loop3A_439 : i32 to index
          %parallel_loop3A_441 = arith.index_cast %parallel_loop3A_407 : i32 to index
          %parallel_loop3A_442 = tpu.vector_load %arg12[%parallel_loop3A_440, %parallel_loop3A_441] {strides = array<i32>} : memref<3x80xi32, #tpu.memory_space<vmem>>, vector<1x16xi32>,
          %parallel_loop3A_443 = vector.shape_cast %parallel_loop3A_442 : vector<1x16xi32> to vector<16xi32>
          %parallel_loop3A_444 = vector.shape_cast %parallel_loop3A_438 : vector<16xi32> to vector<1x16xi32>
          tpu.vector_store %arg12[%parallel_loop3A_440, %parallel_loop3A_441], %parallel_loop3A_444 {strides = array<i32>} : memref<3x80xi32, #tpu.memory_space<vmem>>, vector<1x16xi32>,
        } {sc.loop_unroll_factor = 5 : i64, sc.parallel_access}
        %dma_start3A_375 = arith.constant 2 : i32
        %dma_start3A_376 = arith.constant 2 : i32
        %dma_start3A_377 = arith.constant 2 : i32
        %dma_start3A_378 = arith.constant 0 : i32
        %dma_start3A_379 = arith.constant 0 : i32
        %dma_start3A_380 = tpu.memref_slice %arg13[%dma_start3A_376, %dma_start3A_378, %dma_start3A_379] : memref<3x80x16xf32, #tpu.memory_space<vmem>> -> memref<1x80x16xf32, #tpu.memory_space<vmem>>
        %dma_start3A_381 = tpu.memref_squeeze %dma_start3A_380 : memref<1x80x16xf32, #tpu.memory_space<vmem>> -> memref<80x16xf32, #tpu.memory_space<vmem>>
        %dma_start3A_382 = arith.constant 0 : i32
        %dma_start3A_383 = tpu.memref_slice %arg11[%dma_start3A_375, %dma_start3A_382] : memref<3x80xi32, #tpu.memory_space<vmem>> -> memref<1x80xi32, #tpu.memory_space<vmem>>
        %dma_start3A_384 = tpu.memref_squeeze %dma_start3A_383 : memref<1x80xi32, #tpu.memory_space<vmem>> -> memref<80xi32, #tpu.memory_space<vmem>>
        %dma_start3A_385 = arith.constant 0 : i32
        %dma_start3A_386 = arith.constant 0 : i32
        %dma_start3A_387 = tpu.memref_slice %arg4[%dma_start3A_385, %dma_start3A_386] : memref<20224x16xf32, #tpu.memory_space<hbm>> -> memref<20224x16xf32, #tpu.memory_space<hbm>>
        %dma_start3A_388 = tpu.memref_slice %arg18[%dma_start3A_377] : memref<3x!tpu.dma_semaphore, #tpu.memory_space<semaphore_mem>> -> memref<1x!tpu.dma_semaphore, #tpu.memory_space<semaphore_mem>>
        %dma_start3A_389 = tpu.memref_squeeze %dma_start3A_388 : memref<1x!tpu.dma_semaphore, #tpu.memory_space<semaphore_mem>> -> memref<!tpu.dma_semaphore, #tpu.memory_space<semaphore_mem>>
        tpu.enqueue_indirect_dma source(%dma_start3A_387 : memref<20224x16xf32, #tpu.memory_space<hbm>>) target(%dma_start3A_381 : memref<80x16xf32, #tpu.memory_space<vmem>>) offsets(%dma_start3A_384 : memref<80xi32, #tpu.memory_space<vmem>>) semaphore(%dma_start3A_389 : memref<!tpu.dma_semaphore, #tpu.memory_space<semaphore_mem>>)
        %dma_start3A_390 = arith.constant 2 : i32
        %dma_start3A_391 = arith.constant 2 : i32
        %dma_start3A_392 = arith.constant 2 : i32
        %dma_start3A_393 = arith.constant 0 : i32
        %dma_start3A_394 = arith.constant 0 : i32
        %dma_start3A_395 = tpu.memref_slice %arg14[%dma_start3A_391, %dma_start3A_393, %dma_start3A_394] : memref<3x80x144xf32, #tpu.memory_space<vmem>> -> memref<1x80x144xf32, #tpu.memory_space<vmem>>
        %dma_start3A_396 = tpu.memref_squeeze %dma_start3A_395 : memref<1x80x144xf32, #tpu.memory_space<vmem>> -> memref<80x144xf32, #tpu.memory_space<vmem>>
        %dma_start3A_397 = arith.constant 0 : i32
        %dma_start3A_398 = tpu.memref_slice %arg10[%dma_start3A_390, %dma_start3A_397] : memref<3x80xi32, #tpu.memory_space<vmem>> -> memref<1x80xi32, #tpu.memory_space<vmem>>
        %dma_start3A_399 = tpu.memref_squeeze %dma_start3A_398 : memref<1x80xi32, #tpu.memory_space<vmem>> -> memref<80xi32, #tpu.memory_space<vmem>>
        %dma_start3A_400 = arith.constant 0 : i32
        %dma_start3A_401 = arith.constant 0 : i32
        %dma_start3A_402 = tpu.memref_slice %arg5[%dma_start3A_400, %dma_start3A_401] : memref<20224x144xf32, #tpu.memory_space<hbm>> -> memref<20224x144xf32, #tpu.memory_space<hbm>>
        %dma_start3A_403 = tpu.memref_slice %arg19[%dma_start3A_392] : memref<3x!tpu.dma_semaphore, #tpu.memory_space<semaphore_mem>> -> memref<1x!tpu.dma_semaphore, #tpu.memory_space<semaphore_mem>>
        %dma_start3A_404 = tpu.memref_squeeze %dma_start3A_403 : memref<1x!tpu.dma_semaphore, #tpu.memory_space<semaphore_mem>> -> memref<!tpu.dma_semaphore, #tpu.memory_space<semaphore_mem>>
        tpu.enqueue_indirect_dma source(%dma_start3A_402 : memref<20224x144xf32, #tpu.memory_space<hbm>>) target(%dma_start3A_396 : memref<80x144xf32, #tpu.memory_space<vmem>>) offsets(%dma_start3A_399 : memref<80xi32, #tpu.memory_space<vmem>>) semaphore(%dma_start3A_404 : memref<!tpu.dma_semaphore, #tpu.memory_space<semaphore_mem>>)
      } else {
      }
      %lt3A_241 = arith.constant 250 : i32
      %lt3A_242 = arith.cmpi slt, %add3A_225, %lt3A_241 : i32
      %convert_element_type3A_243 = arith.extui %lt3A_242 : i1 to i32
      %cond3A_244 = arith.constant 0 : i32
      %cond3A_245 = arith.cmpi ne, %convert_element_type3A_243, %cond3A_244 : i32
      scf.if %cond3A_245 {
        %add3A_372 = arith.constant 2 : i32
        %add3A_373 = arith.addi %add3A_225, %add3A_372 : i32
        %mul3A_374 = arith.constant 80 : i32
        %mul3A_375 = arith.muli %add3A_373, %mul3A_374 : i32
        %add3A_376 = arith.addi %mul3A_4, %mul3A_375 : i32
        %dma_start3A_377 = arith.constant 0 : i32
        %dma_start3A_378 = arith.constant 0 : i32
        %dma_start3A_379 = arith.constant 0 : i32
        %dma_start3A_380 = tpu.memref_slice %arg8[%dma_start3A_377, %dma_start3A_379] : memref<3x80xi32, #tpu.memory_space<vmem>> -> memref<1x80xi32, #tpu.memory_space<vmem>>
        %dma_start3A_381 = tpu.memref_squeeze %dma_start3A_380 : memref<1x80xi32, #tpu.memory_space<vmem>> -> memref<80xi32, #tpu.memory_space<vmem>>
        %dma_start3A_382 = tpu.memref_slice %arg2[%add3A_376] : memref<322560xi32, #tpu.memory_space<hbm>> -> memref<80xi32, #tpu.memory_space<hbm>>
        %dma_start3A_383 = tpu.memref_slice %arg16[%dma_start3A_378] : memref<3x!tpu.dma_semaphore, #tpu.memory_space<semaphore_mem>> -> memref<1x!tpu.dma_semaphore, #tpu.memory_space<semaphore_mem>>
        %dma_start3A_384 = tpu.memref_squeeze %dma_start3A_383 : memref<1x!tpu.dma_semaphore, #tpu.memory_space<semaphore_mem>> -> memref<!tpu.dma_semaphore, #tpu.memory_space<semaphore_mem>>
        %dma_start3A_385 = arith.constant 0 : i32
        %dma_start3A_386 = tpu.memref_slice %arg8[%dma_start3A_377, %dma_start3A_385] : memref<3x80xi32, #tpu.memory_space<vmem>> -> memref<1x80xi32, #tpu.memory_space<vmem>>
        %dma_start3A_387 = tpu.memref_squeeze %dma_start3A_386 : memref<1x80xi32, #tpu.memory_space<vmem>> -> memref<80xi32, #tpu.memory_space<vmem>>
        %dma_start3A_388 = tpu.memref_slice %arg2[%add3A_376] : memref<322560xi32, #tpu.memory_space<hbm>> -> memref<80xi32, #tpu.memory_space<hbm>>
        tpu.enqueue_dma source(%dma_start3A_388 : memref<80xi32, #tpu.memory_space<hbm>>) target(%dma_start3A_387 : memref<80xi32, #tpu.memory_space<vmem>>) target_semaphore(%dma_start3A_384 : memref<!tpu.dma_semaphore, #tpu.memory_space<semaphore_mem>>)
        %dma_start3A_389 = arith.constant 0 : i32
        %dma_start3A_390 = arith.constant 0 : i32
        %dma_start3A_391 = arith.constant 0 : i32
        %dma_start3A_392 = tpu.memref_slice %arg9[%dma_start3A_389, %dma_start3A_391] : memref<3x80xi32, #tpu.memory_space<vmem>> -> memref<1x80xi32, #tpu.memory_space<vmem>>
        %dma_start3A_393 = tpu.memref_squeeze %dma_start3A_392 : memref<1x80xi32, #tpu.memory_space<vmem>> -> memref<80xi32, #tpu.memory_space<vmem>>
        %dma_start3A_394 = tpu.memref_slice %arg3[%add3A_376] : memref<322560xi32, #tpu.memory_space<hbm>> -> memref<80xi32, #tpu.memory_space<hbm>>
        %dma_start3A_395 = tpu.memref_slice %arg17[%dma_start3A_390] : memref<3x!tpu.dma_semaphore, #tpu.memory_space<semaphore_mem>> -> memref<1x!tpu.dma_semaphore, #tpu.memory_space<semaphore_mem>>
        %dma_start3A_396 = tpu.memref_squeeze %dma_start3A_395 : memref<1x!tpu.dma_semaphore, #tpu.memory_space<semaphore_mem>> -> memref<!tpu.dma_semaphore, #tpu.memory_space<semaphore_mem>>
        %dma_start3A_397 = arith.constant 0 : i32
        %dma_start3A_398 = tpu.memref_slice %arg9[%dma_start3A_389, %dma_start3A_397] : memref<3x80xi32, #tpu.memory_space<vmem>> -> memref<1x80xi32, #tpu.memory_space<vmem>>
        %dma_start3A_399 = tpu.memref_squeeze %dma_start3A_398 : memref<1x80xi32, #tpu.memory_space<vmem>> -> memref<80xi32, #tpu.memory_space<vmem>>
        %dma_start3A_400 = tpu.memref_slice %arg3[%add3A_376] : memref<322560xi32, #tpu.memory_space<hbm>> -> memref<80xi32, #tpu.memory_space<hbm>>
        tpu.enqueue_dma source(%dma_start3A_400 : memref<80xi32, #tpu.memory_space<hbm>>) target(%dma_start3A_399 : memref<80xi32, #tpu.memory_space<vmem>>) target_semaphore(%dma_start3A_396 : memref<!tpu.dma_semaphore, #tpu.memory_space<semaphore_mem>>)
      } else {
      }
      %dma_wait3A_246 = arith.constant 1 : i32
      %dma_wait3A_247 = arith.constant 1 : i32
      %dma_wait3A_248 = arith.constant 1 : i32
      %dma_wait3A_249 = arith.constant 0 : i32
      %dma_wait3A_250 = arith.constant 0 : i32
      %dma_wait3A_251 = tpu.memref_slice %arg13[%dma_wait3A_247, %dma_wait3A_249, %dma_wait3A_250] : memref<3x80x16xf32, #tpu.memory_space<vmem>> -> memref<1x80x16xf32, #tpu.memory_space<vmem>>
      %dma_wait3A_252 = tpu.memref_squeeze %dma_wait3A_251 : memref<1x80x16xf32, #tpu.memory_space<vmem>> -> memref<80x16xf32, #tpu.memory_space<vmem>>
      %dma_wait3A_253 = arith.constant 0 : i32
      %dma_wait3A_254 = tpu.memref_slice %arg11[%dma_wait3A_246, %dma_wait3A_253] : memref<3x80xi32, #tpu.memory_space<vmem>> -> memref<1x80xi32, #tpu.memory_space<vmem>>
      %dma_wait3A_255 = tpu.memref_squeeze %dma_wait3A_254 : memref<1x80xi32, #tpu.memory_space<vmem>> -> memref<80xi32, #tpu.memory_space<vmem>>
      %dma_wait3A_256 = arith.constant 0 : i32
      %dma_wait3A_257 = arith.constant 0 : i32
      %dma_wait3A_258 = tpu.memref_slice %arg4[%dma_wait3A_256, %dma_wait3A_257] : memref<20224x16xf32, #tpu.memory_space<hbm>> -> memref<20224x16xf32, #tpu.memory_space<hbm>>
      %dma_wait3A_259 = tpu.memref_slice %arg18[%dma_wait3A_248] : memref<3x!tpu.dma_semaphore, #tpu.memory_space<semaphore_mem>> -> memref<1x!tpu.dma_semaphore, #tpu.memory_space<semaphore_mem>>
      %dma_wait3A_260 = tpu.memref_squeeze %dma_wait3A_259 : memref<1x!tpu.dma_semaphore, #tpu.memory_space<semaphore_mem>> -> memref<!tpu.dma_semaphore, #tpu.memory_space<semaphore_mem>>
      tpu.wait_indirect_dma semaphore(%dma_wait3A_260 : memref<!tpu.dma_semaphore, #tpu.memory_space<semaphore_mem>>) src(%dma_wait3A_258 : memref<20224x16xf32, #tpu.memory_space<hbm>>) dst(%dma_wait3A_252 : memref<80x16xf32, #tpu.memory_space<vmem>>)
      %dma_wait3A_261 = arith.constant 1 : i32
      %dma_wait3A_262 = arith.constant 1 : i32
      %dma_wait3A_263 = arith.constant 1 : i32
      %dma_wait3A_264 = arith.constant 0 : i32
      %dma_wait3A_265 = arith.constant 0 : i32
      %dma_wait3A_266 = tpu.memref_slice %arg14[%dma_wait3A_262, %dma_wait3A_264, %dma_wait3A_265] : memref<3x80x144xf32, #tpu.memory_space<vmem>> -> memref<1x80x144xf32, #tpu.memory_space<vmem>>
      %dma_wait3A_267 = tpu.memref_squeeze %dma_wait3A_266 : memref<1x80x144xf32, #tpu.memory_space<vmem>> -> memref<80x144xf32, #tpu.memory_space<vmem>>
      %dma_wait3A_268 = arith.constant 0 : i32
      %dma_wait3A_269 = tpu.memref_slice %arg10[%dma_wait3A_261, %dma_wait3A_268] : memref<3x80xi32, #tpu.memory_space<vmem>> -> memref<1x80xi32, #tpu.memory_space<vmem>>
      %dma_wait3A_270 = tpu.memref_squeeze %dma_wait3A_269 : memref<1x80xi32, #tpu.memory_space<vmem>> -> memref<80xi32, #tpu.memory_space<vmem>>
      %dma_wait3A_271 = arith.constant 0 : i32
      %dma_wait3A_272 = arith.constant 0 : i32
      %dma_wait3A_273 = tpu.memref_slice %arg5[%dma_wait3A_271, %dma_wait3A_272] : memref<20224x144xf32, #tpu.memory_space<hbm>> -> memref<20224x144xf32, #tpu.memory_space<hbm>>
      %dma_wait3A_274 = tpu.memref_slice %arg19[%dma_wait3A_263] : memref<3x!tpu.dma_semaphore, #tpu.memory_space<semaphore_mem>> -> memref<1x!tpu.dma_semaphore, #tpu.memory_space<semaphore_mem>>
      %dma_wait3A_275 = tpu.memref_squeeze %dma_wait3A_274 : memref<1x!tpu.dma_semaphore, #tpu.memory_space<semaphore_mem>> -> memref<!tpu.dma_semaphore, #tpu.memory_space<semaphore_mem>>
      tpu.wait_indirect_dma semaphore(%dma_wait3A_275 : memref<!tpu.dma_semaphore, #tpu.memory_space<semaphore_mem>>) src(%dma_wait3A_273 : memref<20224x144xf32, #tpu.memory_space<hbm>>) dst(%dma_wait3A_267 : memref<80x144xf32, #tpu.memory_space<vmem>>)
      %parallel_loop3A_276 = arith.constant 0 : i32
      %parallel_loop3A_277 = arith.constant 80 : i32
      %parallel_loop3A_278 = arith.constant 1 : i32
      scf.for %parallel_loop3A_372 = %parallel_loop3A_276 to %parallel_loop3A_277 step %parallel_loop3A_278  : i32 {
        %parallel_loop3A_373 = arith.constant 1 : i32
        %parallel_loop3A_374 = arith.index_cast %parallel_loop3A_373 : i32 to index
        %parallel_loop3A_375 = arith.index_cast %parallel_loop3A_372 : i32 to index
        %parallel_loop3A_376 = arith.constant 128 : index
        %parallel_loop3A_377 = tpu.vector_load %arg14[%parallel_loop3A_374, %parallel_loop3A_375, %parallel_loop3A_376] {strides = array<i32>} : memref<3x80x144xf32, #tpu.memory_space<vmem>>, vector<1x1x16xf32>,
        %parallel_loop3A_378 = vector.shape_cast %parallel_loop3A_377 : vector<1x1x16xf32> to vector<16xf32>
        %parallel_loop3A_379 = arith.constant 1 : i32
        %parallel_loop3A_380 = arith.index_cast %parallel_loop3A_379 : i32 to index
        %parallel_loop3A_381 = arith.index_cast %parallel_loop3A_372 : i32 to index
        %parallel_loop3A_382 = arith.constant 0 : index
        %parallel_loop3A_383 = tpu.vector_load %arg13[%parallel_loop3A_380, %parallel_loop3A_381, %parallel_loop3A_382] {strides = array<i32>} : memref<3x80x16xf32, #tpu.memory_space<vmem>>, vector<1x1x16xf32>,
        %parallel_loop3A_384 = vector.shape_cast %parallel_loop3A_383 : vector<1x1x16xf32> to vector<16xf32>
        %parallel_loop3A_385 = arith.addf %parallel_loop3A_378, %parallel_loop3A_384 : vector<16xf32>
        %parallel_loop3A_386 = arith.constant 2.000000e-01 : f32
        %parallel_loop3A_387 = vector.broadcast %parallel_loop3A_386 : f32 to vector<16xf32>
        %parallel_loop3A_388 = arith.mulf %parallel_loop3A_387, %parallel_loop3A_385 : vector<16xf32>
        %parallel_loop3A_389 = arith.maximumf %parallel_loop3A_385, %parallel_loop3A_388 : vector<16xf32>
        %parallel_loop3A_390 = math.exp %parallel_loop3A_389 : vector<16xf32>
        %parallel_loop3A_391 = arith.constant 1 : i32
        %parallel_loop3A_392 = arith.index_cast %parallel_loop3A_391 : i32 to index
        %parallel_loop3A_393 = arith.index_cast %parallel_loop3A_372 : i32 to index
        %parallel_loop3A_394 = arith.constant 128 : index
        %parallel_loop3A_395 = tpu.vector_load %arg14[%parallel_loop3A_392, %parallel_loop3A_393, %parallel_loop3A_394] {strides = array<i32>} : memref<3x80x144xf32, #tpu.memory_space<vmem>>, vector<1x1x16xf32>,
        %parallel_loop3A_396 = vector.shape_cast %parallel_loop3A_395 : vector<1x1x16xf32> to vector<16xf32>
        %parallel_loop3A_397 = vector.shape_cast %parallel_loop3A_390 : vector<16xf32> to vector<1x1x16xf32>
        tpu.vector_store %arg14[%parallel_loop3A_392, %parallel_loop3A_393, %parallel_loop3A_394], %parallel_loop3A_397 {strides = array<i32>} : memref<3x80x144xf32, #tpu.memory_space<vmem>>, vector<1x1x16xf32>,
      } {sc.loop_unroll_factor = 8 : i64, sc.parallel_access}
      %parallel_loop3A_279 = arith.constant 0 : i32
      %parallel_loop3A_280 = arith.constant 80 : i32
      %parallel_loop3A_281 = arith.constant 1 : i32
      scf.for %parallel_loop3A_372 = %parallel_loop3A_279 to %parallel_loop3A_280 step %parallel_loop3A_281  : i32 {
        %parallel_loop3A_373 = arith.constant 1 : i32
        %parallel_loop3A_374 = arith.index_cast %parallel_loop3A_373 : i32 to index
        %parallel_loop3A_375 = arith.index_cast %parallel_loop3A_372 : i32 to index
        %parallel_loop3A_376 = arith.constant 128 : index
        %parallel_loop3A_377 = tpu.vector_load %arg14[%parallel_loop3A_374, %parallel_loop3A_375, %parallel_loop3A_376] {strides = array<i32>} : memref<3x80x144xf32, #tpu.memory_space<vmem>>, vector<1x1x16xf32>,
        %parallel_loop3A_378 = vector.shape_cast %parallel_loop3A_377 : vector<1x1x16xf32> to vector<16xf32>
        %parallel_loop3A_379 = arith.constant 1 : i32
        %parallel_loop3A_380 = arith.index_cast %parallel_loop3A_379 : i32 to index
        %parallel_loop3A_381 = arith.index_cast %parallel_loop3A_372 : i32 to index
        %parallel_loop3A_382 = arith.constant 0 : index
        %parallel_loop3A_383 = tpu.vector_load %arg14[%parallel_loop3A_380, %parallel_loop3A_381, %parallel_loop3A_382] {strides = array<i32>} : memref<3x80x144xf32, #tpu.memory_space<vmem>>, vector<1x1x16xf32>,
        %parallel_loop3A_384 = vector.shape_cast %parallel_loop3A_383 : vector<1x1x16xf32> to vector<16xf32>
        %parallel_loop3A_385 = vector.extract_strided_slice %parallel_loop3A_378 {offsets = [0], sizes = [1], strides = [1]} : vector<16xf32> to vector<1xf32>
        %parallel_loop3A_386 = vector.extract %parallel_loop3A_385[0] : f32 from vector<1xf32>
        %parallel_loop3A_387 = vector.broadcast %parallel_loop3A_386 : f32 to vector<16xf32>
        %parallel_loop3A_388 = arith.mulf %parallel_loop3A_384, %parallel_loop3A_387 : vector<16xf32>
        %parallel_loop3A_389 = arith.constant 1 : i32
        %parallel_loop3A_390 = arith.index_cast %parallel_loop3A_389 : i32 to index
        %parallel_loop3A_391 = arith.index_cast %parallel_loop3A_372 : i32 to index
        %parallel_loop3A_392 = arith.constant 0 : index
        %parallel_loop3A_393 = tpu.vector_load %arg14[%parallel_loop3A_390, %parallel_loop3A_391, %parallel_loop3A_392] {strides = array<i32>} : memref<3x80x144xf32, #tpu.memory_space<vmem>>, vector<1x1x16xf32>,
        %parallel_loop3A_394 = vector.shape_cast %parallel_loop3A_393 : vector<1x1x16xf32> to vector<16xf32>
        %parallel_loop3A_395 = vector.shape_cast %parallel_loop3A_388 : vector<16xf32> to vector<1x1x16xf32>
        tpu.vector_store %arg14[%parallel_loop3A_390, %parallel_loop3A_391, %parallel_loop3A_392], %parallel_loop3A_395 {strides = array<i32>} : memref<3x80x144xf32, #tpu.memory_space<vmem>>, vector<1x1x16xf32>,
        %parallel_loop3A_396 = arith.constant 1 : i32
        %parallel_loop3A_397 = arith.index_cast %parallel_loop3A_396 : i32 to index
        %parallel_loop3A_398 = arith.index_cast %parallel_loop3A_372 : i32 to index
        %parallel_loop3A_399 = arith.constant 16 : index
        %parallel_loop3A_400 = tpu.vector_load %arg14[%parallel_loop3A_397, %parallel_loop3A_398, %parallel_loop3A_399] {strides = array<i32>} : memref<3x80x144xf32, #tpu.memory_space<vmem>>, vector<1x1x16xf32>,
        %parallel_loop3A_401 = vector.shape_cast %parallel_loop3A_400 : vector<1x1x16xf32> to vector<16xf32>
        %parallel_loop3A_402 = vector.extract_strided_slice %parallel_loop3A_378 {offsets = [0], sizes = [1], strides = [1]} : vector<16xf32> to vector<1xf32>
        %parallel_loop3A_403 = vector.extract %parallel_loop3A_402[0] : f32 from vector<1xf32>
        %parallel_loop3A_404 = vector.broadcast %parallel_loop3A_403 : f32 to vector<16xf32>
        %parallel_loop3A_405 = arith.mulf %parallel_loop3A_401, %parallel_loop3A_404 : vector<16xf32>
        %parallel_loop3A_406 = arith.constant 1 : i32
        %parallel_loop3A_407 = arith.index_cast %parallel_loop3A_406 : i32 to index
        %parallel_loop3A_408 = arith.index_cast %parallel_loop3A_372 : i32 to index
        %parallel_loop3A_409 = arith.constant 16 : index
        %parallel_loop3A_410 = tpu.vector_load %arg14[%parallel_loop3A_407, %parallel_loop3A_408, %parallel_loop3A_409] {strides = array<i32>} : memref<3x80x144xf32, #tpu.memory_space<vmem>>, vector<1x1x16xf32>,
        %parallel_loop3A_411 = vector.shape_cast %parallel_loop3A_410 : vector<1x1x16xf32> to vector<16xf32>
        %parallel_loop3A_412 = vector.shape_cast %parallel_loop3A_405 : vector<16xf32> to vector<1x1x16xf32>
        tpu.vector_store %arg14[%parallel_loop3A_407, %parallel_loop3A_408, %parallel_loop3A_409], %parallel_loop3A_412 {strides = array<i32>} : memref<3x80x144xf32, #tpu.memory_space<vmem>>, vector<1x1x16xf32>,
        %parallel_loop3A_413 = arith.constant 1 : i32
        %parallel_loop3A_414 = arith.index_cast %parallel_loop3A_413 : i32 to index
        %parallel_loop3A_415 = arith.index_cast %parallel_loop3A_372 : i32 to index
        %parallel_loop3A_416 = arith.constant 32 : index
        %parallel_loop3A_417 = tpu.vector_load %arg14[%parallel_loop3A_414, %parallel_loop3A_415, %parallel_loop3A_416] {strides = array<i32>} : memref<3x80x144xf32, #tpu.memory_space<vmem>>, vector<1x1x16xf32>,
        %parallel_loop3A_418 = vector.shape_cast %parallel_loop3A_417 : vector<1x1x16xf32> to vector<16xf32>
        %parallel_loop3A_419 = vector.extract_strided_slice %parallel_loop3A_378 {offsets = [1], sizes = [1], strides = [1]} : vector<16xf32> to vector<1xf32>
        %parallel_loop3A_420 = vector.extract %parallel_loop3A_419[0] : f32 from vector<1xf32>
        %parallel_loop3A_421 = vector.broadcast %parallel_loop3A_420 : f32 to vector<16xf32>
        %parallel_loop3A_422 = arith.mulf %parallel_loop3A_418, %parallel_loop3A_421 : vector<16xf32>
        %parallel_loop3A_423 = arith.constant 1 : i32
        %parallel_loop3A_424 = arith.index_cast %parallel_loop3A_423 : i32 to index
        %parallel_loop3A_425 = arith.index_cast %parallel_loop3A_372 : i32 to index
        %parallel_loop3A_426 = arith.constant 32 : index
        %parallel_loop3A_427 = tpu.vector_load %arg14[%parallel_loop3A_424, %parallel_loop3A_425, %parallel_loop3A_426] {strides = array<i32>} : memref<3x80x144xf32, #tpu.memory_space<vmem>>, vector<1x1x16xf32>,
        %parallel_loop3A_428 = vector.shape_cast %parallel_loop3A_427 : vector<1x1x16xf32> to vector<16xf32>
        %parallel_loop3A_429 = vector.shape_cast %parallel_loop3A_422 : vector<16xf32> to vector<1x1x16xf32>
        tpu.vector_store %arg14[%parallel_loop3A_424, %parallel_loop3A_425, %parallel_loop3A_426], %parallel_loop3A_429 {strides = array<i32>} : memref<3x80x144xf32, #tpu.memory_space<vmem>>, vector<1x1x16xf32>,
        %parallel_loop3A_430 = arith.constant 1 : i32
        %parallel_loop3A_431 = arith.index_cast %parallel_loop3A_430 : i32 to index
        %parallel_loop3A_432 = arith.index_cast %parallel_loop3A_372 : i32 to index
        %parallel_loop3A_433 = arith.constant 48 : index
        %parallel_loop3A_434 = tpu.vector_load %arg14[%parallel_loop3A_431, %parallel_loop3A_432, %parallel_loop3A_433] {strides = array<i32>} : memref<3x80x144xf32, #tpu.memory_space<vmem>>, vector<1x1x16xf32>,
        %parallel_loop3A_435 = vector.shape_cast %parallel_loop3A_434 : vector<1x1x16xf32> to vector<16xf32>
        %parallel_loop3A_436 = vector.extract_strided_slice %parallel_loop3A_378 {offsets = [1], sizes = [1], strides = [1]} : vector<16xf32> to vector<1xf32>
        %parallel_loop3A_437 = vector.extract %parallel_loop3A_436[0] : f32 from vector<1xf32>
        %parallel_loop3A_438 = vector.broadcast %parallel_loop3A_437 : f32 to vector<16xf32>
        %parallel_loop3A_439 = arith.mulf %parallel_loop3A_435, %parallel_loop3A_438 : vector<16xf32>
        %parallel_loop3A_440 = arith.constant 1 : i32
        %parallel_loop3A_441 = arith.index_cast %parallel_loop3A_440 : i32 to index
        %parallel_loop3A_442 = arith.index_cast %parallel_loop3A_372 : i32 to index
        %parallel_loop3A_443 = arith.constant 48 : index
        %parallel_loop3A_444 = tpu.vector_load %arg14[%parallel_loop3A_441, %parallel_loop3A_442, %parallel_loop3A_443] {strides = array<i32>} : memref<3x80x144xf32, #tpu.memory_space<vmem>>, vector<1x1x16xf32>,
        %parallel_loop3A_445 = vector.shape_cast %parallel_loop3A_444 : vector<1x1x16xf32> to vector<16xf32>
        %parallel_loop3A_446 = vector.shape_cast %parallel_loop3A_439 : vector<16xf32> to vector<1x1x16xf32>
        tpu.vector_store %arg14[%parallel_loop3A_441, %parallel_loop3A_442, %parallel_loop3A_443], %parallel_loop3A_446 {strides = array<i32>} : memref<3x80x144xf32, #tpu.memory_space<vmem>>, vector<1x1x16xf32>,
        %parallel_loop3A_447 = arith.constant 1 : i32
        %parallel_loop3A_448 = arith.index_cast %parallel_loop3A_447 : i32 to index
        %parallel_loop3A_449 = arith.index_cast %parallel_loop3A_372 : i32 to index
        %parallel_loop3A_450 = arith.constant 64 : index
        %parallel_loop3A_451 = tpu.vector_load %arg14[%parallel_loop3A_448, %parallel_loop3A_449, %parallel_loop3A_450] {strides = array<i32>} : memref<3x80x144xf32, #tpu.memory_space<vmem>>, vector<1x1x16xf32>,
        %parallel_loop3A_452 = vector.shape_cast %parallel_loop3A_451 : vector<1x1x16xf32> to vector<16xf32>
        %parallel_loop3A_453 = vector.extract_strided_slice %parallel_loop3A_378 {offsets = [2], sizes = [1], strides = [1]} : vector<16xf32> to vector<1xf32>
        %parallel_loop3A_454 = vector.extract %parallel_loop3A_453[0] : f32 from vector<1xf32>
        %parallel_loop3A_455 = vector.broadcast %parallel_loop3A_454 : f32 to vector<16xf32>
        %parallel_loop3A_456 = arith.mulf %parallel_loop3A_452, %parallel_loop3A_455 : vector<16xf32>
        %parallel_loop3A_457 = arith.constant 1 : i32
        %parallel_loop3A_458 = arith.index_cast %parallel_loop3A_457 : i32 to index
        %parallel_loop3A_459 = arith.index_cast %parallel_loop3A_372 : i32 to index
        %parallel_loop3A_460 = arith.constant 64 : index
        %parallel_loop3A_461 = tpu.vector_load %arg14[%parallel_loop3A_458, %parallel_loop3A_459, %parallel_loop3A_460] {strides = array<i32>} : memref<3x80x144xf32, #tpu.memory_space<vmem>>, vector<1x1x16xf32>,
        %parallel_loop3A_462 = vector.shape_cast %parallel_loop3A_461 : vector<1x1x16xf32> to vector<16xf32>
        %parallel_loop3A_463 = vector.shape_cast %parallel_loop3A_456 : vector<16xf32> to vector<1x1x16xf32>
        tpu.vector_store %arg14[%parallel_loop3A_458, %parallel_loop3A_459, %parallel_loop3A_460], %parallel_loop3A_463 {strides = array<i32>} : memref<3x80x144xf32, #tpu.memory_space<vmem>>, vector<1x1x16xf32>,
        %parallel_loop3A_464 = arith.constant 1 : i32
        %parallel_loop3A_465 = arith.index_cast %parallel_loop3A_464 : i32 to index
        %parallel_loop3A_466 = arith.index_cast %parallel_loop3A_372 : i32 to index
        %parallel_loop3A_467 = arith.constant 80 : index
        %parallel_loop3A_468 = tpu.vector_load %arg14[%parallel_loop3A_465, %parallel_loop3A_466, %parallel_loop3A_467] {strides = array<i32>} : memref<3x80x144xf32, #tpu.memory_space<vmem>>, vector<1x1x16xf32>,
        %parallel_loop3A_469 = vector.shape_cast %parallel_loop3A_468 : vector<1x1x16xf32> to vector<16xf32>
        %parallel_loop3A_470 = vector.extract_strided_slice %parallel_loop3A_378 {offsets = [2], sizes = [1], strides = [1]} : vector<16xf32> to vector<1xf32>
        %parallel_loop3A_471 = vector.extract %parallel_loop3A_470[0] : f32 from vector<1xf32>
        %parallel_loop3A_472 = vector.broadcast %parallel_loop3A_471 : f32 to vector<16xf32>
        %parallel_loop3A_473 = arith.mulf %parallel_loop3A_469, %parallel_loop3A_472 : vector<16xf32>
        %parallel_loop3A_474 = arith.constant 1 : i32
        %parallel_loop3A_475 = arith.index_cast %parallel_loop3A_474 : i32 to index
        %parallel_loop3A_476 = arith.index_cast %parallel_loop3A_372 : i32 to index
        %parallel_loop3A_477 = arith.constant 80 : index
        %parallel_loop3A_478 = tpu.vector_load %arg14[%parallel_loop3A_475, %parallel_loop3A_476, %parallel_loop3A_477] {strides = array<i32>} : memref<3x80x144xf32, #tpu.memory_space<vmem>>, vector<1x1x16xf32>,
        %parallel_loop3A_479 = vector.shape_cast %parallel_loop3A_478 : vector<1x1x16xf32> to vector<16xf32>
        %parallel_loop3A_480 = vector.shape_cast %parallel_loop3A_473 : vector<16xf32> to vector<1x1x16xf32>
        tpu.vector_store %arg14[%parallel_loop3A_475, %parallel_loop3A_476, %parallel_loop3A_477], %parallel_loop3A_480 {strides = array<i32>} : memref<3x80x144xf32, #tpu.memory_space<vmem>>, vector<1x1x16xf32>,
        %parallel_loop3A_481 = arith.constant 1 : i32
        %parallel_loop3A_482 = arith.index_cast %parallel_loop3A_481 : i32 to index
        %parallel_loop3A_483 = arith.index_cast %parallel_loop3A_372 : i32 to index
        %parallel_loop3A_484 = arith.constant 96 : index
        %parallel_loop3A_485 = tpu.vector_load %arg14[%parallel_loop3A_482, %parallel_loop3A_483, %parallel_loop3A_484] {strides = array<i32>} : memref<3x80x144xf32, #tpu.memory_space<vmem>>, vector<1x1x16xf32>,
        %parallel_loop3A_486 = vector.shape_cast %parallel_loop3A_485 : vector<1x1x16xf32> to vector<16xf32>
        %parallel_loop3A_487 = vector.extract_strided_slice %parallel_loop3A_378 {offsets = [3], sizes = [1], strides = [1]} : vector<16xf32> to vector<1xf32>
        %parallel_loop3A_488 = vector.extract %parallel_loop3A_487[0] : f32 from vector<1xf32>
        %parallel_loop3A_489 = vector.broadcast %parallel_loop3A_488 : f32 to vector<16xf32>
        %parallel_loop3A_490 = arith.mulf %parallel_loop3A_486, %parallel_loop3A_489 : vector<16xf32>
        %parallel_loop3A_491 = arith.constant 1 : i32
        %parallel_loop3A_492 = arith.index_cast %parallel_loop3A_491 : i32 to index
        %parallel_loop3A_493 = arith.index_cast %parallel_loop3A_372 : i32 to index
        %parallel_loop3A_494 = arith.constant 96 : index
        %parallel_loop3A_495 = tpu.vector_load %arg14[%parallel_loop3A_492, %parallel_loop3A_493, %parallel_loop3A_494] {strides = array<i32>} : memref<3x80x144xf32, #tpu.memory_space<vmem>>, vector<1x1x16xf32>,
        %parallel_loop3A_496 = vector.shape_cast %parallel_loop3A_495 : vector<1x1x16xf32> to vector<16xf32>
        %parallel_loop3A_497 = vector.shape_cast %parallel_loop3A_490 : vector<16xf32> to vector<1x1x16xf32>
        tpu.vector_store %arg14[%parallel_loop3A_492, %parallel_loop3A_493, %parallel_loop3A_494], %parallel_loop3A_497 {strides = array<i32>} : memref<3x80x144xf32, #tpu.memory_space<vmem>>, vector<1x1x16xf32>,
        %parallel_loop3A_498 = arith.constant 1 : i32
        %parallel_loop3A_499 = arith.index_cast %parallel_loop3A_498 : i32 to index
        %parallel_loop3A_500 = arith.index_cast %parallel_loop3A_372 : i32 to index
        %parallel_loop3A_501 = arith.constant 112 : index
        %parallel_loop3A_502 = tpu.vector_load %arg14[%parallel_loop3A_499, %parallel_loop3A_500, %parallel_loop3A_501] {strides = array<i32>} : memref<3x80x144xf32, #tpu.memory_space<vmem>>, vector<1x1x16xf32>,
        %parallel_loop3A_503 = vector.shape_cast %parallel_loop3A_502 : vector<1x1x16xf32> to vector<16xf32>
        %parallel_loop3A_504 = vector.extract_strided_slice %parallel_loop3A_378 {offsets = [3], sizes = [1], strides = [1]} : vector<16xf32> to vector<1xf32>
        %parallel_loop3A_505 = vector.extract %parallel_loop3A_504[0] : f32 from vector<1xf32>
        %parallel_loop3A_506 = vector.broadcast %parallel_loop3A_505 : f32 to vector<16xf32>
        %parallel_loop3A_507 = arith.mulf %parallel_loop3A_503, %parallel_loop3A_506 : vector<16xf32>
        %parallel_loop3A_508 = arith.constant 1 : i32
        %parallel_loop3A_509 = arith.index_cast %parallel_loop3A_508 : i32 to index
        %parallel_loop3A_510 = arith.index_cast %parallel_loop3A_372 : i32 to index
        %parallel_loop3A_511 = arith.constant 112 : index
        %parallel_loop3A_512 = tpu.vector_load %arg14[%parallel_loop3A_509, %parallel_loop3A_510, %parallel_loop3A_511] {strides = array<i32>} : memref<3x80x144xf32, #tpu.memory_space<vmem>>, vector<1x1x16xf32>,
        %parallel_loop3A_513 = vector.shape_cast %parallel_loop3A_512 : vector<1x1x16xf32> to vector<16xf32>
        %parallel_loop3A_514 = vector.shape_cast %parallel_loop3A_507 : vector<16xf32> to vector<1x1x16xf32>
        tpu.vector_store %arg14[%parallel_loop3A_509, %parallel_loop3A_510, %parallel_loop3A_511], %parallel_loop3A_514 {strides = array<i32>} : memref<3x80x144xf32, #tpu.memory_space<vmem>>, vector<1x1x16xf32>,
      } {sc.loop_unroll_factor = 4 : i64, sc.parallel_access}
      %dma_start3A_282 = arith.constant 1 : i32
      %dma_start3A_283 = arith.constant 1 : i32
      %dma_start3A_284 = arith.constant 1 : i32
      %dma_start3A_285 = arith.constant 0 : i32
      %dma_start3A_286 = arith.constant 0 : i32
      %dma_start3A_287 = tpu.memref_slice %arg14[%dma_start3A_282, %dma_start3A_285, %dma_start3A_286] : memref<3x80x144xf32, #tpu.memory_space<vmem>> -> memref<1x80x144xf32, #tpu.memory_space<vmem>>
      %dma_start3A_288 = tpu.memref_squeeze %dma_start3A_287 : memref<1x80x144xf32, #tpu.memory_space<vmem>> -> memref<80x144xf32, #tpu.memory_space<vmem>>
      %dma_start3A_289 = arith.constant 0 : i32
      %dma_start3A_290 = tpu.memref_slice %arg12[%dma_start3A_283, %dma_start3A_289] : memref<3x80xi32, #tpu.memory_space<vmem>> -> memref<1x80xi32, #tpu.memory_space<vmem>>
      %dma_start3A_291 = tpu.memref_squeeze %dma_start3A_290 : memref<1x80xi32, #tpu.memory_space<vmem>> -> memref<80xi32, #tpu.memory_space<vmem>>
      %dma_start3A_292 = arith.constant 0 : i32
      %dma_start3A_293 = arith.constant 0 : i32
      %dma_start3A_294 = tpu.memref_slice %arg15[%dma_start3A_292, %dma_start3A_293] : memref<10112x144xf32, #tpu.memory_space<vmem_shared>> -> memref<10112x144xf32, #tpu.memory_space<vmem_shared>>
      %dma_start3A_295 = tpu.memref_slice %arg20[%dma_start3A_284] : memref<3x!tpu.dma_semaphore, #tpu.memory_space<semaphore_mem>> -> memref<1x!tpu.dma_semaphore, #tpu.memory_space<semaphore_mem>>
      %dma_start3A_296 = tpu.memref_squeeze %dma_start3A_295 : memref<1x!tpu.dma_semaphore, #tpu.memory_space<semaphore_mem>> -> memref<!tpu.dma_semaphore, #tpu.memory_space<semaphore_mem>>
      tpu.enqueue_indirect_dma source(%dma_start3A_288 : memref<80x144xf32, #tpu.memory_space<vmem>>) target(%dma_start3A_294 : memref<10112x144xf32, #tpu.memory_space<vmem_shared>>) offsets(%dma_start3A_291 : memref<80xi32, #tpu.memory_space<vmem>>) semaphore(%dma_start3A_296 : memref<!tpu.dma_semaphore, #tpu.memory_space<semaphore_mem>>) {add = true}
      %mul3A_297 = arith.constant 3 : i32
      %mul3A_298 = arith.muli %mul3A_297, %scan3A_152 : i32
      %add3A_299 = arith.constant 2 : i32
      %add3A_300 = arith.addi %mul3A_298, %add3A_299 : i32
      %lt3A_301 = arith.constant 251 : i32
      %lt3A_302 = arith.cmpi slt, %add3A_300, %lt3A_301 : i32
      %convert_element_type3A_303 = arith.extui %lt3A_302 : i1 to i32
      %cond3A_304 = arith.constant 0 : i32
      %cond3A_305 = arith.cmpi ne, %convert_element_type3A_303, %cond3A_304 : i32
      scf.if %cond3A_305 {
        %dma_wait3A_372 = arith.constant 0 : i32
        %dma_wait3A_373 = arith.constant 0 : i32
        %dma_wait3A_374 = arith.constant 0 : i32
        %dma_wait3A_375 = tpu.memref_slice %arg8[%dma_wait3A_372, %dma_wait3A_374] : memref<3x80xi32, #tpu.memory_space<vmem>> -> memref<1x80xi32, #tpu.memory_space<vmem>>
        %dma_wait3A_376 = tpu.memref_squeeze %dma_wait3A_375 : memref<1x80xi32, #tpu.memory_space<vmem>> -> memref<80xi32, #tpu.memory_space<vmem>>
        %dma_wait3A_377 = arith.constant 0 : i32
        %dma_wait3A_378 = tpu.memref_slice %arg2[%dma_wait3A_377] : memref<322560xi32, #tpu.memory_space<hbm>> -> memref<80xi32, #tpu.memory_space<hbm>>
        %dma_wait3A_379 = tpu.memref_slice %arg16[%dma_wait3A_373] : memref<3x!tpu.dma_semaphore, #tpu.memory_space<semaphore_mem>> -> memref<1x!tpu.dma_semaphore, #tpu.memory_space<semaphore_mem>>
        %dma_wait3A_380 = tpu.memref_squeeze %dma_wait3A_379 : memref<1x!tpu.dma_semaphore, #tpu.memory_space<semaphore_mem>> -> memref<!tpu.dma_semaphore, #tpu.memory_space<semaphore_mem>>
        %dma_wait3A_381 = arith.constant 0 : i32
        %dma_wait3A_382 = tpu.memref_slice %arg8[%dma_wait3A_372, %dma_wait3A_381] : memref<3x80xi32, #tpu.memory_space<vmem>> -> memref<1x80xi32, #tpu.memory_space<vmem>>
        %dma_wait3A_383 = tpu.memref_squeeze %dma_wait3A_382 : memref<1x80xi32, #tpu.memory_space<vmem>> -> memref<80xi32, #tpu.memory_space<vmem>>
        %dma_wait3A_384 = arith.constant 0 : i32
        %dma_wait3A_385 = tpu.memref_slice %arg2[%dma_wait3A_384] : memref<322560xi32, #tpu.memory_space<hbm>> -> memref<80xi32, #tpu.memory_space<hbm>>
        tpu.wait_dma2 semaphore(%dma_wait3A_380 : memref<!tpu.dma_semaphore, #tpu.memory_space<semaphore_mem>>) src(%dma_wait3A_385 : memref<80xi32, #tpu.memory_space<hbm>>) dst(%dma_wait3A_383 : memref<80xi32, #tpu.memory_space<vmem>>)
        %dma_wait3A_386 = arith.constant 0 : i32
        %dma_wait3A_387 = arith.constant 0 : i32
        %dma_wait3A_388 = arith.constant 0 : i32
        %dma_wait3A_389 = tpu.memref_slice %arg9[%dma_wait3A_386, %dma_wait3A_388] : memref<3x80xi32, #tpu.memory_space<vmem>> -> memref<1x80xi32, #tpu.memory_space<vmem>>
        %dma_wait3A_390 = tpu.memref_squeeze %dma_wait3A_389 : memref<1x80xi32, #tpu.memory_space<vmem>> -> memref<80xi32, #tpu.memory_space<vmem>>
        %dma_wait3A_391 = arith.constant 0 : i32
        %dma_wait3A_392 = tpu.memref_slice %arg3[%dma_wait3A_391] : memref<322560xi32, #tpu.memory_space<hbm>> -> memref<80xi32, #tpu.memory_space<hbm>>
        %dma_wait3A_393 = tpu.memref_slice %arg17[%dma_wait3A_387] : memref<3x!tpu.dma_semaphore, #tpu.memory_space<semaphore_mem>> -> memref<1x!tpu.dma_semaphore, #tpu.memory_space<semaphore_mem>>
        %dma_wait3A_394 = tpu.memref_squeeze %dma_wait3A_393 : memref<1x!tpu.dma_semaphore, #tpu.memory_space<semaphore_mem>> -> memref<!tpu.dma_semaphore, #tpu.memory_space<semaphore_mem>>
        %dma_wait3A_395 = arith.constant 0 : i32
        %dma_wait3A_396 = tpu.memref_slice %arg9[%dma_wait3A_386, %dma_wait3A_395] : memref<3x80xi32, #tpu.memory_space<vmem>> -> memref<1x80xi32, #tpu.memory_space<vmem>>
        %dma_wait3A_397 = tpu.memref_squeeze %dma_wait3A_396 : memref<1x80xi32, #tpu.memory_space<vmem>> -> memref<80xi32, #tpu.memory_space<vmem>>
        %dma_wait3A_398 = arith.constant 0 : i32
        %dma_wait3A_399 = tpu.memref_slice %arg3[%dma_wait3A_398] : memref<322560xi32, #tpu.memory_space<hbm>> -> memref<80xi32, #tpu.memory_space<hbm>>
        tpu.wait_dma2 semaphore(%dma_wait3A_394 : memref<!tpu.dma_semaphore, #tpu.memory_space<semaphore_mem>>) src(%dma_wait3A_399 : memref<80xi32, #tpu.memory_space<hbm>>) dst(%dma_wait3A_397 : memref<80xi32, #tpu.memory_space<vmem>>)
      } else {
      }
      %ge3A_306 = arith.constant 2 : i32
      %ge3A_307 = arith.cmpi sge, %add3A_300, %ge3A_306 : i32
      %convert_element_type3A_308 = arith.extui %ge3A_307 : i1 to i32
      %cond3A_309 = arith.constant 0 : i32
      %cond3A_310 = arith.cmpi ne, %convert_element_type3A_308, %cond3A_309 : i32
      scf.if %cond3A_310 {
        %dma_wait3A_372 = arith.constant 0 : i32
        %dma_wait3A_373 = arith.constant 0 : i32
        %dma_wait3A_374 = arith.constant 0 : i32
        %dma_wait3A_375 = arith.constant 0 : i32
        %dma_wait3A_376 = arith.constant 0 : i32
        %dma_wait3A_377 = tpu.memref_slice %arg14[%dma_wait3A_372, %dma_wait3A_375, %dma_wait3A_376] : memref<3x80x144xf32, #tpu.memory_space<vmem>> -> memref<1x80x144xf32, #tpu.memory_space<vmem>>
        %dma_wait3A_378 = tpu.memref_squeeze %dma_wait3A_377 : memref<1x80x144xf32, #tpu.memory_space<vmem>> -> memref<80x144xf32, #tpu.memory_space<vmem>>
        %dma_wait3A_379 = arith.constant 0 : i32
        %dma_wait3A_380 = tpu.memref_slice %arg12[%dma_wait3A_373, %dma_wait3A_379] : memref<3x80xi32, #tpu.memory_space<vmem>> -> memref<1x80xi32, #tpu.memory_space<vmem>>
        %dma_wait3A_381 = tpu.memref_squeeze %dma_wait3A_380 : memref<1x80xi32, #tpu.memory_space<vmem>> -> memref<80xi32, #tpu.memory_space<vmem>>
        %dma_wait3A_382 = arith.constant 0 : i32
        %dma_wait3A_383 = arith.constant 0 : i32
        %dma_wait3A_384 = tpu.memref_slice %arg15[%dma_wait3A_382, %dma_wait3A_383] : memref<10112x144xf32, #tpu.memory_space<vmem_shared>> -> memref<10112x144xf32, #tpu.memory_space<vmem_shared>>
        %dma_wait3A_385 = tpu.memref_slice %arg20[%dma_wait3A_374] : memref<3x!tpu.dma_semaphore, #tpu.memory_space<semaphore_mem>> -> memref<1x!tpu.dma_semaphore, #tpu.memory_space<semaphore_mem>>
        %dma_wait3A_386 = tpu.memref_squeeze %dma_wait3A_385 : memref<1x!tpu.dma_semaphore, #tpu.memory_space<semaphore_mem>> -> memref<!tpu.dma_semaphore, #tpu.memory_space<semaphore_mem>>
        tpu.wait_indirect_dma semaphore(%dma_wait3A_386 : memref<!tpu.dma_semaphore, #tpu.memory_space<semaphore_mem>>) src(%dma_wait3A_378 : memref<80x144xf32, #tpu.memory_space<vmem>>) dst(%dma_wait3A_384 : memref<10112x144xf32, #tpu.memory_space<vmem_shared>>)
      } else {
      }
      %lt3A_311 = arith.constant 251 : i32
      %lt3A_312 = arith.cmpi slt, %add3A_300, %lt3A_311 : i32
      %convert_element_type3A_313 = arith.extui %lt3A_312 : i1 to i32
      %cond3A_314 = arith.constant 0 : i32
      %cond3A_315 = arith.cmpi ne, %convert_element_type3A_313, %cond3A_314 : i32
      scf.if %cond3A_315 {
        %parallel_loop3A_372 = arith.constant 0 : i32
        %parallel_loop3A_373 = arith.constant 5 : i32
        %parallel_loop3A_374 = arith.constant 1 : i32
        scf.for %parallel_loop3A_405 = %parallel_loop3A_372 to %parallel_loop3A_373 step %parallel_loop3A_374  : i32 {
          %parallel_loop3A_406 = arith.constant 16 : i32
          %parallel_loop3A_407 = arith.muli %parallel_loop3A_405, %parallel_loop3A_406 : i32
          %parallel_loop3A_408 = arith.constant 0 : i32
          %parallel_loop3A_409 = arith.index_cast %parallel_loop3A_408 : i32 to index
          %parallel_loop3A_410 = arith.index_cast %parallel_loop3A_407 : i32 to index
          %parallel_loop3A_411 = tpu.vector_load %arg8[%parallel_loop3A_409, %parallel_loop3A_410] {strides = array<i32>} : memref<3x80xi32, #tpu.memory_space<vmem>>, vector<1x16xi32>,
          %parallel_loop3A_412 = vector.shape_cast %parallel_loop3A_411 : vector<1x16xi32> to vector<16xi32>
          %parallel_loop3A_413 = vector.broadcast %mul3A_0 : i32 to vector<16xi32>
          %parallel_loop3A_414 = arith.addi %parallel_loop3A_412, %parallel_loop3A_413 : vector<16xi32>
          %parallel_loop3A_415 = arith.constant 0 : i32
          %parallel_loop3A_416 = arith.index_cast %parallel_loop3A_415 : i32 to index
          %parallel_loop3A_417 = arith.index_cast %parallel_loop3A_407 : i32 to index
          %parallel_loop3A_418 = tpu.vector_load %arg10[%parallel_loop3A_416, %parallel_loop3A_417] {strides = array<i32>} : memref<3x80xi32, #tpu.memory_space<vmem>>, vector<1x16xi32>,
          %parallel_loop3A_419 = vector.shape_cast %parallel_loop3A_418 : vector<1x16xi32> to vector<16xi32>
          %parallel_loop3A_420 = vector.shape_cast %parallel_loop3A_414 : vector<16xi32> to vector<1x16xi32>
          tpu.vector_store %arg10[%parallel_loop3A_416, %parallel_loop3A_417], %parallel_loop3A_420 {strides = array<i32>} : memref<3x80xi32, #tpu.memory_space<vmem>>, vector<1x16xi32>,
          %parallel_loop3A_421 = arith.constant 0 : i32
          %parallel_loop3A_422 = arith.index_cast %parallel_loop3A_421 : i32 to index
          %parallel_loop3A_423 = arith.index_cast %parallel_loop3A_407 : i32 to index
          %parallel_loop3A_424 = tpu.vector_load %arg9[%parallel_loop3A_422, %parallel_loop3A_423] {strides = array<i32>} : memref<3x80xi32, #tpu.memory_space<vmem>>, vector<1x16xi32>,
          %parallel_loop3A_425 = vector.shape_cast %parallel_loop3A_424 : vector<1x16xi32> to vector<16xi32>
          %parallel_loop3A_426 = vector.broadcast %mul3A_0 : i32 to vector<16xi32>
          %parallel_loop3A_427 = arith.addi %parallel_loop3A_425, %parallel_loop3A_426 : vector<16xi32>
          %parallel_loop3A_428 = arith.constant 0 : i32
          %parallel_loop3A_429 = arith.index_cast %parallel_loop3A_428 : i32 to index
          %parallel_loop3A_430 = arith.index_cast %parallel_loop3A_407 : i32 to index
          %parallel_loop3A_431 = tpu.vector_load %arg11[%parallel_loop3A_429, %parallel_loop3A_430] {strides = array<i32>} : memref<3x80xi32, #tpu.memory_space<vmem>>, vector<1x16xi32>,
          %parallel_loop3A_432 = vector.shape_cast %parallel_loop3A_431 : vector<1x16xi32> to vector<16xi32>
          %parallel_loop3A_433 = vector.shape_cast %parallel_loop3A_427 : vector<16xi32> to vector<1x16xi32>
          tpu.vector_store %arg11[%parallel_loop3A_429, %parallel_loop3A_430], %parallel_loop3A_433 {strides = array<i32>} : memref<3x80xi32, #tpu.memory_space<vmem>>, vector<1x16xi32>,
          %parallel_loop3A_434 = arith.constant 0 : i32
          %parallel_loop3A_435 = arith.index_cast %parallel_loop3A_434 : i32 to index
          %parallel_loop3A_436 = arith.index_cast %parallel_loop3A_407 : i32 to index
          %parallel_loop3A_437 = tpu.vector_load %arg9[%parallel_loop3A_435, %parallel_loop3A_436] {strides = array<i32>} : memref<3x80xi32, #tpu.memory_space<vmem>>, vector<1x16xi32>,
          %parallel_loop3A_438 = vector.shape_cast %parallel_loop3A_437 : vector<1x16xi32> to vector<16xi32>
          %parallel_loop3A_439 = arith.constant 0 : i32
          %parallel_loop3A_440 = arith.index_cast %parallel_loop3A_439 : i32 to index
          %parallel_loop3A_441 = arith.index_cast %parallel_loop3A_407 : i32 to index
          %parallel_loop3A_442 = tpu.vector_load %arg12[%parallel_loop3A_440, %parallel_loop3A_441] {strides = array<i32>} : memref<3x80xi32, #tpu.memory_space<vmem>>, vector<1x16xi32>,
          %parallel_loop3A_443 = vector.shape_cast %parallel_loop3A_442 : vector<1x16xi32> to vector<16xi32>
          %parallel_loop3A_444 = vector.shape_cast %parallel_loop3A_438 : vector<16xi32> to vector<1x16xi32>
          tpu.vector_store %arg12[%parallel_loop3A_440, %parallel_loop3A_441], %parallel_loop3A_444 {strides = array<i32>} : memref<3x80xi32, #tpu.memory_space<vmem>>, vector<1x16xi32>,
        } {sc.loop_unroll_factor = 5 : i64, sc.parallel_access}
        %dma_start3A_375 = arith.constant 0 : i32
        %dma_start3A_376 = arith.constant 0 : i32
        %dma_start3A_377 = arith.constant 0 : i32
        %dma_start3A_378 = arith.constant 0 : i32
        %dma_start3A_379 = arith.constant 0 : i32
        %dma_start3A_380 = tpu.memref_slice %arg13[%dma_start3A_376, %dma_start3A_378, %dma_start3A_379] : memref<3x80x16xf32, #tpu.memory_space<vmem>> -> memref<1x80x16xf32, #tpu.memory_space<vmem>>
        %dma_start3A_381 = tpu.memref_squeeze %dma_start3A_380 : memref<1x80x16xf32, #tpu.memory_space<vmem>> -> memref<80x16xf32, #tpu.memory_space<vmem>>
        %dma_start3A_382 = arith.constant 0 : i32
        %dma_start3A_383 = tpu.memref_slice %arg11[%dma_start3A_375, %dma_start3A_382] : memref<3x80xi32, #tpu.memory_space<vmem>> -> memref<1x80xi32, #tpu.memory_space<vmem>>
        %dma_start3A_384 = tpu.memref_squeeze %dma_start3A_383 : memref<1x80xi32, #tpu.memory_space<vmem>> -> memref<80xi32, #tpu.memory_space<vmem>>
        %dma_start3A_385 = arith.constant 0 : i32
        %dma_start3A_386 = arith.constant 0 : i32
        %dma_start3A_387 = tpu.memref_slice %arg4[%dma_start3A_385, %dma_start3A_386] : memref<20224x16xf32, #tpu.memory_space<hbm>> -> memref<20224x16xf32, #tpu.memory_space<hbm>>
        %dma_start3A_388 = tpu.memref_slice %arg18[%dma_start3A_377] : memref<3x!tpu.dma_semaphore, #tpu.memory_space<semaphore_mem>> -> memref<1x!tpu.dma_semaphore, #tpu.memory_space<semaphore_mem>>
        %dma_start3A_389 = tpu.memref_squeeze %dma_start3A_388 : memref<1x!tpu.dma_semaphore, #tpu.memory_space<semaphore_mem>> -> memref<!tpu.dma_semaphore, #tpu.memory_space<semaphore_mem>>
        tpu.enqueue_indirect_dma source(%dma_start3A_387 : memref<20224x16xf32, #tpu.memory_space<hbm>>) target(%dma_start3A_381 : memref<80x16xf32, #tpu.memory_space<vmem>>) offsets(%dma_start3A_384 : memref<80xi32, #tpu.memory_space<vmem>>) semaphore(%dma_start3A_389 : memref<!tpu.dma_semaphore, #tpu.memory_space<semaphore_mem>>)
        %dma_start3A_390 = arith.constant 0 : i32
        %dma_start3A_391 = arith.constant 0 : i32
        %dma_start3A_392 = arith.constant 0 : i32
        %dma_start3A_393 = arith.constant 0 : i32
        %dma_start3A_394 = arith.constant 0 : i32
        %dma_start3A_395 = tpu.memref_slice %arg14[%dma_start3A_391, %dma_start3A_393, %dma_start3A_394] : memref<3x80x144xf32, #tpu.memory_space<vmem>> -> memref<1x80x144xf32, #tpu.memory_space<vmem>>
        %dma_start3A_396 = tpu.memref_squeeze %dma_start3A_395 : memref<1x80x144xf32, #tpu.memory_space<vmem>> -> memref<80x144xf32, #tpu.memory_space<vmem>>
        %dma_start3A_397 = arith.constant 0 : i32
        %dma_start3A_398 = tpu.memref_slice %arg10[%dma_start3A_390, %dma_start3A_397] : memref<3x80xi32, #tpu.memory_space<vmem>> -> memref<1x80xi32, #tpu.memory_space<vmem>>
        %dma_start3A_399 = tpu.memref_squeeze %dma_start3A_398 : memref<1x80xi32, #tpu.memory_space<vmem>> -> memref<80xi32, #tpu.memory_space<vmem>>
        %dma_start3A_400 = arith.constant 0 : i32
        %dma_start3A_401 = arith.constant 0 : i32
        %dma_start3A_402 = tpu.memref_slice %arg5[%dma_start3A_400, %dma_start3A_401] : memref<20224x144xf32, #tpu.memory_space<hbm>> -> memref<20224x144xf32, #tpu.memory_space<hbm>>
        %dma_start3A_403 = tpu.memref_slice %arg19[%dma_start3A_392] : memref<3x!tpu.dma_semaphore, #tpu.memory_space<semaphore_mem>> -> memref<1x!tpu.dma_semaphore, #tpu.memory_space<semaphore_mem>>
        %dma_start3A_404 = tpu.memref_squeeze %dma_start3A_403 : memref<1x!tpu.dma_semaphore, #tpu.memory_space<semaphore_mem>> -> memref<!tpu.dma_semaphore, #tpu.memory_space<semaphore_mem>>
        tpu.enqueue_indirect_dma source(%dma_start3A_402 : memref<20224x144xf32, #tpu.memory_space<hbm>>) target(%dma_start3A_396 : memref<80x144xf32, #tpu.memory_space<vmem>>) offsets(%dma_start3A_399 : memref<80xi32, #tpu.memory_space<vmem>>) semaphore(%dma_start3A_404 : memref<!tpu.dma_semaphore, #tpu.memory_space<semaphore_mem>>)
      } else {
      }
      %lt3A_316 = arith.constant 250 : i32
      %lt3A_317 = arith.cmpi slt, %add3A_300, %lt3A_316 : i32
      %convert_element_type3A_318 = arith.extui %lt3A_317 : i1 to i32
      %cond3A_319 = arith.constant 0 : i32
      %cond3A_320 = arith.cmpi ne, %convert_element_type3A_318, %cond3A_319 : i32
      scf.if %cond3A_320 {
        %add3A_372 = arith.constant 2 : i32
        %add3A_373 = arith.addi %add3A_300, %add3A_372 : i32
        %mul3A_374 = arith.constant 80 : i32
        %mul3A_375 = arith.muli %add3A_373, %mul3A_374 : i32
        %add3A_376 = arith.addi %mul3A_4, %mul3A_375 : i32
        %dma_start3A_377 = arith.constant 1 : i32
        %dma_start3A_378 = arith.constant 1 : i32
        %dma_start3A_379 = arith.constant 0 : i32
        %dma_start3A_380 = tpu.memref_slice %arg8[%dma_start3A_377, %dma_start3A_379] : memref<3x80xi32, #tpu.memory_space<vmem>> -> memref<1x80xi32, #tpu.memory_space<vmem>>
        %dma_start3A_381 = tpu.memref_squeeze %dma_start3A_380 : memref<1x80xi32, #tpu.memory_space<vmem>> -> memref<80xi32, #tpu.memory_space<vmem>>
        %dma_start3A_382 = tpu.memref_slice %arg2[%add3A_376] : memref<322560xi32, #tpu.memory_space<hbm>> -> memref<80xi32, #tpu.memory_space<hbm>>
        %dma_start3A_383 = tpu.memref_slice %arg16[%dma_start3A_378] : memref<3x!tpu.dma_semaphore, #tpu.memory_space<semaphore_mem>> -> memref<1x!tpu.dma_semaphore, #tpu.memory_space<semaphore_mem>>
        %dma_start3A_384 = tpu.memref_squeeze %dma_start3A_383 : memref<1x!tpu.dma_semaphore, #tpu.memory_space<semaphore_mem>> -> memref<!tpu.dma_semaphore, #tpu.memory_space<semaphore_mem>>
        %dma_start3A_385 = arith.constant 0 : i32
        %dma_start3A_386 = tpu.memref_slice %arg8[%dma_start3A_377, %dma_start3A_385] : memref<3x80xi32, #tpu.memory_space<vmem>> -> memref<1x80xi32, #tpu.memory_space<vmem>>
        %dma_start3A_387 = tpu.memref_squeeze %dma_start3A_386 : memref<1x80xi32, #tpu.memory_space<vmem>> -> memref<80xi32, #tpu.memory_space<vmem>>
        %dma_start3A_388 = tpu.memref_slice %arg2[%add3A_376] : memref<322560xi32, #tpu.memory_space<hbm>> -> memref<80xi32, #tpu.memory_space<hbm>>
        tpu.enqueue_dma source(%dma_start3A_388 : memref<80xi32, #tpu.memory_space<hbm>>) target(%dma_start3A_387 : memref<80xi32, #tpu.memory_space<vmem>>) target_semaphore(%dma_start3A_384 : memref<!tpu.dma_semaphore, #tpu.memory_space<semaphore_mem>>)
        %dma_start3A_389 = arith.constant 1 : i32
        %dma_start3A_390 = arith.constant 1 : i32
        %dma_start3A_391 = arith.constant 0 : i32
        %dma_start3A_392 = tpu.memref_slice %arg9[%dma_start3A_389, %dma_start3A_391] : memref<3x80xi32, #tpu.memory_space<vmem>> -> memref<1x80xi32, #tpu.memory_space<vmem>>
        %dma_start3A_393 = tpu.memref_squeeze %dma_start3A_392 : memref<1x80xi32, #tpu.memory_space<vmem>> -> memref<80xi32, #tpu.memory_space<vmem>>
        %dma_start3A_394 = tpu.memref_slice %arg3[%add3A_376] : memref<322560xi32, #tpu.memory_space<hbm>> -> memref<80xi32, #tpu.memory_space<hbm>>
        %dma_start3A_395 = tpu.memref_slice %arg17[%dma_start3A_390] : memref<3x!tpu.dma_semaphore, #tpu.memory_space<semaphore_mem>> -> memref<1x!tpu.dma_semaphore, #tpu.memory_space<semaphore_mem>>
        %dma_start3A_396 = tpu.memref_squeeze %dma_start3A_395 : memref<1x!tpu.dma_semaphore, #tpu.memory_space<semaphore_mem>> -> memref<!tpu.dma_semaphore, #tpu.memory_space<semaphore_mem>>
        %dma_start3A_397 = arith.constant 0 : i32
        %dma_start3A_398 = tpu.memref_slice %arg9[%dma_start3A_389, %dma_start3A_397] : memref<3x80xi32, #tpu.memory_space<vmem>> -> memref<1x80xi32, #tpu.memory_space<vmem>>
        %dma_start3A_399 = tpu.memref_squeeze %dma_start3A_398 : memref<1x80xi32, #tpu.memory_space<vmem>> -> memref<80xi32, #tpu.memory_space<vmem>>
        %dma_start3A_400 = tpu.memref_slice %arg3[%add3A_376] : memref<322560xi32, #tpu.memory_space<hbm>> -> memref<80xi32, #tpu.memory_space<hbm>>
        tpu.enqueue_dma source(%dma_start3A_400 : memref<80xi32, #tpu.memory_space<hbm>>) target(%dma_start3A_399 : memref<80xi32, #tpu.memory_space<vmem>>) target_semaphore(%dma_start3A_396 : memref<!tpu.dma_semaphore, #tpu.memory_space<semaphore_mem>>)
      } else {
      }
      %dma_wait3A_321 = arith.constant 2 : i32
      %dma_wait3A_322 = arith.constant 2 : i32
      %dma_wait3A_323 = arith.constant 2 : i32
      %dma_wait3A_324 = arith.constant 0 : i32
      %dma_wait3A_325 = arith.constant 0 : i32
      %dma_wait3A_326 = tpu.memref_slice %arg13[%dma_wait3A_322, %dma_wait3A_324, %dma_wait3A_325] : memref<3x80x16xf32, #tpu.memory_space<vmem>> -> memref<1x80x16xf32, #tpu.memory_space<vmem>>
      %dma_wait3A_327 = tpu.memref_squeeze %dma_wait3A_326 : memref<1x80x16xf32, #tpu.memory_space<vmem>> -> memref<80x16xf32, #tpu.memory_space<vmem>>
      %dma_wait3A_328 = arith.constant 0 : i32
      %dma_wait3A_329 = tpu.memref_slice %arg11[%dma_wait3A_321, %dma_wait3A_328] : memref<3x80xi32, #tpu.memory_space<vmem>> -> memref<1x80xi32, #tpu.memory_space<vmem>>
      %dma_wait3A_330 = tpu.memref_squeeze %dma_wait3A_329 : memref<1x80xi32, #tpu.memory_space<vmem>> -> memref<80xi32, #tpu.memory_space<vmem>>
      %dma_wait3A_331 = arith.constant 0 : i32
      %dma_wait3A_332 = arith.constant 0 : i32
      %dma_wait3A_333 = tpu.memref_slice %arg4[%dma_wait3A_331, %dma_wait3A_332] : memref<20224x16xf32, #tpu.memory_space<hbm>> -> memref<20224x16xf32, #tpu.memory_space<hbm>>
      %dma_wait3A_334 = tpu.memref_slice %arg18[%dma_wait3A_323] : memref<3x!tpu.dma_semaphore, #tpu.memory_space<semaphore_mem>> -> memref<1x!tpu.dma_semaphore, #tpu.memory_space<semaphore_mem>>
      %dma_wait3A_335 = tpu.memref_squeeze %dma_wait3A_334 : memref<1x!tpu.dma_semaphore, #tpu.memory_space<semaphore_mem>> -> memref<!tpu.dma_semaphore, #tpu.memory_space<semaphore_mem>>
      tpu.wait_indirect_dma semaphore(%dma_wait3A_335 : memref<!tpu.dma_semaphore, #tpu.memory_space<semaphore_mem>>) src(%dma_wait3A_333 : memref<20224x16xf32, #tpu.memory_space<hbm>>) dst(%dma_wait3A_327 : memref<80x16xf32, #tpu.memory_space<vmem>>)
      %dma_wait3A_336 = arith.constant 2 : i32
      %dma_wait3A_337 = arith.constant 2 : i32
      %dma_wait3A_338 = arith.constant 2 : i32
      %dma_wait3A_339 = arith.constant 0 : i32
      %dma_wait3A_340 = arith.constant 0 : i32
      %dma_wait3A_341 = tpu.memref_slice %arg14[%dma_wait3A_337, %dma_wait3A_339, %dma_wait3A_340] : memref<3x80x144xf32, #tpu.memory_space<vmem>> -> memref<1x80x144xf32, #tpu.memory_space<vmem>>
      %dma_wait3A_342 = tpu.memref_squeeze %dma_wait3A_341 : memref<1x80x144xf32, #tpu.memory_space<vmem>> -> memref<80x144xf32, #tpu.memory_space<vmem>>
      %dma_wait3A_343 = arith.constant 0 : i32
      %dma_wait3A_344 = tpu.memref_slice %arg10[%dma_wait3A_336, %dma_wait3A_343] : memref<3x80xi32, #tpu.memory_space<vmem>> -> memref<1x80xi32, #tpu.memory_space<vmem>>
      %dma_wait3A_345 = tpu.memref_squeeze %dma_wait3A_344 : memref<1x80xi32, #tpu.memory_space<vmem>> -> memref<80xi32, #tpu.memory_space<vmem>>
      %dma_wait3A_346 = arith.constant 0 : i32
      %dma_wait3A_347 = arith.constant 0 : i32
      %dma_wait3A_348 = tpu.memref_slice %arg5[%dma_wait3A_346, %dma_wait3A_347] : memref<20224x144xf32, #tpu.memory_space<hbm>> -> memref<20224x144xf32, #tpu.memory_space<hbm>>
      %dma_wait3A_349 = tpu.memref_slice %arg19[%dma_wait3A_338] : memref<3x!tpu.dma_semaphore, #tpu.memory_space<semaphore_mem>> -> memref<1x!tpu.dma_semaphore, #tpu.memory_space<semaphore_mem>>
      %dma_wait3A_350 = tpu.memref_squeeze %dma_wait3A_349 : memref<1x!tpu.dma_semaphore, #tpu.memory_space<semaphore_mem>> -> memref<!tpu.dma_semaphore, #tpu.memory_space<semaphore_mem>>
      tpu.wait_indirect_dma semaphore(%dma_wait3A_350 : memref<!tpu.dma_semaphore, #tpu.memory_space<semaphore_mem>>) src(%dma_wait3A_348 : memref<20224x144xf32, #tpu.memory_space<hbm>>) dst(%dma_wait3A_342 : memref<80x144xf32, #tpu.memory_space<vmem>>)
      %parallel_loop3A_351 = arith.constant 0 : i32
      %parallel_loop3A_352 = arith.constant 80 : i32
      %parallel_loop3A_353 = arith.constant 1 : i32
      scf.for %parallel_loop3A_372 = %parallel_loop3A_351 to %parallel_loop3A_352 step %parallel_loop3A_353  : i32 {
        %parallel_loop3A_373 = arith.constant 2 : i32
        %parallel_loop3A_374 = arith.index_cast %parallel_loop3A_373 : i32 to index
        %parallel_loop3A_375 = arith.index_cast %parallel_loop3A_372 : i32 to index
        %parallel_loop3A_376 = arith.constant 128 : index
        %parallel_loop3A_377 = tpu.vector_load %arg14[%parallel_loop3A_374, %parallel_loop3A_375, %parallel_loop3A_376] {strides = array<i32>} : memref<3x80x144xf32, #tpu.memory_space<vmem>>, vector<1x1x16xf32>,
        %parallel_loop3A_378 = vector.shape_cast %parallel_loop3A_377 : vector<1x1x16xf32> to vector<16xf32>
        %parallel_loop3A_379 = arith.constant 2 : i32
        %parallel_loop3A_380 = arith.index_cast %parallel_loop3A_379 : i32 to index
        %parallel_loop3A_381 = arith.index_cast %parallel_loop3A_372 : i32 to index
        %parallel_loop3A_382 = arith.constant 0 : index
        %parallel_loop3A_383 = tpu.vector_load %arg13[%parallel_loop3A_380, %parallel_loop3A_381, %parallel_loop3A_382] {strides = array<i32>} : memref<3x80x16xf32, #tpu.memory_space<vmem>>, vector<1x1x16xf32>,
        %parallel_loop3A_384 = vector.shape_cast %parallel_loop3A_383 : vector<1x1x16xf32> to vector<16xf32>
        %parallel_loop3A_385 = arith.addf %parallel_loop3A_378, %parallel_loop3A_384 : vector<16xf32>
        %parallel_loop3A_386 = arith.constant 2.000000e-01 : f32
        %parallel_loop3A_387 = vector.broadcast %parallel_loop3A_386 : f32 to vector<16xf32>
        %parallel_loop3A_388 = arith.mulf %parallel_loop3A_387, %parallel_loop3A_385 : vector<16xf32>
        %parallel_loop3A_389 = arith.maximumf %parallel_loop3A_385, %parallel_loop3A_388 : vector<16xf32>
        %parallel_loop3A_390 = math.exp %parallel_loop3A_389 : vector<16xf32>
        %parallel_loop3A_391 = arith.constant 2 : i32
        %parallel_loop3A_392 = arith.index_cast %parallel_loop3A_391 : i32 to index
        %parallel_loop3A_393 = arith.index_cast %parallel_loop3A_372 : i32 to index
        %parallel_loop3A_394 = arith.constant 128 : index
        %parallel_loop3A_395 = tpu.vector_load %arg14[%parallel_loop3A_392, %parallel_loop3A_393, %parallel_loop3A_394] {strides = array<i32>} : memref<3x80x144xf32, #tpu.memory_space<vmem>>, vector<1x1x16xf32>,
        %parallel_loop3A_396 = vector.shape_cast %parallel_loop3A_395 : vector<1x1x16xf32> to vector<16xf32>
        %parallel_loop3A_397 = vector.shape_cast %parallel_loop3A_390 : vector<16xf32> to vector<1x1x16xf32>
        tpu.vector_store %arg14[%parallel_loop3A_392, %parallel_loop3A_393, %parallel_loop3A_394], %parallel_loop3A_397 {strides = array<i32>} : memref<3x80x144xf32, #tpu.memory_space<vmem>>, vector<1x1x16xf32>,
      } {sc.loop_unroll_factor = 8 : i64, sc.parallel_access}
      %parallel_loop3A_354 = arith.constant 0 : i32
      %parallel_loop3A_355 = arith.constant 80 : i32
      %parallel_loop3A_356 = arith.constant 1 : i32
      scf.for %parallel_loop3A_372 = %parallel_loop3A_354 to %parallel_loop3A_355 step %parallel_loop3A_356  : i32 {
        %parallel_loop3A_373 = arith.constant 2 : i32
        %parallel_loop3A_374 = arith.index_cast %parallel_loop3A_373 : i32 to index
        %parallel_loop3A_375 = arith.index_cast %parallel_loop3A_372 : i32 to index
        %parallel_loop3A_376 = arith.constant 128 : index
        %parallel_loop3A_377 = tpu.vector_load %arg14[%parallel_loop3A_374, %parallel_loop3A_375, %parallel_loop3A_376] {strides = array<i32>} : memref<3x80x144xf32, #tpu.memory_space<vmem>>, vector<1x1x16xf32>,
        %parallel_loop3A_378 = vector.shape_cast %parallel_loop3A_377 : vector<1x1x16xf32> to vector<16xf32>
        %parallel_loop3A_379 = arith.constant 2 : i32
        %parallel_loop3A_380 = arith.index_cast %parallel_loop3A_379 : i32 to index
        %parallel_loop3A_381 = arith.index_cast %parallel_loop3A_372 : i32 to index
        %parallel_loop3A_382 = arith.constant 0 : index
        %parallel_loop3A_383 = tpu.vector_load %arg14[%parallel_loop3A_380, %parallel_loop3A_381, %parallel_loop3A_382] {strides = array<i32>} : memref<3x80x144xf32, #tpu.memory_space<vmem>>, vector<1x1x16xf32>,
        %parallel_loop3A_384 = vector.shape_cast %parallel_loop3A_383 : vector<1x1x16xf32> to vector<16xf32>
        %parallel_loop3A_385 = vector.extract_strided_slice %parallel_loop3A_378 {offsets = [0], sizes = [1], strides = [1]} : vector<16xf32> to vector<1xf32>
        %parallel_loop3A_386 = vector.extract %parallel_loop3A_385[0] : f32 from vector<1xf32>
        %parallel_loop3A_387 = vector.broadcast %parallel_loop3A_386 : f32 to vector<16xf32>
        %parallel_loop3A_388 = arith.mulf %parallel_loop3A_384, %parallel_loop3A_387 : vector<16xf32>
        %parallel_loop3A_389 = arith.constant 2 : i32
        %parallel_loop3A_390 = arith.index_cast %parallel_loop3A_389 : i32 to index
        %parallel_loop3A_391 = arith.index_cast %parallel_loop3A_372 : i32 to index
        %parallel_loop3A_392 = arith.constant 0 : index
        %parallel_loop3A_393 = tpu.vector_load %arg14[%parallel_loop3A_390, %parallel_loop3A_391, %parallel_loop3A_392] {strides = array<i32>} : memref<3x80x144xf32, #tpu.memory_space<vmem>>, vector<1x1x16xf32>,
        %parallel_loop3A_394 = vector.shape_cast %parallel_loop3A_393 : vector<1x1x16xf32> to vector<16xf32>
        %parallel_loop3A_395 = vector.shape_cast %parallel_loop3A_388 : vector<16xf32> to vector<1x1x16xf32>
        tpu.vector_store %arg14[%parallel_loop3A_390, %parallel_loop3A_391, %parallel_loop3A_392], %parallel_loop3A_395 {strides = array<i32>} : memref<3x80x144xf32, #tpu.memory_space<vmem>>, vector<1x1x16xf32>,
        %parallel_loop3A_396 = arith.constant 2 : i32
        %parallel_loop3A_397 = arith.index_cast %parallel_loop3A_396 : i32 to index
        %parallel_loop3A_398 = arith.index_cast %parallel_loop3A_372 : i32 to index
        %parallel_loop3A_399 = arith.constant 16 : index
        %parallel_loop3A_400 = tpu.vector_load %arg14[%parallel_loop3A_397, %parallel_loop3A_398, %parallel_loop3A_399] {strides = array<i32>} : memref<3x80x144xf32, #tpu.memory_space<vmem>>, vector<1x1x16xf32>,
        %parallel_loop3A_401 = vector.shape_cast %parallel_loop3A_400 : vector<1x1x16xf32> to vector<16xf32>
        %parallel_loop3A_402 = vector.extract_strided_slice %parallel_loop3A_378 {offsets = [0], sizes = [1], strides = [1]} : vector<16xf32> to vector<1xf32>
        %parallel_loop3A_403 = vector.extract %parallel_loop3A_402[0] : f32 from vector<1xf32>
        %parallel_loop3A_404 = vector.broadcast %parallel_loop3A_403 : f32 to vector<16xf32>
        %parallel_loop3A_405 = arith.mulf %parallel_loop3A_401, %parallel_loop3A_404 : vector<16xf32>
        %parallel_loop3A_406 = arith.constant 2 : i32
        %parallel_loop3A_407 = arith.index_cast %parallel_loop3A_406 : i32 to index
        %parallel_loop3A_408 = arith.index_cast %parallel_loop3A_372 : i32 to index
        %parallel_loop3A_409 = arith.constant 16 : index
        %parallel_loop3A_410 = tpu.vector_load %arg14[%parallel_loop3A_407, %parallel_loop3A_408, %parallel_loop3A_409] {strides = array<i32>} : memref<3x80x144xf32, #tpu.memory_space<vmem>>, vector<1x1x16xf32>,
        %parallel_loop3A_411 = vector.shape_cast %parallel_loop3A_410 : vector<1x1x16xf32> to vector<16xf32>
        %parallel_loop3A_412 = vector.shape_cast %parallel_loop3A_405 : vector<16xf32> to vector<1x1x16xf32>
        tpu.vector_store %arg14[%parallel_loop3A_407, %parallel_loop3A_408, %parallel_loop3A_409], %parallel_loop3A_412 {strides = array<i32>} : memref<3x80x144xf32, #tpu.memory_space<vmem>>, vector<1x1x16xf32>,
        %parallel_loop3A_413 = arith.constant 2 : i32
        %parallel_loop3A_414 = arith.index_cast %parallel_loop3A_413 : i32 to index
        %parallel_loop3A_415 = arith.index_cast %parallel_loop3A_372 : i32 to index
        %parallel_loop3A_416 = arith.constant 32 : index
        %parallel_loop3A_417 = tpu.vector_load %arg14[%parallel_loop3A_414, %parallel_loop3A_415, %parallel_loop3A_416] {strides = array<i32>} : memref<3x80x144xf32, #tpu.memory_space<vmem>>, vector<1x1x16xf32>,
        %parallel_loop3A_418 = vector.shape_cast %parallel_loop3A_417 : vector<1x1x16xf32> to vector<16xf32>
        %parallel_loop3A_419 = vector.extract_strided_slice %parallel_loop3A_378 {offsets = [1], sizes = [1], strides = [1]} : vector<16xf32> to vector<1xf32>
        %parallel_loop3A_420 = vector.extract %parallel_loop3A_419[0] : f32 from vector<1xf32>
        %parallel_loop3A_421 = vector.broadcast %parallel_loop3A_420 : f32 to vector<16xf32>
        %parallel_loop3A_422 = arith.mulf %parallel_loop3A_418, %parallel_loop3A_421 : vector<16xf32>
        %parallel_loop3A_423 = arith.constant 2 : i32
        %parallel_loop3A_424 = arith.index_cast %parallel_loop3A_423 : i32 to index
        %parallel_loop3A_425 = arith.index_cast %parallel_loop3A_372 : i32 to index
        %parallel_loop3A_426 = arith.constant 32 : index
        %parallel_loop3A_427 = tpu.vector_load %arg14[%parallel_loop3A_424, %parallel_loop3A_425, %parallel_loop3A_426] {strides = array<i32>} : memref<3x80x144xf32, #tpu.memory_space<vmem>>, vector<1x1x16xf32>,
        %parallel_loop3A_428 = vector.shape_cast %parallel_loop3A_427 : vector<1x1x16xf32> to vector<16xf32>
        %parallel_loop3A_429 = vector.shape_cast %parallel_loop3A_422 : vector<16xf32> to vector<1x1x16xf32>
        tpu.vector_store %arg14[%parallel_loop3A_424, %parallel_loop3A_425, %parallel_loop3A_426], %parallel_loop3A_429 {strides = array<i32>} : memref<3x80x144xf32, #tpu.memory_space<vmem>>, vector<1x1x16xf32>,
        %parallel_loop3A_430 = arith.constant 2 : i32
        %parallel_loop3A_431 = arith.index_cast %parallel_loop3A_430 : i32 to index
        %parallel_loop3A_432 = arith.index_cast %parallel_loop3A_372 : i32 to index
        %parallel_loop3A_433 = arith.constant 48 : index
        %parallel_loop3A_434 = tpu.vector_load %arg14[%parallel_loop3A_431, %parallel_loop3A_432, %parallel_loop3A_433] {strides = array<i32>} : memref<3x80x144xf32, #tpu.memory_space<vmem>>, vector<1x1x16xf32>,
        %parallel_loop3A_435 = vector.shape_cast %parallel_loop3A_434 : vector<1x1x16xf32> to vector<16xf32>
        %parallel_loop3A_436 = vector.extract_strided_slice %parallel_loop3A_378 {offsets = [1], sizes = [1], strides = [1]} : vector<16xf32> to vector<1xf32>
        %parallel_loop3A_437 = vector.extract %parallel_loop3A_436[0] : f32 from vector<1xf32>
        %parallel_loop3A_438 = vector.broadcast %parallel_loop3A_437 : f32 to vector<16xf32>
        %parallel_loop3A_439 = arith.mulf %parallel_loop3A_435, %parallel_loop3A_438 : vector<16xf32>
        %parallel_loop3A_440 = arith.constant 2 : i32
        %parallel_loop3A_441 = arith.index_cast %parallel_loop3A_440 : i32 to index
        %parallel_loop3A_442 = arith.index_cast %parallel_loop3A_372 : i32 to index
        %parallel_loop3A_443 = arith.constant 48 : index
        %parallel_loop3A_444 = tpu.vector_load %arg14[%parallel_loop3A_441, %parallel_loop3A_442, %parallel_loop3A_443] {strides = array<i32>} : memref<3x80x144xf32, #tpu.memory_space<vmem>>, vector<1x1x16xf32>,
        %parallel_loop3A_445 = vector.shape_cast %parallel_loop3A_444 : vector<1x1x16xf32> to vector<16xf32>
        %parallel_loop3A_446 = vector.shape_cast %parallel_loop3A_439 : vector<16xf32> to vector<1x1x16xf32>
        tpu.vector_store %arg14[%parallel_loop3A_441, %parallel_loop3A_442, %parallel_loop3A_443], %parallel_loop3A_446 {strides = array<i32>} : memref<3x80x144xf32, #tpu.memory_space<vmem>>, vector<1x1x16xf32>,
        %parallel_loop3A_447 = arith.constant 2 : i32
        %parallel_loop3A_448 = arith.index_cast %parallel_loop3A_447 : i32 to index
        %parallel_loop3A_449 = arith.index_cast %parallel_loop3A_372 : i32 to index
        %parallel_loop3A_450 = arith.constant 64 : index
        %parallel_loop3A_451 = tpu.vector_load %arg14[%parallel_loop3A_448, %parallel_loop3A_449, %parallel_loop3A_450] {strides = array<i32>} : memref<3x80x144xf32, #tpu.memory_space<vmem>>, vector<1x1x16xf32>,
        %parallel_loop3A_452 = vector.shape_cast %parallel_loop3A_451 : vector<1x1x16xf32> to vector<16xf32>
        %parallel_loop3A_453 = vector.extract_strided_slice %parallel_loop3A_378 {offsets = [2], sizes = [1], strides = [1]} : vector<16xf32> to vector<1xf32>
        %parallel_loop3A_454 = vector.extract %parallel_loop3A_453[0] : f32 from vector<1xf32>
        %parallel_loop3A_455 = vector.broadcast %parallel_loop3A_454 : f32 to vector<16xf32>
        %parallel_loop3A_456 = arith.mulf %parallel_loop3A_452, %parallel_loop3A_455 : vector<16xf32>
        %parallel_loop3A_457 = arith.constant 2 : i32
        %parallel_loop3A_458 = arith.index_cast %parallel_loop3A_457 : i32 to index
        %parallel_loop3A_459 = arith.index_cast %parallel_loop3A_372 : i32 to index
        %parallel_loop3A_460 = arith.constant 64 : index
        %parallel_loop3A_461 = tpu.vector_load %arg14[%parallel_loop3A_458, %parallel_loop3A_459, %parallel_loop3A_460] {strides = array<i32>} : memref<3x80x144xf32, #tpu.memory_space<vmem>>, vector<1x1x16xf32>,
        %parallel_loop3A_462 = vector.shape_cast %parallel_loop3A_461 : vector<1x1x16xf32> to vector<16xf32>
        %parallel_loop3A_463 = vector.shape_cast %parallel_loop3A_456 : vector<16xf32> to vector<1x1x16xf32>
        tpu.vector_store %arg14[%parallel_loop3A_458, %parallel_loop3A_459, %parallel_loop3A_460], %parallel_loop3A_463 {strides = array<i32>} : memref<3x80x144xf32, #tpu.memory_space<vmem>>, vector<1x1x16xf32>,
        %parallel_loop3A_464 = arith.constant 2 : i32
        %parallel_loop3A_465 = arith.index_cast %parallel_loop3A_464 : i32 to index
        %parallel_loop3A_466 = arith.index_cast %parallel_loop3A_372 : i32 to index
        %parallel_loop3A_467 = arith.constant 80 : index
        %parallel_loop3A_468 = tpu.vector_load %arg14[%parallel_loop3A_465, %parallel_loop3A_466, %parallel_loop3A_467] {strides = array<i32>} : memref<3x80x144xf32, #tpu.memory_space<vmem>>, vector<1x1x16xf32>,
        %parallel_loop3A_469 = vector.shape_cast %parallel_loop3A_468 : vector<1x1x16xf32> to vector<16xf32>
        %parallel_loop3A_470 = vector.extract_strided_slice %parallel_loop3A_378 {offsets = [2], sizes = [1], strides = [1]} : vector<16xf32> to vector<1xf32>
        %parallel_loop3A_471 = vector.extract %parallel_loop3A_470[0] : f32 from vector<1xf32>
        %parallel_loop3A_472 = vector.broadcast %parallel_loop3A_471 : f32 to vector<16xf32>
        %parallel_loop3A_473 = arith.mulf %parallel_loop3A_469, %parallel_loop3A_472 : vector<16xf32>
        %parallel_loop3A_474 = arith.constant 2 : i32
        %parallel_loop3A_475 = arith.index_cast %parallel_loop3A_474 : i32 to index
        %parallel_loop3A_476 = arith.index_cast %parallel_loop3A_372 : i32 to index
        %parallel_loop3A_477 = arith.constant 80 : index
        %parallel_loop3A_478 = tpu.vector_load %arg14[%parallel_loop3A_475, %parallel_loop3A_476, %parallel_loop3A_477] {strides = array<i32>} : memref<3x80x144xf32, #tpu.memory_space<vmem>>, vector<1x1x16xf32>,
        %parallel_loop3A_479 = vector.shape_cast %parallel_loop3A_478 : vector<1x1x16xf32> to vector<16xf32>
        %parallel_loop3A_480 = vector.shape_cast %parallel_loop3A_473 : vector<16xf32> to vector<1x1x16xf32>
        tpu.vector_store %arg14[%parallel_loop3A_475, %parallel_loop3A_476, %parallel_loop3A_477], %parallel_loop3A_480 {strides = array<i32>} : memref<3x80x144xf32, #tpu.memory_space<vmem>>, vector<1x1x16xf32>,
        %parallel_loop3A_481 = arith.constant 2 : i32
        %parallel_loop3A_482 = arith.index_cast %parallel_loop3A_481 : i32 to index
        %parallel_loop3A_483 = arith.index_cast %parallel_loop3A_372 : i32 to index
        %parallel_loop3A_484 = arith.constant 96 : index
        %parallel_loop3A_485 = tpu.vector_load %arg14[%parallel_loop3A_482, %parallel_loop3A_483, %parallel_loop3A_484] {strides = array<i32>} : memref<3x80x144xf32, #tpu.memory_space<vmem>>, vector<1x1x16xf32>,
        %parallel_loop3A_486 = vector.shape_cast %parallel_loop3A_485 : vector<1x1x16xf32> to vector<16xf32>
        %parallel_loop3A_487 = vector.extract_strided_slice %parallel_loop3A_378 {offsets = [3], sizes = [1], strides = [1]} : vector<16xf32> to vector<1xf32>
        %parallel_loop3A_488 = vector.extract %parallel_loop3A_487[0] : f32 from vector<1xf32>
        %parallel_loop3A_489 = vector.broadcast %parallel_loop3A_488 : f32 to vector<16xf32>
        %parallel_loop3A_490 = arith.mulf %parallel_loop3A_486, %parallel_loop3A_489 : vector<16xf32>
        %parallel_loop3A_491 = arith.constant 2 : i32
        %parallel_loop3A_492 = arith.index_cast %parallel_loop3A_491 : i32 to index
        %parallel_loop3A_493 = arith.index_cast %parallel_loop3A_372 : i32 to index
        %parallel_loop3A_494 = arith.constant 96 : index
        %parallel_loop3A_495 = tpu.vector_load %arg14[%parallel_loop3A_492, %parallel_loop3A_493, %parallel_loop3A_494] {strides = array<i32>} : memref<3x80x144xf32, #tpu.memory_space<vmem>>, vector<1x1x16xf32>,
        %parallel_loop3A_496 = vector.shape_cast %parallel_loop3A_495 : vector<1x1x16xf32> to vector<16xf32>
        %parallel_loop3A_497 = vector.shape_cast %parallel_loop3A_490 : vector<16xf32> to vector<1x1x16xf32>
        tpu.vector_store %arg14[%parallel_loop3A_492, %parallel_loop3A_493, %parallel_loop3A_494], %parallel_loop3A_497 {strides = array<i32>} : memref<3x80x144xf32, #tpu.memory_space<vmem>>, vector<1x1x16xf32>,
        %parallel_loop3A_498 = arith.constant 2 : i32
        %parallel_loop3A_499 = arith.index_cast %parallel_loop3A_498 : i32 to index
        %parallel_loop3A_500 = arith.index_cast %parallel_loop3A_372 : i32 to index
        %parallel_loop3A_501 = arith.constant 112 : index
        %parallel_loop3A_502 = tpu.vector_load %arg14[%parallel_loop3A_499, %parallel_loop3A_500, %parallel_loop3A_501] {strides = array<i32>} : memref<3x80x144xf32, #tpu.memory_space<vmem>>, vector<1x1x16xf32>,
        %parallel_loop3A_503 = vector.shape_cast %parallel_loop3A_502 : vector<1x1x16xf32> to vector<16xf32>
        %parallel_loop3A_504 = vector.extract_strided_slice %parallel_loop3A_378 {offsets = [3], sizes = [1], strides = [1]} : vector<16xf32> to vector<1xf32>
        %parallel_loop3A_505 = vector.extract %parallel_loop3A_504[0] : f32 from vector<1xf32>
        %parallel_loop3A_506 = vector.broadcast %parallel_loop3A_505 : f32 to vector<16xf32>
        %parallel_loop3A_507 = arith.mulf %parallel_loop3A_503, %parallel_loop3A_506 : vector<16xf32>
        %parallel_loop3A_508 = arith.constant 2 : i32
        %parallel_loop3A_509 = arith.index_cast %parallel_loop3A_508 : i32 to index
        %parallel_loop3A_510 = arith.index_cast %parallel_loop3A_372 : i32 to index
        %parallel_loop3A_511 = arith.constant 112 : index
        %parallel_loop3A_512 = tpu.vector_load %arg14[%parallel_loop3A_509, %parallel_loop3A_510, %parallel_loop3A_511] {strides = array<i32>} : memref<3x80x144xf32, #tpu.memory_space<vmem>>, vector<1x1x16xf32>,
        %parallel_loop3A_513 = vector.shape_cast %parallel_loop3A_512 : vector<1x1x16xf32> to vector<16xf32>
        %parallel_loop3A_514 = vector.shape_cast %parallel_loop3A_507 : vector<16xf32> to vector<1x1x16xf32>
        tpu.vector_store %arg14[%parallel_loop3A_509, %parallel_loop3A_510, %parallel_loop3A_511], %parallel_loop3A_514 {strides = array<i32>} : memref<3x80x144xf32, #tpu.memory_space<vmem>>, vector<1x1x16xf32>,
      } {sc.loop_unroll_factor = 4 : i64, sc.parallel_access}
      %dma_start3A_357 = arith.constant 2 : i32
      %dma_start3A_358 = arith.constant 2 : i32
      %dma_start3A_359 = arith.constant 2 : i32
      %dma_start3A_360 = arith.constant 0 : i32
      %dma_start3A_361 = arith.constant 0 : i32
      %dma_start3A_362 = tpu.memref_slice %arg14[%dma_start3A_357, %dma_start3A_360, %dma_start3A_361] : memref<3x80x144xf32, #tpu.memory_space<vmem>> -> memref<1x80x144xf32, #tpu.memory_space<vmem>>
      %dma_start3A_363 = tpu.memref_squeeze %dma_start3A_362 : memref<1x80x144xf32, #tpu.memory_space<vmem>> -> memref<80x144xf32, #tpu.memory_space<vmem>>
      %dma_start3A_364 = arith.constant 0 : i32
      %dma_start3A_365 = tpu.memref_slice %arg12[%dma_start3A_358, %dma_start3A_364] : memref<3x80xi32, #tpu.memory_space<vmem>> -> memref<1x80xi32, #tpu.memory_space<vmem>>
      %dma_start3A_366 = tpu.memref_squeeze %dma_start3A_365 : memref<1x80xi32, #tpu.memory_space<vmem>> -> memref<80xi32, #tpu.memory_space<vmem>>
      %dma_start3A_367 = arith.constant 0 : i32
      %dma_start3A_368 = arith.constant 0 : i32
      %dma_start3A_369 = tpu.memref_slice %arg15[%dma_start3A_367, %dma_start3A_368] : memref<10112x144xf32, #tpu.memory_space<vmem_shared>> -> memref<10112x144xf32, #tpu.memory_space<vmem_shared>>
      %dma_start3A_370 = tpu.memref_slice %arg20[%dma_start3A_359] : memref<3x!tpu.dma_semaphore, #tpu.memory_space<semaphore_mem>> -> memref<1x!tpu.dma_semaphore, #tpu.memory_space<semaphore_mem>>
      %dma_start3A_371 = tpu.memref_squeeze %dma_start3A_370 : memref<1x!tpu.dma_semaphore, #tpu.memory_space<semaphore_mem>> -> memref<!tpu.dma_semaphore, #tpu.memory_space<semaphore_mem>>
      tpu.enqueue_indirect_dma source(%dma_start3A_363 : memref<80x144xf32, #tpu.memory_space<vmem>>) target(%dma_start3A_369 : memref<10112x144xf32, #tpu.memory_space<vmem_shared>>) offsets(%dma_start3A_366 : memref<80xi32, #tpu.memory_space<vmem>>) semaphore(%dma_start3A_371 : memref<!tpu.dma_semaphore, #tpu.memory_space<semaphore_mem>>) {add = true}
    }
    %scan3A_119 = arith.constant 84 : i32
    %dma_wait3A_120 = arith.constant 1 : i32
    %dma_wait3A_121 = arith.constant 1 : i32
    %dma_wait3A_122 = arith.constant 1 : i32
    %dma_wait3A_123 = arith.constant 0 : i32
    %dma_wait3A_124 = arith.constant 0 : i32
    %dma_wait3A_125 = tpu.memref_slice %arg14[%dma_wait3A_120, %dma_wait3A_123, %dma_wait3A_124] : memref<3x80x144xf32, #tpu.memory_space<vmem>> -> memref<1x80x144xf32, #tpu.memory_space<vmem>>
    %dma_wait3A_126 = tpu.memref_squeeze %dma_wait3A_125 : memref<1x80x144xf32, #tpu.memory_space<vmem>> -> memref<80x144xf32, #tpu.memory_space<vmem>>
    %dma_wait3A_127 = arith.constant 0 : i32
    %dma_wait3A_128 = tpu.memref_slice %arg12[%dma_wait3A_121, %dma_wait3A_127] : memref<3x80xi32, #tpu.memory_space<vmem>> -> memref<1x80xi32, #tpu.memory_space<vmem>>
    %dma_wait3A_129 = tpu.memref_squeeze %dma_wait3A_128 : memref<1x80xi32, #tpu.memory_space<vmem>> -> memref<80xi32, #tpu.memory_space<vmem>>
    %dma_wait3A_130 = arith.constant 0 : i32
    %dma_wait3A_131 = arith.constant 0 : i32
    %dma_wait3A_132 = tpu.memref_slice %arg15[%dma_wait3A_130, %dma_wait3A_131] : memref<10112x144xf32, #tpu.memory_space<vmem_shared>> -> memref<10112x144xf32, #tpu.memory_space<vmem_shared>>
    %dma_wait3A_133 = tpu.memref_slice %arg20[%dma_wait3A_122] : memref<3x!tpu.dma_semaphore, #tpu.memory_space<semaphore_mem>> -> memref<1x!tpu.dma_semaphore, #tpu.memory_space<semaphore_mem>>
    %dma_wait3A_134 = tpu.memref_squeeze %dma_wait3A_133 : memref<1x!tpu.dma_semaphore, #tpu.memory_space<semaphore_mem>> -> memref<!tpu.dma_semaphore, #tpu.memory_space<semaphore_mem>>
    tpu.wait_indirect_dma semaphore(%dma_wait3A_134 : memref<!tpu.dma_semaphore, #tpu.memory_space<semaphore_mem>>) src(%dma_wait3A_126 : memref<80x144xf32, #tpu.memory_space<vmem>>) dst(%dma_wait3A_132 : memref<10112x144xf32, #tpu.memory_space<vmem_shared>>)
    %dma_wait3A_135 = arith.constant 2 : i32
    %dma_wait3A_136 = arith.constant 2 : i32
    %dma_wait3A_137 = arith.constant 2 : i32
    %dma_wait3A_138 = arith.constant 0 : i32
    %dma_wait3A_139 = arith.constant 0 : i32
    %dma_wait3A_140 = tpu.memref_slice %arg14[%dma_wait3A_135, %dma_wait3A_138, %dma_wait3A_139] : memref<3x80x144xf32, #tpu.memory_space<vmem>> -> memref<1x80x144xf32, #tpu.memory_space<vmem>>
    %dma_wait3A_141 = tpu.memref_squeeze %dma_wait3A_140 : memref<1x80x144xf32, #tpu.memory_space<vmem>> -> memref<80x144xf32, #tpu.memory_space<vmem>>
    %dma_wait3A_142 = arith.constant 0 : i32
    %dma_wait3A_143 = tpu.memref_slice %arg12[%dma_wait3A_136, %dma_wait3A_142] : memref<3x80xi32, #tpu.memory_space<vmem>> -> memref<1x80xi32, #tpu.memory_space<vmem>>
    %dma_wait3A_144 = tpu.memref_squeeze %dma_wait3A_143 : memref<1x80xi32, #tpu.memory_space<vmem>> -> memref<80xi32, #tpu.memory_space<vmem>>
    %dma_wait3A_145 = arith.constant 0 : i32
    %dma_wait3A_146 = arith.constant 0 : i32
    %dma_wait3A_147 = tpu.memref_slice %arg15[%dma_wait3A_145, %dma_wait3A_146] : memref<10112x144xf32, #tpu.memory_space<vmem_shared>> -> memref<10112x144xf32, #tpu.memory_space<vmem_shared>>
    %dma_wait3A_148 = tpu.memref_slice %arg20[%dma_wait3A_137] : memref<3x!tpu.dma_semaphore, #tpu.memory_space<semaphore_mem>> -> memref<1x!tpu.dma_semaphore, #tpu.memory_space<semaphore_mem>>
    %dma_wait3A_149 = tpu.memref_squeeze %dma_wait3A_148 : memref<1x!tpu.dma_semaphore, #tpu.memory_space<semaphore_mem>> -> memref<!tpu.dma_semaphore, #tpu.memory_space<semaphore_mem>>
    tpu.wait_indirect_dma semaphore(%dma_wait3A_149 : memref<!tpu.dma_semaphore, #tpu.memory_space<semaphore_mem>>) src(%dma_wait3A_141 : memref<80x144xf32, #tpu.memory_space<vmem>>) dst(%dma_wait3A_147 : memref<10112x144xf32, #tpu.memory_space<vmem_shared>>)
    %barrier3A_150 = arith.constant 0 : index
    tpu.barrier barrier_id(%barrier3A_150)
    %add3A_151 = arith.addi %mul3A_0, %mul3A_2 : i32
    "tpu.region"() ({
      %run_scoped3A = tpu.sem_alloc : memref<!tpu.dma_semaphore, #tpu.memory_space<semaphore_mem>>
      %dma_start3A_152 = arith.constant 0 : i32
      %dma_start3A_153 = tpu.memref_slice %arg7[%add3A_151, %dma_start3A_152] : memref<20224x144xf32, #tpu.memory_space<hbm>> -> memref<632x144xf32, #tpu.memory_space<hbm>>
      %dma_start3A_154 = arith.constant 0 : i32
      %dma_start3A_155 = tpu.memref_slice %arg15[%mul3A_2, %dma_start3A_154] : memref<10112x144xf32, #tpu.memory_space<vmem_shared>> -> memref<632x144xf32, #tpu.memory_space<vmem_shared>>
      tpu.enqueue_dma source(%dma_start3A_155 : memref<632x144xf32, #tpu.memory_space<vmem_shared>>) target(%dma_start3A_153 : memref<632x144xf32, #tpu.memory_space<hbm>>) target_semaphore(%run_scoped3A : memref<!tpu.dma_semaphore, #tpu.memory_space<semaphore_mem>>)
      %dma_wait3A_156 = arith.constant 0 : i32
      %dma_wait3A_157 = tpu.memref_slice %arg7[%add3A_151, %dma_wait3A_156] : memref<20224x144xf32, #tpu.memory_space<hbm>> -> memref<632x144xf32, #tpu.memory_space<hbm>>
      %dma_wait3A_158 = arith.constant 0 : i32
      %dma_wait3A_159 = tpu.memref_slice %arg15[%mul3A_2, %dma_wait3A_158] : memref<10112x144xf32, #tpu.memory_space<vmem_shared>> -> memref<632x144xf32, #tpu.memory_space<vmem_shared>>
      tpu.wait_dma2 semaphore(%run_scoped3A : memref<!tpu.dma_semaphore, #tpu.memory_space<semaphore_mem>>) src(%dma_wait3A_159 : memref<632x144xf32, #tpu.memory_space<vmem_shared>>) dst(%dma_wait3A_157 : memref<632x144xf32, #tpu.memory_space<hbm>>)
      tpu.yield
    }) : () -> ()
    return
  }
}

module attributes {stable_mosaic.version = 14 : i64} {
  func.func @_pre_body(%arg0: i32, %arg1: i32, %arg2: memref<632x128xf32, #tpu.memory_space<vmem>>, %arg3: memref<128x128xf32, #tpu.memory_space<vmem>>, %arg4: memref<1x128x4xf32, #tpu.memory_space<vmem>>, %arg5: memref<1x128x4xf32, #tpu.memory_space<vmem>>, %arg6: memref<4x128xf32, #tpu.memory_space<vmem>>, %arg7: memref<632x144xf32, #tpu.memory_space<vmem>>, %arg8: memref<632x16xf32, #tpu.memory_space<vmem>>, %arg9: memref<632x144xf32, #tpu.memory_space<vmem>>) attributes {dimension_semantics = [#tpu.dimension_semantics<arbitrary>, #tpu.dimension_semantics<arbitrary>], iteration_bounds = array<i64: 2, 16>, scalar_prefetch = 0 : i64, scratch_operands = 0 : i64, tpu.core_type = #tpu.core_type<tc>, window_params = [{transform_indices = @transform_0, window_bounds = array<i64: 632, 128>}, {transform_indices = @transform_1, window_bounds = array<i64: 128, 128>}, {transform_indices = @transform_2, window_bounds = array<i64: 1, 128, 4>}, {transform_indices = @transform_3, window_bounds = array<i64: 1, 128, 4>}, {pipeline_mode = #tpu.pipeline_mode<synchronous>, transform_indices = @transform_4, window_bounds = array<i64: 4, 128>}, {transform_indices = @transform_5, window_bounds = array<i64: 632, 144>}, {transform_indices = @transform_6, window_bounds = array<i64: 632, 16>}, {transform_indices = @transform_7, window_bounds = array<i64: 632, 144>}]} {
    %get3A = arith.constant 0 : index
    %get3A_0 = arith.constant 0 : index
    %get3A_1 = vector.load %arg2[%get3A, %get3A_0] : memref<632x128xf32, #tpu.memory_space<vmem>>, vector<632x128xf32>
    %get3A_2 = arith.constant 0 : index
    %get3A_3 = arith.constant 0 : index
    %get3A_4 = vector.load %arg3[%get3A_2, %get3A_3] : memref<128x128xf32, #tpu.memory_space<vmem>>, vector<128x128xf32>
    %dot_general3A = arith.constant dense<0.000000e+00> : vector<632x128xf32>
    %dot_general3A_5 = tpu.matmul %get3A_1, %get3A_4, %dot_general3A {dimension_numbers = #tpu.dot_dimension_numbers<[1], [0], [0], [1], [0, 0, 1, 1], [], []>, transpose_lhs_hint = false} : vector<632x128xf32>, vector<128x128xf32>, vector<632x128xf32> -> vector<632x128xf32>
    %get3A_6 = arith.constant 0 : index
    %get3A_7 = arith.constant 0 : index
    %get3A_8 = arith.constant 0 : index
    %get3A_9 = vector.load %arg4[%get3A_6, %get3A_7, %get3A_8] : memref<1x128x4xf32, #tpu.memory_space<vmem>>, vector<1x128x4xf32>
    %get3A_10 = vector.shape_cast %get3A_9 : vector<1x128x4xf32> to vector<128x4xf32>
    %dot_general3A_11 = arith.constant dense<0.000000e+00> : vector<632x4xf32>
    %dot_general3A_12 = tpu.matmul %dot_general3A_5, %get3A_10, %dot_general3A_11 {dimension_numbers = #tpu.dot_dimension_numbers<[1], [0], [0], [1], [0, 0, 1, 1], [], []>, transpose_lhs_hint = false} : vector<632x128xf32>, vector<128x4xf32>, vector<632x4xf32> -> vector<632x4xf32>
    %get3A_13 = arith.constant 0 : index
    %get3A_14 = arith.constant 0 : index
    %get3A_15 = arith.constant 0 : index
    %get3A_16 = vector.load %arg5[%get3A_13, %get3A_14, %get3A_15] : memref<1x128x4xf32, #tpu.memory_space<vmem>>, vector<1x128x4xf32>
    %get3A_17 = vector.shape_cast %get3A_16 : vector<1x128x4xf32> to vector<128x4xf32>
    %dot_general3A_18 = arith.constant dense<0.000000e+00> : vector<632x4xf32>
    %dot_general3A_19 = tpu.matmul %dot_general3A_5, %get3A_17, %dot_general3A_18 {dimension_numbers = #tpu.dot_dimension_numbers<[1], [0], [0], [1], [0, 0, 1, 1], [], []>, transpose_lhs_hint = false} : vector<632x128xf32>, vector<128x4xf32>, vector<632x4xf32> -> vector<632x4xf32>
    %add3A = arith.addf %dot_general3A_12, %dot_general3A_19 : vector<632x4xf32>
    %gt3A = arith.constant 0.000000e+00 : f32
    %gt3A_20 = vector.broadcast %gt3A : f32 to vector<632x4xf32>
    %gt3A_21 = arith.cmpf ogt, %add3A, %gt3A_20 : vector<632x4xf32>
    %mul3A = arith.constant 2.000000e-01 : f32
    %mul3A_22 = vector.broadcast %mul3A : f32 to vector<632x4xf32>
    %mul3A_23 = arith.mulf %mul3A_22, %add3A : vector<632x4xf32>
    %select_n3A = arith.select %gt3A_21, %add3A, %mul3A_23 : vector<632x4xi1>, vector<632x4xf32>
    %exp3A = math.exp %select_n3A : vector<632x4xf32>
    %concatenate3A = tpu.concatenate %dot_general3A_5, %dot_general3A_12, %dot_general3A_12, %dot_general3A_12, %dot_general3A_12 in 1 : vector<632x128xf32>, vector<632x4xf32>, vector<632x4xf32>, vector<632x4xf32>, vector<632x4xf32> -> vector<632x144xf32>
    %swap3A = arith.constant 0 : index
    %swap3A_24 = arith.constant 0 : index
    %swap3A_25 = vector.load %arg7[%swap3A, %swap3A_24] : memref<632x144xf32, #tpu.memory_space<vmem>>, vector<632x144xf32>
    tpu.vector_store %arg7[%swap3A, %swap3A_24], %concatenate3A {strides = array<i32>} : memref<632x144xf32, #tpu.memory_space<vmem>>, vector<632x144xf32>,
    %concatenate3A_26 = tpu.concatenate %dot_general3A_19, %dot_general3A_19, %dot_general3A_19, %dot_general3A_19 in 1 : vector<632x4xf32>, vector<632x4xf32>, vector<632x4xf32>, vector<632x4xf32> -> vector<632x16xf32>
    %swap3A_27 = arith.constant 0 : index
    %swap3A_28 = arith.constant 0 : index
    %swap3A_29 = vector.load %arg8[%swap3A_27, %swap3A_28] : memref<632x16xf32, #tpu.memory_space<vmem>>, vector<632x16xf32>
    tpu.vector_store %arg8[%swap3A_27, %swap3A_28], %concatenate3A_26 {strides = array<i32>} : memref<632x16xf32, #tpu.memory_space<vmem>>, vector<632x16xf32>,
    %get3A_30 = arith.constant 0 : index
    %get3A_31 = arith.constant 0 : index
    %get3A_32 = vector.load %arg6[%get3A_30, %get3A_31] : memref<4x128xf32, #tpu.memory_space<vmem>>, vector<4x128xf32>
    %dot_general3A_33 = arith.constant dense<0.000000e+00> : vector<632x128xf32>
    %dot_general3A_34 = tpu.matmul %exp3A, %get3A_32, %dot_general3A_33 {dimension_numbers = #tpu.dot_dimension_numbers<[1], [0], [0], [1], [0, 0, 1, 1], [], []>, transpose_lhs_hint = false} : vector<632x4xf32>, vector<4x128xf32>, vector<632x128xf32> -> vector<632x128xf32>
    %mul3A_35 = arith.mulf %dot_general3A_5, %dot_general3A_34 : vector<632x128xf32>
    %concatenate3A_36 = tpu.concatenate %mul3A_35, %exp3A, %exp3A, %exp3A, %exp3A in 1 : vector<632x128xf32>, vector<632x4xf32>, vector<632x4xf32>, vector<632x4xf32>, vector<632x4xf32> -> vector<632x144xf32>
    %swap3A_37 = arith.constant 0 : index
    %swap3A_38 = arith.constant 0 : index
    %swap3A_39 = vector.load %arg9[%swap3A_37, %swap3A_38] : memref<632x144xf32, #tpu.memory_space<vmem>>, vector<632x144xf32>
    tpu.vector_store %arg9[%swap3A_37, %swap3A_38], %concatenate3A_36 {strides = array<i32>} : memref<632x144xf32, #tpu.memory_space<vmem>>, vector<632x144xf32>,
    return
  }
  func.func @transform_0(%arg0: i32, %arg1: i32) -> (i32, i32) {
    %c0_i32 = arith.constant 0 : i32
    %c0_i32_0 = arith.constant 0 : i32
    return %arg1, %c0_i32 : i32, i32
  }
  func.func @transform_1(%arg0: i32, %arg1: i32) -> (i32, i32) {
    %c0_i32 = arith.constant 0 : i32
    %c0_i32_0 = arith.constant 0 : i32
    return %c0_i32, %arg0 : i32, i32
  }
  func.func @transform_2(%arg0: i32, %arg1: i32) -> (i32, i32, i32) {
    %c0_i32 = arith.constant 0 : i32
    %c0_i32_0 = arith.constant 0 : i32
    %c0_i32_1 = arith.constant 0 : i32
    return %arg0, %c0_i32, %c0_i32_0 : i32, i32, i32
  }
  func.func @transform_3(%arg0: i32, %arg1: i32) -> (i32, i32, i32) {
    %c0_i32 = arith.constant 0 : i32
    %c0_i32_0 = arith.constant 0 : i32
    %c0_i32_1 = arith.constant 0 : i32
    return %arg0, %c0_i32, %c0_i32_0 : i32, i32, i32
  }
  func.func @transform_4(%arg0: i32, %arg1: i32) -> (i32, i32) {
    %c0_i32 = arith.constant 0 : i32
    %c0_i32_0 = arith.constant 0 : i32
    %c0_i32_1 = arith.constant 0 : i32
    return %c0_i32, %c0_i32_0 : i32, i32
  }
  func.func @transform_5(%arg0: i32, %arg1: i32) -> (i32, i32) {
    %mul3A = arith.constant 16 : i32
    %mul3A_0 = arith.muli %arg0, %mul3A : i32
    %add3A = arith.addi %mul3A_0, %arg1 : i32
    %c0_i32 = arith.constant 0 : i32
    %c0_i32_1 = arith.constant 0 : i32
    return %add3A, %c0_i32 : i32, i32
  }
  func.func @transform_6(%arg0: i32, %arg1: i32) -> (i32, i32) {
    %mul3A = arith.constant 16 : i32
    %mul3A_0 = arith.muli %arg0, %mul3A : i32
    %add3A = arith.addi %mul3A_0, %arg1 : i32
    %c0_i32 = arith.constant 0 : i32
    %c0_i32_1 = arith.constant 0 : i32
    return %add3A, %c0_i32 : i32, i32
  }
  func.func @transform_7(%arg0: i32, %arg1: i32) -> (i32, i32) {
    %mul3A = arith.constant 16 : i32
    %mul3A_0 = arith.muli %arg0, %mul3A : i32
    %add3A = arith.addi %mul3A_0, %arg1 : i32
    %c0_i32 = arith.constant 0 : i32
    %c0_i32_1 = arith.constant 0 : i32
    return %add3A, %c0_i32 : i32, i32
  }
}

module attributes {stable_mosaic.version = 14 : i64} {
  func.func @_post_body(%arg0: i32, %arg1: memref<632x144xf32, #tpu.memory_space<vmem>>, %arg2: memref<632x144xf32, #tpu.memory_space<vmem>>, %arg3: memref<144x128xf32, #tpu.memory_space<vmem>>, %arg4: memref<144x128xf32, #tpu.memory_space<vmem>>, %arg5: memref<1x256xf32, #tpu.memory_space<vmem>>, %arg6: memref<256x256xf32, #tpu.memory_space<vmem>>, %arg7: memref<1x256xf32, #tpu.memory_space<vmem>>, %arg8: memref<256x256xf32, #tpu.memory_space<vmem>>, %arg9: memref<1x256xf32, #tpu.memory_space<vmem>>, %arg10: memref<632x256xf32, #tpu.memory_space<vmem>>, %arg11: memref<632x256xf32, #tpu.memory_space<vmem>>, %arg12: memref<632x256xf32, #tpu.memory_space<vmem>>) attributes {dimension_semantics = [#tpu.dimension_semantics<arbitrary>], iteration_bounds = array<i64: 16>, scalar_prefetch = 0 : i64, scratch_operands = 0 : i64, tpu.core_type = #tpu.core_type<tc>, window_params = [{transform_indices = @transform_0, window_bounds = array<i64: 632, 144>}, {transform_indices = @transform_1, window_bounds = array<i64: 632, 144>}, {pipeline_mode = #tpu.pipeline_mode<synchronous>, transform_indices = @transform_2, window_bounds = array<i64: 144, 128>}, {pipeline_mode = #tpu.pipeline_mode<synchronous>, transform_indices = @transform_3, window_bounds = array<i64: 144, 128>}, {pipeline_mode = #tpu.pipeline_mode<synchronous>, transform_indices = @transform_4, window_bounds = array<i64: 1, 256>}, {pipeline_mode = #tpu.pipeline_mode<synchronous>, transform_indices = @transform_5, window_bounds = array<i64: 256, 256>}, {pipeline_mode = #tpu.pipeline_mode<synchronous>, transform_indices = @transform_6, window_bounds = array<i64: 1, 256>}, {pipeline_mode = #tpu.pipeline_mode<synchronous>, transform_indices = @transform_7, window_bounds = array<i64: 256, 256>}, {pipeline_mode = #tpu.pipeline_mode<synchronous>, transform_indices = @transform_8, window_bounds = array<i64: 1, 256>}, {transform_indices = @transform_9, window_bounds = array<i64: 632, 256>}, {transform_indices = @transform_10, window_bounds = array<i64: 632, 256>}, {transform_indices = @transform_11, window_bounds = array<i64: 632, 256>}]} {
    %get3A = arith.constant 0 : index
    %get3A_0 = arith.constant 0 : index
    %get3A_1 = vector.load %arg1[%get3A, %get3A_0] : memref<632x144xf32, #tpu.memory_space<vmem>>, vector<632x144xf32>
    %get3A_2 = arith.constant 0 : index
    %get3A_3 = arith.constant 0 : index
    %get3A_4 = vector.load %arg2[%get3A_2, %get3A_3] : memref<632x144xf32, #tpu.memory_space<vmem>>, vector<632x144xf32>
    %get3A_5 = arith.constant 0 : index
    %get3A_6 = arith.constant 0 : index
    %get3A_7 = vector.load %arg3[%get3A_5, %get3A_6] : memref<144x128xf32, #tpu.memory_space<vmem>>, vector<144x128xf32>
    %get3A_8 = arith.constant 0 : index
    %get3A_9 = arith.constant 0 : index
    %get3A_10 = vector.load %arg4[%get3A_8, %get3A_9] : memref<144x128xf32, #tpu.memory_space<vmem>>, vector<144x128xf32>
    %dot_general3A = arith.constant dense<0.000000e+00> : vector<632x128xf32>
    %dot_general3A_11 = tpu.matmul %get3A_1, %get3A_10, %dot_general3A {dimension_numbers = #tpu.dot_dimension_numbers<[1], [0], [0], [1], [0, 0, 1, 1], [], []>, transpose_lhs_hint = false} : vector<632x144xf32>, vector<144x128xf32>, vector<632x128xf32> -> vector<632x128xf32>
    %dot_general3A_12 = arith.constant dense<0.000000e+00> : vector<632x128xf32>
    %dot_general3A_13 = tpu.matmul %get3A_4, %get3A_10, %dot_general3A_12 {dimension_numbers = #tpu.dot_dimension_numbers<[1], [0], [0], [1], [0, 0, 1, 1], [], []>, transpose_lhs_hint = false} : vector<632x144xf32>, vector<144x128xf32>, vector<632x128xf32> -> vector<632x128xf32>
    %dot_general3A_14 = arith.constant dense<0.000000e+00> : vector<632x128xf32>
    %dot_general3A_15 = tpu.matmul %get3A_1, %get3A_7, %dot_general3A_14 {dimension_numbers = #tpu.dot_dimension_numbers<[1], [0], [0], [1], [0, 0, 1, 1], [], []>, transpose_lhs_hint = false} : vector<632x144xf32>, vector<144x128xf32>, vector<632x128xf32> -> vector<632x128xf32>
    %dot_general3A_16 = arith.constant dense<0.000000e+00> : vector<632x128xf32>
    %dot_general3A_17 = tpu.matmul %get3A_4, %get3A_7, %dot_general3A_16 {dimension_numbers = #tpu.dot_dimension_numbers<[1], [0], [0], [1], [0, 0, 1, 1], [], []>, transpose_lhs_hint = false} : vector<632x144xf32>, vector<144x128xf32>, vector<632x128xf32> -> vector<632x128xf32>
    %add3A = arith.constant 1.000000e-16 : f32
    %add3A_18 = vector.broadcast %add3A : f32 to vector<632x128xf32>
    %add3A_19 = arith.addf %dot_general3A_11, %add3A_18 : vector<632x128xf32>
    %div3A = arith.divf %dot_general3A_15, %add3A_19 : vector<632x128xf32>
    %add3A_20 = arith.constant 1.000000e-16 : f32
    %add3A_21 = vector.broadcast %add3A_20 : f32 to vector<632x128xf32>
    %add3A_22 = arith.addf %dot_general3A_13, %add3A_21 : vector<632x128xf32>
    %div3A_23 = arith.divf %dot_general3A_17, %add3A_22 : vector<632x128xf32>
    %concatenate3A = tpu.concatenate %div3A, %div3A_23 in 1 : vector<632x128xf32>, vector<632x128xf32> -> vector<632x256xf32>
    %get3A_24 = arith.constant 0 : index
    %get3A_25 = arith.constant 0 : index
    %get3A_26 = vector.load %arg5[%get3A_24, %get3A_25] : memref<1x256xf32, #tpu.memory_space<vmem>>, vector<1x256xf32>
    %add3A_27 = vector.broadcast %get3A_26 : vector<1x256xf32> to vector<632x256xf32>
    %add3A_28 = arith.addf %concatenate3A, %add3A_27 : vector<632x256xf32>
    %swap3A = arith.constant 0 : index
    %swap3A_29 = arith.constant 0 : index
    %swap3A_30 = vector.load %arg10[%swap3A, %swap3A_29] : memref<632x256xf32, #tpu.memory_space<vmem>>, vector<632x256xf32>
    tpu.vector_store %arg10[%swap3A, %swap3A_29], %add3A_28 {strides = array<i32>} : memref<632x256xf32, #tpu.memory_space<vmem>>, vector<632x256xf32>,
    %get3A_31 = arith.constant 0 : index
    %get3A_32 = arith.constant 0 : index
    %get3A_33 = vector.load %arg6[%get3A_31, %get3A_32] : memref<256x256xf32, #tpu.memory_space<vmem>>, vector<256x256xf32>
    %dot_general3A_34 = arith.constant dense<0.000000e+00> : vector<632x256xf32>
    %dot_general3A_35 = tpu.matmul %add3A_28, %get3A_33, %dot_general3A_34 {dimension_numbers = #tpu.dot_dimension_numbers<[1], [0], [0], [1], [0, 0, 1, 1], [], []>, transpose_lhs_hint = false} : vector<632x256xf32>, vector<256x256xf32>, vector<632x256xf32> -> vector<632x256xf32>
    %get3A_36 = arith.constant 0 : index
    %get3A_37 = arith.constant 0 : index
    %get3A_38 = vector.load %arg7[%get3A_36, %get3A_37] : memref<1x256xf32, #tpu.memory_space<vmem>>, vector<1x256xf32>
    %add3A_39 = vector.broadcast %get3A_38 : vector<1x256xf32> to vector<632x256xf32>
    %add3A_40 = arith.addf %dot_general3A_35, %add3A_39 : vector<632x256xf32>
    %swap3A_41 = arith.constant 0 : index
    %swap3A_42 = arith.constant 0 : index
    %swap3A_43 = vector.load %arg11[%swap3A_41, %swap3A_42] : memref<632x256xf32, #tpu.memory_space<vmem>>, vector<632x256xf32>
    tpu.vector_store %arg11[%swap3A_41, %swap3A_42], %add3A_40 {strides = array<i32>} : memref<632x256xf32, #tpu.memory_space<vmem>>, vector<632x256xf32>,
    %get3A_44 = arith.constant 0 : index
    %get3A_45 = arith.constant 0 : index
    %get3A_46 = vector.load %arg8[%get3A_44, %get3A_45] : memref<256x256xf32, #tpu.memory_space<vmem>>, vector<256x256xf32>
    %dot_general3A_47 = arith.constant dense<0.000000e+00> : vector<632x256xf32>
    %dot_general3A_48 = tpu.matmul %add3A_28, %get3A_46, %dot_general3A_47 {dimension_numbers = #tpu.dot_dimension_numbers<[1], [0], [0], [1], [0, 0, 1, 1], [], []>, transpose_lhs_hint = false} : vector<632x256xf32>, vector<256x256xf32>, vector<632x256xf32> -> vector<632x256xf32>
    %get3A_49 = arith.constant 0 : index
    %get3A_50 = arith.constant 0 : index
    %get3A_51 = vector.load %arg9[%get3A_49, %get3A_50] : memref<1x256xf32, #tpu.memory_space<vmem>>, vector<1x256xf32>
    %add3A_52 = vector.broadcast %get3A_51 : vector<1x256xf32> to vector<632x256xf32>
    %add3A_53 = arith.addf %dot_general3A_48, %add3A_52 : vector<632x256xf32>
    %swap3A_54 = arith.constant 0 : index
    %swap3A_55 = arith.constant 0 : index
    %swap3A_56 = vector.load %arg12[%swap3A_54, %swap3A_55] : memref<632x256xf32, #tpu.memory_space<vmem>>, vector<632x256xf32>
    tpu.vector_store %arg12[%swap3A_54, %swap3A_55], %add3A_53 {strides = array<i32>} : memref<632x256xf32, #tpu.memory_space<vmem>>, vector<632x256xf32>,
    return
  }
  func.func @transform_0(%arg0: i32) -> (i32, i32) {
    %c0_i32 = arith.constant 0 : i32
    %c0_i32_0 = arith.constant 0 : i32
    return %arg0, %c0_i32 : i32, i32
  }
  func.func @transform_1(%arg0: i32) -> (i32, i32) {
    %add3A = arith.constant 16 : i32
    %add3A_0 = arith.addi %add3A, %arg0 : i32
    %c0_i32 = arith.constant 0 : i32
    %c0_i32_1 = arith.constant 0 : i32
    return %add3A_0, %c0_i32 : i32, i32
  }
  func.func @transform_2(%arg0: i32) -> (i32, i32) {
    %c0_i32 = arith.constant 0 : i32
    %c0_i32_0 = arith.constant 0 : i32
    %c0_i32_1 = arith.constant 0 : i32
    return %c0_i32, %c0_i32_0 : i32, i32
  }
  func.func @transform_3(%arg0: i32) -> (i32, i32) {
    %c0_i32 = arith.constant 0 : i32
    %c0_i32_0 = arith.constant 0 : i32
    %c0_i32_1 = arith.constant 0 : i32
    return %c0_i32, %c0_i32_0 : i32, i32
  }
  func.func @transform_4(%arg0: i32) -> (i32, i32) {
    %c0_i32 = arith.constant 0 : i32
    %c0_i32_0 = arith.constant 0 : i32
    %c0_i32_1 = arith.constant 0 : i32
    return %c0_i32, %c0_i32_0 : i32, i32
  }
  func.func @transform_5(%arg0: i32) -> (i32, i32) {
    %c0_i32 = arith.constant 0 : i32
    %c0_i32_0 = arith.constant 0 : i32
    %c0_i32_1 = arith.constant 0 : i32
    return %c0_i32, %c0_i32_0 : i32, i32
  }
  func.func @transform_6(%arg0: i32) -> (i32, i32) {
    %c0_i32 = arith.constant 0 : i32
    %c0_i32_0 = arith.constant 0 : i32
    %c0_i32_1 = arith.constant 0 : i32
    return %c0_i32, %c0_i32_0 : i32, i32
  }
  func.func @transform_7(%arg0: i32) -> (i32, i32) {
    %c0_i32 = arith.constant 0 : i32
    %c0_i32_0 = arith.constant 0 : i32
    %c0_i32_1 = arith.constant 0 : i32
    return %c0_i32, %c0_i32_0 : i32, i32
  }
  func.func @transform_8(%arg0: i32) -> (i32, i32) {
    %c0_i32 = arith.constant 0 : i32
    %c0_i32_0 = arith.constant 0 : i32
    %c0_i32_1 = arith.constant 0 : i32
    return %c0_i32, %c0_i32_0 : i32, i32
  }
  func.func @transform_9(%arg0: i32) -> (i32, i32) {
    %c0_i32 = arith.constant 0 : i32
    %c0_i32_0 = arith.constant 0 : i32
    return %arg0, %c0_i32 : i32, i32
  }
  func.func @transform_10(%arg0: i32) -> (i32, i32) {
    %c0_i32 = arith.constant 0 : i32
    %c0_i32_0 = arith.constant 0 : i32
    return %arg0, %c0_i32 : i32, i32
  }
  func.func @transform_11(%arg0: i32) -> (i32, i32) {
    %c0_i32 = arith.constant 0 : i32
    %c0_i32_0 = arith.constant 0 : i32
    return %arg0, %c0_i32 : i32, i32
  }
}

</mosaic_0001>

<sc_bundles>
// kernel: kernel.5.cloned.1.call-start
scs
__scs_entry_jumppad:
0x0: {  	(pc) =	sbr.rel $0x88, $3  }
0x1: {  	(tag) =	ssettag $0x0;
	lr =	simm.s32 $0x1  }
0x2: {  	[smem:$0x3F97] =	sst lr;
	_ =	strace $0xD0000000  }
0x3: {  	_ = 	snop  }
0x4: {  	_ = 	snop  }
0x5: {  	_ = 	snop  }
0x6: {  	_ = 	snop  }
0x7: {  	_ = 	snop  }
__scs_overlays_trampoline_lowered:
0x8: {  	[smem:$0x3FA6] =	sst s0  }
0x9: {  	[smem:$0x3FA7] =	sst s1  }
0xa: {  	[smem:$0x3FA8] =	sst s2  }
0xb: {  	[smem:$0x3FA9] =	sst s3  }
0xc: {  	[smem:$0x3FAA] =	sst s4  }
0xd: {  	[smem:$0x3FAB] =	sst s5  }
0xe: {  	[smem:$0x3FAC] =	sst s6  }
0xf: {  	[smem:$0x3FAD] =	sst s7  }
0x10: {  	[smem:$0x3FAE] =	sst s8  }
0x11: {  	[smem:$0x3FAF] =	sst s9;
	s0 =	simm.s32 @!p0 $0x0  }
0x12: {  	s1 =	sld [smem:$0x3F95];
	s0 =	simm.s32 @p0 $0x1  }
0x13: {  	[smem:$0x3FB0] =	sst s0;
	s0 =	simm.s32 @!p1 $0x0  }
0x14: {  	s2 =	sld [smem:$0x3F94];
	s0 =	simm.s32 @p1 $0x1  }
0x15: {  	[smem:$0x3FB1] =	sst s0;
	s0 =	simm.s32 @!p2 $0x0  }
0x16: {  	s3 =	sld [smem:$0x3FDB];
	s0 =	simm.s32 @p2 $0x1  }
0x17: {  	s4 =	simm.s32 $0x1BF5;
	[smem:$0x3FB3] =	sst s0  }
0x18: {  	s0 =	sld [smem:$0x3F96];
	_ =	swait.ge [sflag:s4], $0x0  }
0x19: {  	s7 =	sld [smem:$0x3F97]  }
0x1a: {  	s8 =	sadd.s32 $0xFFFFE003, lr  }
0x1b: {  	s9 =	sadd.s32 $0xFFFFFEF7, lr;
	s5 =	simm.s32 $0xFFFFFFFF;
	p2 =	slt.u32 s8, $0xFFFFF086  }
0x1c: {  	p1 =	slt.u32 s9, $0xF7A;
	s5 =	simm.s32 @!p2 $0x0  }
0x1d: {  	s5 =	simm.s32 @p1 $0x1;
	p0 =	seq.s32 s7, s2  }
0x1e: {  	s7 =	smul.u32 @!p0 $0xF7A, s2;
	p2 =	seq.s32 @!p0 s5, $0x0  }
0x1f: {  	s9 =	smul.u32 $0xF7A, s1;
	s8 =	simm.s32 @!p0 $0x1BF5;
	p2 =	por !p2, p0  }
0x20: {  	[sflag:s8] =	ssyncset.s32 @!p0 $0xFFFFF086;
	s6 =	sadd.s32 @!p0 s3, s7;
	s7 =	simm.s32 @!p0 $0x108  }
0x21: {  	s3 =	sadd.s32 s3, s9;
	s6 =	sadd.s32 @!p0 $0x88, s6;
	s7 =	simm.s32 @p2 $0x1082  }
0x22: {  	[simem:s7], [sflag:s8] =	dma.local @!p0 [hbm:s6], $0xF7A  }
0x23: {  	s9 =	sor.u32 $0xD0000000, s2;
	s6 =	simm.s32 $0x108;
	_ =	swait.ge @!p0 [sflag:s8], $0x0  }
0x24: {  	s3 =	sadd.s32 $0x88, s3;
	s6 =	simm.s32 @!p1 $0x1082;
	[sflag:s4] =	ssyncset.s32 $0xFFFFF086  }
0x25: {  	[simem:s6], [sflag:s4] =	dma.local [hbm:s3], $0xF7A  }
0x26: {  	[smem:$0x3F97] =	sst s1;
	(tag) =	ssettag s2;
	_ =	strace s9  }
0x27: {  	s1 =	sld [smem:$0x3FA7]  }
0x28: {  	s2 =	sld [smem:$0x3FA8]  }
0x29: {  	s4 =	sld [smem:$0x3FAA]  }
0x2a: {  	p0 =	seq.s32 s5, $0x0;
	s5 =	sld [smem:$0x3FAB]  }
0x2b: {  	s6 =	sld [smem:$0x3FAC]  }
0x2c: {  	s7 =	sld [smem:$0x3FAD]  }
0x2d: {  	s3 =	simm.s32 $0x108;
	s8 =	sld [smem:$0x3FAE]  }
0x2e: {  	s3 =	simm.s32 @!p0 $0x1082;
	s9 =	sld [smem:$0x3FAF]  }
0x2f: {  	lr =	sadd.s32 s0, s3;
	s0 =	sld [smem:$0x3FA6]  }
0x30: {  	s3 =	sld [smem:$0x3FA9]  }
0x31: {  	[smem:$0x3FB2] =	sst s10  }
0x32: {  	s10 =	sld [smem:$0x3FB0];
	_ =	sdelay $0x3  }
0x33: {  	p0 =	seq.s32 s10, $0x1;
	s10 =	sld [smem:$0x3FB2];
	_ =	sdelay $0x3  }
0x34: {  	[smem:$0x3FB2] =	sst s10  }
0x35: {  	s10 =	sld [smem:$0x3FB1];
	_ =	sdelay $0x3  }
0x36: {  	p1 =	seq.s32 s10, $0x1;
	s10 =	sld [smem:$0x3FB2];
	_ =	sdelay $0x3  }
0x37: {  	[smem:$0x3FB2] =	sst s10  }
0x38: {  	s10 =	sld [smem:$0x3FB3]  }
0x39: {  	_ = 	snop;
	(pc) =	sbr.ind lr, $3  }
0x3a: {  	_ = 	snop  }
0x3b: {  	_ = 	snop  }
0x3c: {  	p2 =	seq.s32 s10, $0x1;
	s10 =	sld [smem:$0x3FB2]  }
0x3d: {  	_ =	shalt  }
0x3e: {  	_ =	shalt  }
0x3f: {  	_ =	shalt  }
0x40: {  	_ =	shalt  }
0x41: {  	_ =	shalt  }
0x42: {  	_ =	shalt  }
0x43: {  	_ =	shalt  }
0x44: {  	_ =	shalt  }
0x45: {  	_ =	shalt  }
0x46: {  	_ =	shalt  }
0x47: {  	_ =	shalt  }
0x48: {  	_ =	shalt  }
0x49: {  	_ =	shalt  }
0x4a: {  	_ =	shalt  }
0x4b: {  	_ =	shalt  }
0x4c: {  	_ =	shalt  }
0x4d: {  	_ =	shalt  }
0x4e: {  	_ =	shalt  }
0x4f: {  	_ =	shalt  }
0x50: {  	_ =	shalt  }
0x51: {  	_ =	shalt  }
0x52: {  	_ =	shalt  }
0x53: {  	_ =	shalt  }
0x54: {  	_ =	shalt  }
0x55: {  	_ =	shalt  }
0x56: {  	_ =	shalt  }
0x57: {  	_ =	shalt  }
0x58: {  	_ =	shalt  }
0x59: {  	_ =	shalt  }
0x5a: {  	_ =	shalt  }
0x5b: {  	_ =	shalt  }
0x5c: {  	_ =	shalt  }
0x5d: {  	_ =	shalt  }
0x5e: {  	_ =	shalt  }
0x5f: {  	_ =	shalt  }
0x60: {  	_ =	shalt  }
0x61: {  	_ =	shalt  }
0x62: {  	_ =	shalt  }
0x63: {  	_ =	shalt  }
0x64: {  	_ =	shalt  }
0x65: {  	_ =	shalt  }
0x66: {  	_ =	shalt  }
0x67: {  	_ =	shalt  }
0x68: {  	_ =	shalt  }
0x69: {  	_ =	shalt  }
0x6a: {  	_ =	shalt  }
0x6b: {  	_ =	shalt  }
0x6c: {  	_ =	shalt  }
0x6d: {  	_ =	shalt  }
0x6e: {  	_ =	shalt  }
0x6f: {  	_ =	shalt  }
0x70: {  	_ =	shalt  }
0x71: {  	_ =	shalt  }
0x72: {  	_ =	shalt  }
0x73: {  	_ =	shalt  }
0x74: {  	_ =	shalt  }
0x75: {  	_ =	shalt  }
0x76: {  	_ =	shalt  }
0x77: {  	_ =	shalt  }
0x78: {  	_ =	shalt  }
0x79: {  	_ =	shalt  }
0x7a: {  	_ =	shalt  }
0x7b: {  	_ =	shalt  }
0x7c: {  	_ =	shalt  }
0x7d: {  	_ =	shalt  }
0x7e: {  	_ =	shalt  }
0x7f: {  	_ =	shalt  }
0x80: {  	_ =	shalt  }
0x81: {  	_ =	shalt  }
0x82: {  	_ =	shalt  }
0x83: {  	_ =	shalt  }
0x84: {  	_ =	shalt  }
0x85: {  	_ =	shalt  }
0x86: {  	_ =	shalt  }
0x87: {  	_ =	shalt  }
.Lfunc_end0:
.L_simem_size_0:
called_computation_lowered:
.L_overlay_start_0:
0x88: {  	s2 =	sld [smem:$0x3FD9]  }
0x89: {  	s3 =	sld [smem:$0x3FFE];
	_ =	sdelay $0x1  }
0x8a: {  	s1 =	srdreg.scid  }
0x8b: {  	s0 =	sand.u32 $0x1, s1  }
0x8c: {  	s14 =	sshll.u32 s0, $0xA;
	s2 =	sadd.s32 s3, s2  }
0x8d: {  	s2 =	sadd.s32 s2, s14  }
0x8e: {  	[smem:$0x3FBE] =	sst s2  }
0x8f: {  	_ = 	snop  }
0x90: {  	s2 =	sld [smem:$0x3FD0];
	_ =	sdelay $0x2  }
0x91: {  	s15 =	simm.s32 $0xA;
	s4 =	simm.s32 $0x10  }
0x92: {  	[smem:s4], [sflag:s15] =	dma.local [hbm:s2], $0x1  }
0x93: {  	_ =	swait.eq [sflag:s15], $0x1  }
0x94: {  	s16 =	sld [smem:$0x10];
	[sflag:s15] =	ssyncset.done $0x0  }
0x95: {  	s17 =	sld [smem:$0x11];
	[sflag:s15] =	ssyncadd.s32 $0xFFFFFFFF  }
0x96: {  	s18 =	sld [smem:$0x12];
	(tm) =	ssettm $0x1  }
0x97: {  	s5 =	sld [smem:$0x3FFB];
	_ =	sdelay $0x3  }
0x98: {  	_ =	strace s5  }
0x99: {  	s5 =	sld [smem:$0x3FFC];
	_ =	sdelay $0x3  }
0x9a: {  	_ =	strace s5  }
0x9b: {  	s5 =	sld [smem:$0x3FFD];
	_ =	sdelay $0x3  }
0x9c: {  	_ =	strace s5  }
0x9d: {  	_ =	strace $0x8FFFFFFF  }
0x9e: {  	s19 =	sld [smem:$0x3FDB];
	_ =	sdelay $0x1  }
0x9f: {  	s6 =	simm.s32 $_scs_section_size  }
0xa0: {  	s7 =	simm.s32 $_size__tile_overlayer_lowered;
	s8 =	simm.s32 $_tile_overlayer_lowered  }
0xa1: {  	s22 =	simm.s32 $0x1BFF;
	s21 =	sshll.u32 s8, $0x1;
	s5 =	sadd.s32 s6, s19  }
0xa2: {  	s9 =	simm.s32 $0x0;
	s20 =	sshll.u32 s7, $0x1;
	s7 =	sadd.s32 s21, s5  }
0xa3: {  	[timem:s9], [sflag:s22] =	dma.local [hbm:s7], s20  }
0xa4: {  	_ =	swait.ge [sflag:s22], s20  }
0xa5: {  	s6 =	ssub.s32 $0x0, s20;
	[sflag:s22] =	ssyncset.done $0x0  }
0xa6: {  	[sflag:s22] =	ssyncadd.s32 s6;
	_ =	sdelay $0x1  }
0xa7: {  	s23 =	simm.s32 $0x1B8B  }
0xa8: {  	_ =	swait.ge [sflag:s23], $0x1  }
0xa9: {  	[sflag:s23] =	ssyncset.done $0x0  }
0xaa: {  	s25 =	simm.s32 $0x1B8E;
	s24 =	sld [smem:$0x3FFE];
	[sflag:s23] =	ssyncadd.s32 $0xFFFFFFFF  }
0xab: {  	s26 =	simm.s32 $execute0_lowered;
	[smem:$0x3FD2] =	sst s25  }
0xac: {  	s7 =	sshll.u32 s26, $0x1;
	_ =	strace $0x80000046;
	[dreg:$0x1] =	wrdreg $0xFFFFFFFF  }
0xad: {  	s28 =	simm.s32 $_size_execute0_lowered;
	s5 =	sadd.s32 s5, s7;
	[dreg:$0x0] =	wrdreg $0x0  }
0xae: {  	s7 =	sshll.u32 s28, $0x1;
	[dreg:$0x2] =	wrdreg s5  }
0xaf: {  	[dreg:$0x3] =	wrdreg s7  }
0xb0: {  	[dreg:$0x4] =	wrdreg $0xC0  }
0xb1: {  	_ =	task [dreg:s9], $0x5FFFF  }
0xb2: {  	[dreg:$0x1] =	wrdreg $0xFFFFFFFF  }
0xb3: {  	[dreg:$0x0] =	wrdreg $0x60  }
0xb4: {  	[dreg:$0x2] =	wrdreg s17  }
0xb5: {  	[dreg:$0x3] =	wrdreg s16  }
0xb6: {  	[dreg:$0x4] =	wrdreg s18  }
0xb7: {  	[dreg:$0x5] =	wrdreg s24  }
0xb8: {  	[dreg:$0x6] =	wrdreg $0x9AB00  }
0xb9: {  	[dreg:$0x7] =	wrdreg $0x9  }
0xba: {  	_ =	task.clear_ibuf [dreg:s9], $0x8FFFF;
	_ =	strace $0x90000046  }
0xbb: {  	s29 =	simm.s32 $0x9;
	_ =	strace $0x80000048  }
0xbc: {  	_ =	swait.ge [sflag:s29], $0x1  }
0xbd: {  	[sflag:s29] =	ssyncadd.s32 $0xFFFFFFFF  }
0xbe: {  	_ =	strace $0x90000048  }
0xbf: {  	_ =	sfence  }
0xc0: {  	s30 =	sld [smem:$0x0];
	_ =	sdelay $0x2  }
0xc1: {  	s31 =	sshll.u32 s1, $0xD;
	s1 =	sshrl.u32 s1, $0x2  }
0xc2: {  	s3 =	sand.u32 $0x4000, s31;
	s1 =	sadd.s32 s1, s30  }
0xc3: {  	s0 =	sor.u32 s3, s0;
	s1 =	sshll.u32 s1, $0x11  }
0xc4: {  	s0 =	sor.u32 s1, s0  }
0xc5: {  	s0 =	sadd.s32 $0x8F2B, s0  }
0xc6: {  	[sflag:s0] =	ssyncadd.remote.s32 $0x1  }
0xc7: {  	_ =	sfence.sel $0xFFFF  }
0xc8: {  	[dreg:$0x0] =	wrdreg $0xFFFFFFFF;
	(pc) =	sbr.abs _section_cstart, $3  }
0xc9: {  	[dreg:$0x1] =	wrdreg $0xFFFFFFFF  }
0xca: {  	_ =	task.clear_ibuf [dreg:s9], $0x2FFFF;
	_ =	strace $0x9FFFFFFF  }
0xcb: {  	(tm) =	ssettm $0x7FFFFFFF  }
tec
execute0_lowered:
.L_overlay_start_1:
0x0: {  	(tag) =	ssettag $0x1  }
0x1: {  	s0 =	rddreg [dreg:$0x0]  }
0x2: {  	s2 =	rddreg [dreg:$0x1]  }
0x3: {  	s3 =	rddreg [dreg:$0x2]  }
0x4: {  	s1 =	srdreg.scid;
	s8 =	rddreg [dreg:$0x3]  }
0x5: {  	s12 =	stileid.u32;
	s5 =	rddreg [dreg:$0x4]  }
0x6: {  	s6 =	simm.s32 $0x0;
	s31 =	simm.s32 $0x2;
	s17 =	simm.s32 $0xA  }
0x7: {  	s19 =	simm.s32 $0x6;
	s28 =	simm.s32 $0x6DB0;
	s7 =	smul.u32 $0x278, s12  }
0x8: {  	s29 =	simm.s32 $0x8;
	s16 =	simm.s32 $0xB;
	s10 =	smul.u32 $0x58E00, s12  }
0x9: {  	s4 =	sand.u32 $0x1, s1;
	[smem:$0x7FF] =	sst s6;
	s11 =	smul.u32 $0x4EC0, s12  }
0xa: {  	s22 =	sshll.u32 s12, $0x6;
	s1 =	smul.u32 $0x2780, s4;
	_ =	strace $0x80000047  }
0xb: {  	s4 =	ssub.s32 $0x2, s4;
	s12 =	sor.u32 $0x1C10, s22;
	s22 =	simm.s32 $0x50  }
0xc: {  	s20 =	sshrl.u32 s4, $0x1;
	s10 =	sshrl.u32 s10, $0x2;
	s24 =	sshrl.u32 s11, $0x3  }
0xd: {  	s14 =	sadd.s32 $0xA0, s11;
	s15 =	sadd.s32 $0xF0, s11;
	s30 =	sadd.s32 $0x140, s11  }
0xe: {  	s11 =	simm.s32 $0xC;
	[dreg:$0x7] =	wrdreg s12;
	s7 =	sadd.s32 s7, s1  }
0xf: {  	s4 =	ssub.s32 s4, s20;
	s21 =	sadd.s32 s10, s5;
	s13 =	sadd.s32 s0, s24  }
0x10: {  	s25 =	sadd.s32 s2, s24;
	s10 =	sadd.s32 $0xA, s24;
	[dreg:$0xc] =	wrdreg s30  }
0x11: {  	s20 =	simm.s32 $0x10;
	s24 =	simm.s32 $0x1;
	[dreg:$0x8] =	wrdreg s13  }
0x12: {  	s9 =	smul.u32 $0x12, s7;
	s7 =	sadd.s32 $0x13E800, s8;
	[dreg:$0x9] =	wrdreg s25  }
0x13: {  	s26 =	sadd.s32 s0, s10;
	s10 =	sadd.s32 s2, s10;
	s4 =	smax.u32 s4, $0x1  }
0x14: {  	s18 =	sshrl.u32 s21, $0x3;
	s25 =	simm.s32 $0x4;
	[dreg:$0xa] =	wrdreg s26  }
0x15: {  	s13 =	simm.s32 $0x7;
	s21 =	simm.s32 $0xD;
	[dreg:$0xb] =	wrdreg s10  }
0x16: {  	[dreg:$0xe] =	wrdreg s4;
	s4 =	simm.s32 $0x5;
	s8 =	sadd.s32 s9, s8  }
0x17: {  	s10 =	simm.s32 $0x40B0;
	[dreg:$0xf] =	wrdreg s18;
	s23 =	sadd.s32 $0x2800, s8  }
0x18: {  	s9 =	simm.s32 $0x3;
	s8 =	sadd.s32 $0x5B600, s8;
	[dreg:$0x6] =	wrdreg s23  }
0x19: {  	v0 =	vmov s1;
	[dreg:$0xd] =	wrdreg s8;
	s8 =	simm.s32 $0x9;
	s23 =	simm.s32 $0x0  }
.LBB2_1:
0x1a: {  	[dreg:$0x10] =	wrdreg s23  }
0x1b: {  	s1 =	rddreg [dreg:$0x6]  }
0x1c: {  	[spmem:s18], [sflag:s12] =	dma.local [hbm:s1], $0x2C70  }
0x1d: {  	_ =	swait.ge [sflag:s20], $0x2C70  }
0x1e: {  	[sflag:s20] =	ssyncset.done $0x0  }
0x1f: {  	[sflag:s20] =	ssyncadd.s32 $0xFFFFD390  }
0x20: {  	[bflag:$0x0] =	sbarrier.arrive $0xFFFF  }
0x21: {  	s20 =	rddreg [dreg:$0x8]  }
0x22: {  	[tilespmem:s6], [sflag:$0x1] =	stream.linear.gather [hbm4b:s20+s6], $0x50, $0x38;
	[tilespmem:$0x1FE30] =	vst v63  }
0x23: {  	s26 =	simm.s32 $0xF0;
	s23 =	rddreg [dreg:$0x9]  }
0x24: {  	[tilespmem:s26], [sflag:$0x4] =	stream.linear.gather [hbm4b:s23+s6], $0x50, $0x38;
	[tilespmem:$0x1FE30] =	vst v63  }
0x25: {  	s30 =	rddreg [dreg:$0xa]  }
0x26: {  	[tilespmem:s22], [sflag:$0x2] =	stream.linear.gather [hbm4b:s30+s6], $0x50, $0x38;
	[tilespmem:$0x1FE30] =	vst v63  }
0x27: {  	s18 =	simm.s32 $0x140;
	s12 =	rddreg [dreg:$0xb]  }
0x28: {  	[tilespmem:s18], [sflag:$0x5] =	stream.linear.gather [hbm4b:s12+s6], $0x50, $0x38;
	[tilespmem:$0x1FE30] =	vst v63  }
0x29: {  	_ =	swait.ge [sflag:s24], $0x50  }
0x2a: {  	[sflag:s24] =	ssyncset.done $0x0  }
0x2b: {  	[sflag:s24] =	ssyncadd.s32 $0xFFFFFFB0  }
0x2c: {  	_ =	swait.ge [sflag:s25], $0x50  }
0x2d: {  	[sflag:s25] =	ssyncset.done $0x0  }
0x2e: {  	[sflag:s25] =	ssyncadd.s32 $0xFFFFFFB0  }
0x2f: {  	v1 =	vld [tilespmem:$0x0]  }
0x30: {  	v3 =	vld [tilespmem:$0xF0]  }
0x31: {  	v2 =	vld [tilespmem:$0xF0]  }
0x32: {  	v4 =	vld [tilespmem:$0x10]  }
0x33: {  	v6 =	vld [tilespmem:$0x100]  }
0x34: {  	v59 =	vld [tilespmem:$0x110]  }
0x35: {  	v5 =	vld [tilespmem:$0x100];
	v1 =	vadd.s32 v0, v1;
	[tilespmem:$0x3C0] =	vst v3  }
0x36: {  	[tilespmem:$0x1E0] =	vst v1;
	v1 =	vadd.s32 v0, v2;
	v2 =	vld [tilespmem:$0x20]  }
0x37: {  	[tilespmem:$0x2D0] =	vst v1;
	v1 =	vld [tilespmem:$0x110]  }
0x38: {  	v60 =	vld [tilespmem:$0x30];
	[tilespmem:$0x3D0] =	vst v6  }
0x39: {  	v61 =	vld [tilespmem:$0x120];
	v3 =	vadd.s32 v0, v4;
	[tilespmem:$0x3E0] =	vst v59  }
0x3a: {  	v63 =	vld [tilespmem:$0x130];
	[tilespmem:$0x1F0] =	vst v3;
	v3 =	vadd.s32 v0, v5  }
0x3b: {  	[tilespmem:$0x2E0] =	vst v3;
	v3 =	vld [tilespmem:$0x120];
	v2 =	vadd.s32 v0, v2  }
0x3c: {  	[tilespmem:$0x200] =	vst v2;
	v1 =	vadd.s32 v0, v1;
	v2 =	vld [tilespmem:$0x40]  }
0x3d: {  	[tilespmem:$0x2F0] =	vst v1;
	v1 =	vld [tilespmem:$0x130]  }
0x3e: {  	[tilespmem:$0x3F0] =	vst v61  }
0x3f: {  	v62 =	vadd.s32 v0, v60;
	[tilespmem:$0x400] =	vst v63  }
0x40: {  	[tilespmem:$0x210] =	vst v62;
	v3 =	vadd.s32 v0, v3  }
0x41: {  	[tilespmem:$0x300] =	vst v3;
	v2 =	vadd.s32 v0, v2  }
0x42: {  	[tilespmem:$0x220] =	vst v2;
	v1 =	vadd.s32 v0, v1  }
0x43: {  	s20 =	simm.s32 $0x2D0;
	s23 =	simm.s32 $0x4B0;
	[tilespmem:$0x310] =	vst v1  }
0x44: {  	[tilespmem:s23], [sflag:$0x7] =	stream.indirect.gather [hbm4b:s3+s22], $0x10, s20, s22, $0xb8;
	[tilespmem:$0x1FE30] =	vst v63  }
0x45: {  	s26 =	simm.s32 $0x1E0;
	s30 =	simm.s32 $0x13B0;
	s18 =	simm.s32 $0x0  }
0x46: {  	[tilespmem:s30], [sflag:$0xA] =	stream.indirect.gather [hbm4b:s7+s22], $0x90, s26, s22, $0xb8;
	[tilespmem:$0x1FE30] =	vst v63  }
.LBB2_2:
0x47: {  	_ =	swait.ge [sflag:s31], $0x50  }
0x48: {  	[sflag:s31] =	ssyncset.done $0x0  }
0x49: {  	[sflag:s31] =	ssyncadd.s32 $0xFFFFFFB0  }
0x4a: {  	_ =	swait.ge [sflag:s4], $0x50  }
0x4b: {  	p0 =	seq.s32 s18, $0x0;
	[sflag:s4] =	ssyncset.done $0x0  }
0x4c: {  	s1 =	simm.s32 @!p0 $0xE;
	[sflag:s4] =	ssyncadd.s32 $0xFFFFFFB0  }
0x4d: {  	_ =	swait.ge @!p0 [sflag:s1], $0x2D00  }
0x4e: {  	[sflag:s1] =	ssyncset.done @!p0 $0x0  }
0x4f: {  	[sflag:s1] =	ssyncadd.s32 @!p0 $0xFFFFD300  }
0x50: {  	v1 =	vld [tilespmem:$0x50]  }
0x51: {  	v3 =	vld [tilespmem:$0x140]  }
0x52: {  	v4 =	vld [tilespmem:$0x60]  }
0x53: {  	v2 =	vld [tilespmem:$0x140]  }
0x54: {  	v5 =	vld [tilespmem:$0x150];
	_ =	sdelay $0x1  }
0x55: {  	v6 =	vld [tilespmem:$0x150]  }
0x56: {  	v1 =	vadd.s32 v0, v1;
	[tilespmem:$0x410] =	vst v3;
	v3 =	vadd.s32 v0, v4;
	v4 =	vld [tilespmem:$0x160]  }
0x57: {  	[tilespmem:$0x230] =	vst v1;
	v1 =	vadd.s32 v0, v2;
	v2 =	vld [tilespmem:$0x70]  }
0x58: {  	[tilespmem:$0x240] =	vst v3;
	v3 =	vadd.s32 v0, v5;
	v5 =	vld [tilespmem:$0x80]  }
0x59: {  	[tilespmem:$0x320] =	vst v1;
	v1 =	vld [tilespmem:$0x160]  }
0x5a: {  	[tilespmem:$0x420] =	vst v6  }
0x5b: {  	v6 =	vld [tilespmem:$0x170];
	[tilespmem:$0x330] =	vst v3  }
0x5c: {  	v3 =	vld [tilespmem:$0x170];
	[tilespmem:$0x430] =	vst v4;
	v2 =	vadd.s32 v0, v2  }
0x5d: {  	v4 =	vadd.s32 v0, v5;
	[tilespmem:$0x250] =	vst v2;
	v2 =	vld [tilespmem:$0x90]  }
0x5e: {  	v1 =	vadd.s32 v0, v1;
	[tilespmem:$0x260] =	vst v4;
	v4 =	vld [tilespmem:$0x180]  }
0x5f: {  	[tilespmem:$0x340] =	vst v1;
	v1 =	vld [tilespmem:$0x180];
	_ =	sdelay $0x1  }
0x60: {  	[tilespmem:$0x440] =	vst v6;
	v3 =	vadd.s32 v0, v3  }
0x61: {  	[tilespmem:$0x350] =	vst v3  }
0x62: {  	s20 =	smul.u32 $0xF0, s18;
	v2 =	vadd.s32 v0, v2;
	[tilespmem:$0x450] =	vst v4  }
0x63: {  	[tilespmem:$0x270] =	vst v2;
	v1 =	vadd.s32 v0, v1  }
0x64: {  	s26 =	simm.s32 $0x320;
	s12 =	simm.s32 $0x9B0;
	s23 =	sadd.s32 s20, s14;
	[tilespmem:$0x360] =	vst v1  }
0x65: {  	[tilespmem:s12], [sflag:$0x8] =	stream.indirect.gather [hbm4b:s3+s22], $0x10, s26, s22, $0xb8;
	[tilespmem:$0x1FE30] =	vst v63  }
0x66: {  	s1 =	sshrl.u32 s23, $0x3;
	s12 =	simm.s32 $0x230  }
0x67: {  	[tilespmem:s10], [sflag:$0xB] =	stream.indirect.gather [hbm4b:s7+s22], $0x90, s12, s22, $0xb8;
	[tilespmem:$0x1FE30] =	vst v63  }
0x68: {  	s23 =	simm.s32 $0xA0;
	s26 =	sadd.s32 s0, s1  }
0x69: {  	[tilespmem:s23], [sflag:$0x3] =	stream.linear.gather [hbm4b:s26+s6], $0x50, $0x38;
	[tilespmem:$0x1FE30] =	vst v63  }
0x6a: {  	s1 =	sadd.s32 s2, s1;
	s23 =	simm.s32 $0x190  }
0x6b: {  	[tilespmem:s23], [sflag:$0x6] =	stream.linear.gather [hbm4b:s1+s6], $0x50, $0x38;
	[tilespmem:$0x1FE30] =	vst v63  }
0x6c: {  	_ =	swait.ge [sflag:s13], $0x500  }
0x6d: {  	[sflag:s13] =	ssyncset.done $0x0  }
0x6e: {  	[sflag:s13] =	ssyncadd.s32 $0xFFFFFB00  }
0x6f: {  	_ =	swait.ge [sflag:s17], $0x2D00  }
0x70: {  	[sflag:s17] =	ssyncset.done $0x0  }
0x71: {  	s23 =	simm.s32 $0x1670;
	[sflag:s17] =	ssyncadd.s32 $0xFFFFD300  }
0x72: {  	s26 =	simm.s32 $0x4F0;
	v1 =	vld [tilespmem:s23+$0x1B0]  }
0x73: {  	v2 =	vld [tilespmem:s26+$0x30]  }
0x74: {  	v3 =	vld [tilespmem:s26+$0xFFFFFFC0]  }
0x75: {  	v4 =	vld [tilespmem:s23+$0xFFFFFE50]  }
0x76: {  	v5 =	vld [tilespmem:s26+$0xFFFFFFD0]  }
0x77: {  	v6 =	vld [tilespmem:s23+$0xFFFFFEE0]  }
0x78: {  	v7 =	vld [tilespmem:s26+$0xFFFFFFE0]  }
0x79: {  	v8 =	vld [tilespmem:s23+$0xFFFFFF70]  }
0x7a: {  	v9 =	vld [tilespmem:s26+$0xFFFFFFF0]  }
0x7b: {  	v10 =	vld [tilespmem:s26+$0x0]  }
0x7c: {  	v12 =	vld [tilespmem:s23+$0x90];
	v1 =	vadd.f32 v2, v1  }
0x7d: {  	v2 =	vld [tilespmem:s23+$0x0]  }
0x7e: {  	v14 =	vld [tilespmem:s23+$0xFFFFFDC0];
	v4 =	vadd.f32 v5, v4;
	v11 =	vmul.f32 $2.000000030e-01, v1  }
0x7f: {  	v5 =	vld [tilespmem:s26+$0x10];
	v6 =	vadd.f32 v7, v6  }
0x80: {  	v7 =	vld [tilespmem:s23+$0x120];
	v8 =	vadd.f32 v9, v8;
	v1 =	vmax.f32 v1, v11;
	v11 =	vmul.f32 $2.000000030e-01, v4  }
0x81: {  	v9 =	vld [tilespmem:s26+$0x20];
	v13 =	vmul.f32 $2.000000030e-01, v6;
	v1 =	vmul.f32 $1.442695020e+00, v1  }
0x82: {  	s26 =	simm.s32 $0x1AF0;
	v2 =	vadd.f32 v10, v2;
	v4 =	vmax.f32 v4, v11;
	v11 =	vmul.f32 $2.000000030e-01, v8  }
0x83: {  	s1 =	simm.s32 $0x570;
	v10 =	vld [tilespmem:s26+$0x1B0];
	(erf) = vpow2.f32 v1;
	v1 =	vmax.f32 v6, v13;
	v4 =	vmul.f32 $1.442695020e+00, v4  }
0x84: {  	v6 =	vld [tilespmem:s1+$0x30];
	v13 =	vmul.f32 $1.442695020e+00, v1;
	v8 =	vmax.f32 v8, v11;
	v11 =	vmul.f32 $2.000000030e-01, v2  }
0x85: {  	v61 =	vld [tilespmem:s1+$0xFFFFFFE0];
	v5 =	vadd.f32 v5, v12;
	v8 =	vmul.f32 $1.442695020e+00, v8;
	(erf) = vpow2.f32 v4  }
0x86: {  	v3 =	vadd.f32 v3, v14;
	v7 =	vadd.f32 v9, v7;
	v9 =	vld [tilespmem:s1+$0xFFFFFFD0];
	(erf) = vpow2.f32 v13  }
0x87: {  	v4 =	vld [tilespmem:s26+$0xFFFFFE50];
	v2 =	vmax.f32 v2, v11;
	v11 =	vmul.f32 $2.000000030e-01, v5;
	(erf) = vpow2.f32 v8  }
0x88: {  	v15 =	vld [tilespmem:s1+$0x0];
	v2 =	vmul.f32 $1.442695020e+00, v2;
	v8 =	vmul.f32 $2.000000030e-01, v7  }
0x89: {  	v60 =	vld [tilespmem:s26+$0xFFFFFEE0];
	v5 =	vmax.f32 v5, v11;
	v6 =	vadd.f32 v6, v10;
	v10 =	vmul.f32 $2.000000030e-01, v3  }
0x8a: {  	v11 =	vld [tilespmem:s26+$0xFFFFFF70];
	v5 =	vmul.f32 $1.442695020e+00, v5;
	v7 =	vmax.f32 v7, v8;
	(erf) = vpow2.f32 v2  }
0x8b: {  	v8 =	vld [tilespmem:s1+$0xFFFFFFF0];
	v2 =	vmul.f32 $2.000000030e-01, v6;
	v7 =	vmul.f32 $1.442695020e+00, v7  }
0x8c: {  	v62 =	vld [tilespmem:s26+$0x0];
	v3 =	vmax.f32 v3, v10;
	v9 =	vadd.f32 v9, v4;
	(erf) = vpow2.f32 v5  }
0x8d: {  	v1 =	vld [tilespmem:s1+$0xFFFFFFC0];
	v3 =	vmul.f32 $1.442695020e+00, v3;
	v4 =	vpop (erf);
	v5 =	vmax.f32 v6, v2;
	(erf) = vpow2.f32 v7  }
0x8e: {  	v10 =	vadd.f32 v61, v60;
	v2 =	vld [tilespmem:s26+$0x90];
	v5 =	vmul.f32 $1.442695020e+00, v5  }
0x8f: {  	v6 =	vmul.f32 $2.000000030e-01, v9;
	[tilespmem:s23+$0x1B0] =	vst v4;
	v4 =	vld [tilespmem:s1+$0x10];
	v7 =	vpop (erf);
	(erf) = vpow2.f32 v3  }
0x90: {  	v12 =	vmul.f32 $2.000000030e-01, v10;
	v3 =	vld [tilespmem:s26+$0x120];
	[tilespmem:s23+$0xFFFFFE50] =	vst v7;
	v7 =	vadd.f32 v8, v11;
	v8 =	vpop (erf);
	(erf) = vpow2.f32 v5  }
0x91: {  	v9 =	vmax.f32 v9, v6;
	v5 =	vld [tilespmem:s1+$0x20];
	[tilespmem:s23+$0xFFFFFEE0] =	vst v8;
	v63 =	vpop (erf)  }
0x92: {  	s30 =	simm.s32 $0x1F70;
	s12 =	simm.s32 $0x8;
	v6 =	vld [tilespmem:s26+$0xFFFFFDC0];
	v11 =	vmax.f32 v10, v12;
	v8 =	vadd.f32 v15, v62;
	v10 =	vmul.f32 $2.000000030e-01, v7;
	[tilespmem:s23+$0xFFFFFF70] =	vst v63  }
.LBB2_3:
0x93: {  	v12 =	vld [tilespmem:s30+$0x1B0];
	v15 =	vmul.f32 $1.442695020e+00, v9;
	v11 =	vmul.f32 $1.442695020e+00, v11;
	s1 =	sadd.s32 $0x80, s1;
	v13 =	vpop (erf)  }
0x94: {  	s12 =	sadd.s32 $0x8, s12;
	v14 =	vld [tilespmem:s1+$0x30];
	v7 =	vmax.f32 v7, v10;
	v10 =	vmul.f32 $2.000000030e-01, v8;
	v2 =	vadd.f32 v4, v2;
	[tilespmem:s23+$0x0] =	vst v13  }
0x95: {  	p1 =	slt.u32 s12, $0x48;
	v4 =	vld [tilespmem:s1+$0xFFFFFFC0];
	v16 =	vmul.f32 $1.442695020e+00, v7;
	(erf) = vpow2.f32 v15;
	v9 =	vpop (erf)  }
0x96: {  	v13 =	vld [tilespmem:s30+$0xFFFFFE50];
	v8 =	vmax.f32 v8, v10;
	v10 =	vmul.f32 $2.000000030e-01, v2;
	v3 =	vadd.f32 v5, v3;
	[tilespmem:s23+$0x90] =	vst v9;
	v5 =	vpop (erf)  }
0x97: {  	v9 =	vld [tilespmem:s1+$0xFFFFFFD0];
	v6 =	vadd.f32 v1, v6;
	v15 =	vmul.f32 $1.442695020e+00, v8;
	(erf) = vpow2.f32 v11;
	[tilespmem:s23+$0x120] =	vst v5  }
0x98: {  	v5 =	vld [tilespmem:s30+$0xFFFFFEE0];
	v2 =	vmax.f32 v2, v10;
	v8 =	vmul.f32 $2.000000030e-01, v3;
	(erf) = vpow2.f32 v16;
	v7 =	vpop (erf)  }
0x99: {  	v10 =	vld [tilespmem:s1+$0xFFFFFFE0];
	v11 =	vadd.f32 v14, v12;
	v12 =	vmul.f32 $2.000000030e-01, v6;
	v2 =	vmul.f32 $1.442695020e+00, v2;
	v14 =	vpop (erf);
	[tilespmem:s23+$0xFFFFFDC0] =	vst v7;
	s23 =	smov.u32 s26;
	s26 =	smov.u32 s30  }
0x9a: {  	v7 =	vld [tilespmem:s30+$0xFFFFFF70];
	v3 =	vmax.f32 v3, v8;
	[tilespmem:s23+$0x1B0] =	vst v14;
	(erf) = vpow2.f32 v15;
	v1 =	vmov v4  }
0x9b: {  	v8 =	vld [tilespmem:s1+$0xFFFFFFF0];
	v4 =	vmul.f32 $2.000000030e-01, v11;
	v6 =	vmax.f32 v6, v12;
	v14 =	vmul.f32 $1.442695020e+00, v3  }
0x9c: {  	v9 =	vadd.f32 v9, v13;
	v12 =	vld [tilespmem:s30+$0x0];
	v6 =	vmul.f32 $1.442695020e+00, v6;
	(erf) = vpow2.f32 v2  }
0x9d: {  	v13 =	vld [tilespmem:s1+$0x0];
	v4 =	vmax.f32 v11, v4;
	(erf) = vpow2.f32 v14  }
.Ltmp0:
0x9e: {  	v11 =	vmul.f32 $2.000000030e-01, v9;
	v10 =	vadd.f32 v10, v5;
	v2 =	vld [tilespmem:s30+$0x90];
	v5 =	vmul.f32 $1.442695020e+00, v4;
	v3 =	vpop (erf);
	(pc) =	sbr.rel @p1 .LBB2_3-.Ltmp0, $4  }
0x9f: {  	v4 =	vld [tilespmem:s1+$0x10];
	[tilespmem:s23+$0xFFFFFE50] =	vst v3;
	(erf) = vpow2.f32 v6  }
0xa0: {  	v14 =	vmul.f32 $2.000000030e-01, v10;
	v7 =	vadd.f32 v8, v7;
	v3 =	vld [tilespmem:s30+$0x120];
	(erf) = vpow2.f32 v5;
	v6 =	vpop (erf)  }
0xa1: {  	v9 =	vmax.f32 v9, v11;
	v5 =	vld [tilespmem:s1+$0x20];
	[tilespmem:s23+$0xFFFFFEE0] =	vst v6;
	v15 =	vpop (erf)  }
0xa2: {  	s30 =	sadd.s32 $0x480, s30;
	v6 =	vld [tilespmem:s26+$0xFFFFFDC0];
	v11 =	vmax.f32 v10, v14;
	v10 =	vmul.f32 $2.000000030e-01, v7;
	v8 =	vadd.f32 v13, v12;
	[tilespmem:s23+$0xFFFFFF70] =	vst v15  }
0xa3: {  	_ = 	snop  }
0xa4: {  	v9 =	vmul.f32 $1.442695020e+00, v9;
	v11 =	vmul.f32 $1.442695020e+00, v11  }
0xa5: {  	v7 =	vmax.f32 v7, v10;
	v10 =	vmul.f32 $2.000000030e-01, v8;
	v2 =	vadd.f32 v4, v2  }
0xa6: {  	v4 =	vmul.f32 $1.442695020e+00, v7;
	(erf) = vpow2.f32 v9;
	v3 =	vadd.f32 v5, v3  }
0xa7: {  	v5 =	vmax.f32 v8, v10;
	v7 =	vmul.f32 $2.000000030e-01, v2;
	v1 =	vadd.f32 v1, v6  }
0xa8: {  	(erf) = vpow2.f32 v11;
	v5 =	vmul.f32 $1.442695020e+00, v5  }
0xa9: {  	v6 =	vmul.f32 $2.000000030e-01, v3;
	v2 =	vmax.f32 v2, v7;
	v7 =	vmul.f32 $2.000000030e-01, v1  }
0xaa: {  	(erf) = vpow2.f32 v4;
	v2 =	vmul.f32 $1.442695020e+00, v2  }
0xab: {  	(erf) = vpow2.f32 v5;
	v3 =	vmax.f32 v3, v6;
	v1 =	vmax.f32 v1, v7  }
0xac: {  	v3 =	vmul.f32 $1.442695020e+00, v3;
	v1 =	vmul.f32 $1.442695020e+00, v1  }
0xad: {  	v4 =	vpop (erf);
	(erf) = vpow2.f32 v2  }
0xae: {  	[tilespmem:s23+$0x0] =	vst v4;
	v2 =	vpop (erf);
	(erf) = vpow2.f32 v3  }
0xaf: {  	[tilespmem:s23+$0x90] =	vst v2;
	v2 =	vpop (erf);
	(erf) = vpow2.f32 v1  }
0xb0: {  	[tilespmem:s23+$0x120] =	vst v2;
	v1 =	vpop (erf)  }
0xb1: {  	v2 =	vpop (erf);
	[tilespmem:s23+$0xFFFFFDC0] =	vst v1  }
0xb2: {  	v1 =	vpop (erf);
	[tilespmem:s26+$0x1B0] =	vst v2  }
0xb3: {  	[tilespmem:s26+$0xFFFFFE50] =	vst v1;
	v1 =	vpop (erf)  }
0xb4: {  	[tilespmem:s26+$0xFFFFFEE0] =	vst v1;
	v1 =	vpop (erf)  }
0xb5: {  	[tilespmem:s26+$0xFFFFFF70] =	vst v1;
	v1 =	vpop (erf)  }
0xb6: {  	[tilespmem:s26+$0x0] =	vst v1;
	v1 =	vpop (erf)  }
0xb7: {  	[tilespmem:s26+$0x90] =	vst v1;
	v1 =	vpop (erf)  }
0xb8: {  	[tilespmem:s26+$0x120] =	vst v1;
	v1 =	vpop (erf)  }
0xb9: {  	s23 =	simm.s32 $0x14D0;
	[tilespmem:s26+$0xFFFFFDC0] =	vst v1  }
0xba: {  	v2 =	vld [tilespmem:s23+$0x110]  }
0xbb: {  	v3 =	vld [tilespmem:s23+$0xFFFFFFF0]  }
0xbc: {  	v4 =	vld [tilespmem:s23+$0x100]  }
0xbd: {  	v5 =	vld [tilespmem:s23+$0x80]  }
0xbe: {  	v6 =	vld [tilespmem:s23+$0xFFFFFF60]  }
0xbf: {  	v7 =	vld [tilespmem:s23+$0xFFFFFEE0]  }
0xc0: {  	v8 =	vld [tilespmem:s23+$0xFFFFFEF0]  }
0xc1: {  	v9 =	vld [tilespmem:s23+$0xFFFFFF00]  }
0xc2: {  	v10 =	vld [tilespmem:s23+$0xFFFFFF10]  }
0xc3: {  	v11 =	vld [tilespmem:s23+$0xFFFFFF20]  }
0xc4: {  	v12 =	vld [tilespmem:s23+$0xFFFFFF30];
	v1 =	vbroadcast v2, $0x3  }
0xc5: {  	v14 =	vld [tilespmem:s23+$0xFFFFFF40];
	v13 =	vbroadcast v6, $0x0  }
0xc6: {  	v15 =	vld [tilespmem:s23+$0xFFFFFF50];
	v16 =	vbroadcast v6, $0x1;
	v4 =	vmul.f32 v4, v1  }
0xc7: {  	v17 =	vld [tilespmem:s23+$0xFFFFFF70];
	v7 =	vmul.f32 v13, v7  }
0xc8: {  	v62 =	vld [tilespmem:s23+$0x20];
	v9 =	vmul.f32 v9, v16;
	v10 =	vmul.f32 v10, v16;
	[tilespmem:s23+$0x100] =	vst v4  }
0xc9: {  	v63 =	vld [tilespmem:s23+$0x60];
	v4 =	vmul.f32 v8, v13;
	v13 =	vbroadcast v6, $0x2;
	[tilespmem:s23+$0xFFFFFEE0] =	vst v7  }
0xca: {  	v18 =	vld [tilespmem:s23+$0x90];
	[tilespmem:s23+$0xFFFFFF00] =	vst v9  }
0xcb: {  	v8 =	vld [tilespmem:s23+$0xFFFFFF80];
	v6 =	vbroadcast v6, $0x3;
	[tilespmem:s23+$0xFFFFFF10] =	vst v10;
	v11 =	vmul.f32 v11, v13  }
0xcc: {  	v7 =	vld [tilespmem:s23+$0xFFFFFF90];
	[tilespmem:s23+$0xFFFFFEF0] =	vst v4;
	v12 =	vmul.f32 v12, v13  }
0xcd: {  	v4 =	vld [tilespmem:s23+$0xFFFFFFA0];
	v13 =	vbroadcast v3, $0x0;
	v14 =	vmul.f32 v14, v6;
	[tilespmem:s23+$0xFFFFFF20] =	vst v11  }
0xce: {  	v9 =	vld [tilespmem:s23+$0xFFFFFFB0];
	v6 =	vmul.f32 v15, v6;
	[tilespmem:s23+$0xFFFFFF30] =	vst v12  }
0xcf: {  	v10 =	vld [tilespmem:s23+$0xFFFFFFC0];
	v15 =	vbroadcast v3, $0x1;
	v61 =	vmul.f32 v13, v17;
	[tilespmem:s23+$0xFFFFFF40] =	vst v14  }
0xd0: {  	v11 =	vld [tilespmem:s23+$0xFFFFFFD0];
	[tilespmem:s23+$0xFFFFFF50] =	vst v6;
	v8 =	vmul.f32 v8, v13  }
0xd1: {  	v12 =	vld [tilespmem:s23+$0xFFFFFFE0];
	v13 =	vbroadcast v3, $0x2;
	v7 =	vmul.f32 v7, v15;
	[tilespmem:s23+$0xFFFFFF70] =	vst v61  }
0xd2: {  	v14 =	vld [tilespmem:s23+$0x0];
	v4 =	vmul.f32 v4, v15;
	[tilespmem:s23+$0xFFFFFF80] =	vst v8  }
0xd3: {  	v6 =	vld [tilespmem:s23+$0x10];
	v3 =	vbroadcast v3, $0x3;
	v9 =	vmul.f32 v9, v13;
	[tilespmem:s23+$0xFFFFFF90] =	vst v7  }
0xd4: {  	v8 =	vld [tilespmem:s23+$0x30];
	v15 =	vbroadcast v2, $0x0;
	v10 =	vmul.f32 v10, v13;
	[tilespmem:s23+$0xFFFFFFA0] =	vst v4  }
0xd5: {  	v7 =	vld [tilespmem:s23+$0x40];
	v13 =	vbroadcast v5, $0x0;
	v11 =	vmul.f32 v11, v3;
	[tilespmem:s23+$0xFFFFFFB0] =	vst v9  }
0xd6: {  	v4 =	vld [tilespmem:s23+$0x50];
	v9 =	vbroadcast v5, $0x1;
	v3 =	vmul.f32 v12, v3;
	[tilespmem:s23+$0xFFFFFFC0] =	vst v10  }
0xd7: {  	v12 =	vld [tilespmem:s23+$0x70];
	v10 =	vbroadcast v5, $0x2;
	v14 =	vmul.f32 v13, v14;
	[tilespmem:s23+$0xFFFFFFD0] =	vst v11  }
0xd8: {  	p1 =	por $0x1, $0x1;
	v6 =	vmul.f32 v6, v13;
	v13 =	vld [tilespmem:s23+$0xA0];
	v11 =	vbroadcast v5, $0x3;
	[tilespmem:s23+$0xFFFFFFE0] =	vst v3  }
.Ltmp1:
0xd9: {  	v3 =	vbroadcast v2, $0x1;
	v16 =	vmul.f32 v62, v9;
	[tilespmem:s23+$0x0] =	vst v14;
	v5 =	vld [tilespmem:s23+$0xB0];
	(pc) =	sbr.rel @!p1 .LBB2_6-.Ltmp1, $4  }
0xda: {  	v2 =	vbroadcast v2, $0x2;
	[tilespmem:s23+$0x10] =	vst v6;
	v6 =	vld [tilespmem:s23+$0xC0];
	v8 =	vmul.f32 v8, v9  }
0xdb: {  	v14 =	vmul.f32 v7, v10;
	v7 =	vld [tilespmem:s23+$0xD0];
	[tilespmem:s23+$0x20] =	vst v16;
	v9 =	vmul.f32 v4, v10  }
0xdc: {  	v10 =	vmul.f32 v63, v11;
	v11 =	vmul.f32 v12, v11;
	[tilespmem:s23+$0x30] =	vst v8;
	v8 =	vld [tilespmem:s23+$0xE0]  }
0xdd: {  	s1 =	simm.s32 $0x1710;
	s26 =	simm.s32 $0x0;
	v12 =	vmul.f32 v15, v18;
	[tilespmem:s23+$0x40] =	vst v14;
	v13 =	vmul.f32 v13, v15;
	v4 =	vld [tilespmem:s23+$0xF0]  }
.LBB2_5:
0xde: {  	v14 =	vld [tilespmem:s1+$0x110];
	s26 =	sadd.s32 $0x4, s26;
	[tilespmem:s23+$0x50] =	vst v9;
	v5 =	vmul.f32 v5, v3  }
0xdf: {  	v9 =	vld [tilespmem:s1+$0xFFFFFFF0];
	p1 =	slt.u32 s26, $0x4C;
	[tilespmem:s23+$0x60] =	vst v10;
	v3 =	vmul.f32 v6, v3  }
0xe0: {  	v6 =	vld [tilespmem:s1+$0x100];
	[tilespmem:s23+$0x70] =	vst v11;
	v7 =	vmul.f32 v7, v2  }
0xe1: {  	v10 =	vld [tilespmem:s1+$0x80];
	[tilespmem:s23+$0x90] =	vst v12;
	v2 =	vmul.f32 v8, v2  }
0xe2: {  	v8 =	vld [tilespmem:s1+$0xFFFFFF60];
	[tilespmem:s23+$0xA0] =	vst v13;
	v11 =	vmul.f32 v4, v1  }
0xe3: {  	v12 =	vld [tilespmem:s1+$0xFFFFFEE0];
	v4 =	vbroadcast v14, $0x0;
	v1 =	vbroadcast v14, $0x3;
	[tilespmem:s23+$0xB0] =	vst v5  }
0xe4: {  	v5 =	vld [tilespmem:s1+$0xFFFFFEF0];
	v13 =	vbroadcast v9, $0x0;
	v15 =	vbroadcast v9, $0x1;
	[tilespmem:s23+$0xC0] =	vst v3  }
0xe5: {  	v17 =	vbroadcast v9, $0x2;
	v16 =	vld [tilespmem:s1+$0xFFFFFF00];
	v3 =	vmul.f32 v6, v1;
	[tilespmem:s23+$0xD0] =	vst v7  }
0xe6: {  	v7 =	vbroadcast v9, $0x3;
	v6 =	vld [tilespmem:s1+$0xFFFFFF10];
	v9 =	vbroadcast v10, $0x0;
	[tilespmem:s23+$0xE0] =	vst v2  }
0xe7: {  	v18 =	vbroadcast v8, $0x0;
	v19 =	vbroadcast v8, $0x1;
	v20 =	vld [tilespmem:s1+$0xFFFFFF20];
	[tilespmem:s1+$0x100] =	vst v3  }
0xe8: {  	v21 =	vbroadcast v8, $0x2;
	v8 =	vbroadcast v8, $0x3;
	v22 =	vld [tilespmem:s1+$0xFFFFFF30];
	[tilespmem:s23+$0xF0] =	vst v11;
	s23 =	smov.u32 s1  }
0xe9: {  	v23 =	vbroadcast v10, $0x1;
	v24 =	vbroadcast v10, $0x2;
	v11 =	vld [tilespmem:s1+$0xFFFFFF40]  }
0xea: {  	v26 =	vbroadcast v10, $0x3;
	v3 =	vbroadcast v14, $0x1;
	v25 =	vld [tilespmem:s1+$0xFFFFFF50]  }
0xeb: {  	v2 =	vbroadcast v14, $0x2;
	v10 =	vmul.f32 v18, v12;
	v12 =	vld [tilespmem:s1+$0xFFFFFF70]  }
0xec: {  	v5 =	vmul.f32 v5, v18;
	v14 =	vmul.f32 v16, v19;
	v16 =	vld [tilespmem:s1+$0xFFFFFF80]  }
0xed: {  	v6 =	vmul.f32 v6, v19;
	[tilespmem:s1+$0xFFFFFEE0] =	vst v10;
	v10 =	vmul.f32 v20, v21;
	v18 =	vld [tilespmem:s1+$0xFFFFFF90]  }
0xee: {  	[tilespmem:s1+$0xFFFFFEF0] =	vst v5;
	v5 =	vmul.f32 v22, v21;
	v11 =	vmul.f32 v11, v8;
	v19 =	vld [tilespmem:s1+$0xFFFFFFA0]  }
0xef: {  	[tilespmem:s1+$0xFFFFFF00] =	vst v14;
	v8 =	vmul.f32 v25, v8;
	v14 =	vld [tilespmem:s1+$0xFFFFFFB0]  }
0xf0: {  	[tilespmem:s1+$0xFFFFFF10] =	vst v6;
	v6 =	vmul.f32 v13, v12;
	v12 =	vld [tilespmem:s1+$0xFFFFFFC0]  }
0xf1: {  	[tilespmem:s1+$0xFFFFFF20] =	vst v10;
	v10 =	vmul.f32 v16, v13;
	v13 =	vld [tilespmem:s1+$0xFFFFFFD0]  }
0xf2: {  	[tilespmem:s1+$0xFFFFFF30] =	vst v5;
	v5 =	vmul.f32 v18, v15;
	v16 =	vld [tilespmem:s1+$0xFFFFFFE0]  }
0xf3: {  	[tilespmem:s1+$0xFFFFFF40] =	vst v11;
	v11 =	vmul.f32 v19, v15;
	v15 =	vld [tilespmem:s1+$0x0]  }
0xf4: {  	[tilespmem:s1+$0xFFFFFF50] =	vst v8;
	v8 =	vmul.f32 v14, v17;
	v14 =	vld [tilespmem:s1+$0x10]  }
0xf5: {  	[tilespmem:s1+$0xFFFFFF70] =	vst v6;
	v6 =	vmul.f32 v12, v17;
	v12 =	vld [tilespmem:s1+$0x20]  }
0xf6: {  	[tilespmem:s1+$0xFFFFFF80] =	vst v10;
	v10 =	vmul.f32 v13, v7;
	v13 =	vld [tilespmem:s1+$0x30]  }
0xf7: {  	[tilespmem:s1+$0xFFFFFF90] =	vst v5;
	v5 =	vmul.f32 v16, v7;
	v7 =	vld [tilespmem:s1+$0x40]  }
0xf8: {  	[tilespmem:s1+$0xFFFFFFA0] =	vst v11;
	v11 =	vmul.f32 v9, v15;
	v15 =	vld [tilespmem:s1+$0x50]  }
0xf9: {  	[tilespmem:s1+$0xFFFFFFB0] =	vst v8;
	v8 =	vmul.f32 v14, v9;
	v14 =	vld [tilespmem:s1+$0x60]  }
0xfa: {  	[tilespmem:s1+$0xFFFFFFC0] =	vst v6;
	v12 =	vmul.f32 v12, v23;
	v16 =	vld [tilespmem:s1+$0x70]  }
0xfb: {  	[tilespmem:s1+$0xFFFFFFD0] =	vst v10;
	v13 =	vmul.f32 v13, v23;
	v17 =	vld [tilespmem:s1+$0x90]  }
0xfc: {  	[tilespmem:s1+$0xFFFFFFE0] =	vst v5;
	v18 =	vmul.f32 v7, v24;
	v19 =	vld [tilespmem:s1+$0xA0]  }
.Ltmp2:
0xfd: {  	[tilespmem:s1+$0x0] =	vst v11;
	v9 =	vmul.f32 v15, v24;
	v5 =	vld [tilespmem:s1+$0xB0];
	(pc) =	sbr.rel @p1 .LBB2_5-.Ltmp2, $4  }
0xfe: {  	[tilespmem:s1+$0x10] =	vst v8;
	v10 =	vmul.f32 v14, v26;
	v6 =	vld [tilespmem:s1+$0xC0]  }
0xff: {  	[tilespmem:s1+$0x20] =	vst v12;
	v11 =	vmul.f32 v16, v26;
	v7 =	vld [tilespmem:s1+$0xD0]  }
0x100: {  	[tilespmem:s1+$0x30] =	vst v13;
	v12 =	vmul.f32 v4, v17;
	v8 =	vld [tilespmem:s1+$0xE0]  }
0x101: {  	s1 =	sadd.s32 $0x240, s1;
	[tilespmem:s23+$0x40] =	vst v18;
	v13 =	vmul.f32 v19, v4;
	v4 =	vld [tilespmem:s23+$0xF0]  }
.LBB2_6:
0x102: {  	[tilespmem:s23+$0x50] =	vst v9  }
0x103: {  	[tilespmem:s23+$0x60] =	vst v10  }
0x104: {  	[tilespmem:s23+$0x70] =	vst v11  }
0x105: {  	v5 =	vmul.f32 v5, v3;
	[tilespmem:s23+$0x90] =	vst v12  }
0x106: {  	v3 =	vmul.f32 v6, v3;
	[tilespmem:s23+$0xA0] =	vst v13  }
0x107: {  	v6 =	vmul.f32 v7, v2;
	[tilespmem:s23+$0xB0] =	vst v5  }
0x108: {  	v2 =	vmul.f32 v8, v2;
	[tilespmem:s23+$0xC0] =	vst v3  }
0x109: {  	v1 =	vmul.f32 v4, v1;
	[tilespmem:s23+$0xD0] =	vst v6  }
0x10a: {  	[tilespmem:s23+$0xE0] =	vst v2  }
0x10b: {  	s1 =	simm.s32 $0x13B0;
	s12 =	simm.s32 $0x3C0;
	[tilespmem:s23+$0xF0] =	vst v1  }
0x10c: {  	[spmem:s5] =	stream.indirect.scatter.add.f32 [tilespmem:s1], [sflag:$0xD], $0x90, s12, s22, $0xb8;
	[tilespmem:$0x1FE30] =	vst v63  }
0x10d: {  	_ =	swait.ge [sflag:s9], $0x50  }
0x10e: {  	[sflag:s9] =	ssyncset.done $0x0  }
0x10f: {  	[sflag:s9] =	ssyncadd.s32 $0xFFFFFFB0  }
0x110: {  	_ =	swait.ge [sflag:s19], $0x50  }
0x111: {  	[sflag:s19] =	ssyncset.done $0x0  }
0x112: {  	s1 =	simm.s32 @!p0 $0xF;
	[sflag:s19] =	ssyncadd.s32 $0xFFFFFFB0  }
0x113: {  	_ =	swait.ge @!p0 [sflag:s1], $0x2D00  }
0x114: {  	[sflag:s1] =	ssyncset.done @!p0 $0x0  }
0x115: {  	[sflag:s1] =	ssyncadd.s32 @!p0 $0xFFFFD300  }
0x116: {  	v1 =	vld [tilespmem:$0xA0]  }
0x117: {  	v3 =	vld [tilespmem:$0x190]  }
0x118: {  	v4 =	vld [tilespmem:$0xB0]  }
0x119: {  	v2 =	vld [tilespmem:$0x190]  }
0x11a: {  	v5 =	vld [tilespmem:$0x1A0];
	_ =	sdelay $0x1  }
0x11b: {  	v6 =	vld [tilespmem:$0x1A0]  }
0x11c: {  	v1 =	vadd.s32 v0, v1;
	[tilespmem:$0x460] =	vst v3;
	v3 =	vadd.s32 v0, v4;
	v4 =	vld [tilespmem:$0x1B0]  }
0x11d: {  	[tilespmem:$0x280] =	vst v1;
	v1 =	vadd.s32 v0, v2;
	v2 =	vld [tilespmem:$0xC0]  }
0x11e: {  	[tilespmem:$0x290] =	vst v3;
	v3 =	vadd.s32 v0, v5;
	v5 =	vld [tilespmem:$0xD0]  }
0x11f: {  	[tilespmem:$0x370] =	vst v1;
	v1 =	vld [tilespmem:$0x1B0]  }
0x120: {  	[tilespmem:$0x470] =	vst v6  }
0x121: {  	v6 =	vld [tilespmem:$0x1C0];
	[tilespmem:$0x380] =	vst v3  }
0x122: {  	v3 =	vld [tilespmem:$0x1C0];
	[tilespmem:$0x480] =	vst v4;
	v2 =	vadd.s32 v0, v2  }
0x123: {  	v4 =	vadd.s32 v0, v5;
	[tilespmem:$0x2A0] =	vst v2;
	v2 =	vld [tilespmem:$0xE0]  }
0x124: {  	v1 =	vadd.s32 v0, v1;
	[tilespmem:$0x2B0] =	vst v4;
	v4 =	vld [tilespmem:$0x1D0]  }
0x125: {  	[tilespmem:$0x390] =	vst v1;
	v1 =	vld [tilespmem:$0x1D0];
	_ =	sdelay $0x1  }
0x126: {  	[tilespmem:$0x490] =	vst v6;
	v3 =	vadd.s32 v0, v3  }
0x127: {  	[tilespmem:$0x3A0] =	vst v3  }
0x128: {  	v2 =	vadd.s32 v0, v2;
	[tilespmem:$0x4A0] =	vst v4  }
0x129: {  	p0 =	seq.s32 s18, $0x53;
	[tilespmem:$0x2C0] =	vst v2;
	v1 =	vadd.s32 v0, v1  }
0x12a: {  	s26 =	simm.s32 $0xEB0;
	s23 =	simm.s32 $0x370;
	s1 =	sadd.s32 @!p0 s20, s15;
	[tilespmem:$0x3B0] =	vst v1  }
0x12b: {  	[tilespmem:s26], [sflag:$0x9] =	stream.indirect.gather [hbm4b:s3+s22], $0x10, s23, s22, $0xb8;
	[tilespmem:$0x1FE30] =	vst v63  }
0x12c: {  	s1 =	sshrl.u32 @!p0 s1, $0x3;
	s23 =	simm.s32 $0x280  }
0x12d: {  	[tilespmem:s28], [sflag:$0xC] =	stream.indirect.gather [hbm4b:s7+s22], $0x90, s23, s22, $0xb8;
	[tilespmem:$0x1FE30] =	vst v63  }
0x12e: {  	s12 =	sadd.s32 @!p0 s0, s1;
	s23 =	simm.s32 @!p0 $0x0  }
0x12f: {  	[tilespmem:s23], [sflag:$0x1] =	stream.linear.gather @!p0 [hbm4b:s12+s23], $0x50, $0x38;
	[tilespmem:$0x1FE30] =	vst v63  }
0x130: {  	s1 =	sadd.s32 @!p0 s2, s1;
	s12 =	simm.s32 @!p0 $0xF0  }
0x131: {  	[tilespmem:s12], [sflag:$0x4] =	stream.linear.gather @!p0 [hbm4b:s1+s23], $0x50, $0x38;
	[tilespmem:$0x1FE30] =	vst v63  }
0x132: {  	_ =	swait.ge [sflag:s29], $0x500  }
0x133: {  	[sflag:s29] =	ssyncset.done $0x0  }
0x134: {  	[sflag:s29] =	ssyncadd.s32 $0xFFFFFB00  }
0x135: {  	_ =	swait.ge [sflag:s16], $0x2D00  }
0x136: {  	[sflag:s16] =	ssyncset.done $0x0  }
0x137: {  	s23 =	simm.s32 $0x4520;
	[sflag:s16] =	ssyncadd.s32 $0xFFFFD300  }
0x138: {  	s26 =	simm.s32 $0xA20;
	v1 =	vld [tilespmem:s23+$0x0]  }
0x139: {  	v2 =	vld [tilespmem:s26+$0x0]  }
0x13a: {  	v3 =	vld [tilespmem:s26+$0xFFFFFF90]  }
0x13b: {  	v4 =	vld [tilespmem:s23+$0xFFFFFCA0]  }
0x13c: {  	v5 =	vld [tilespmem:s26+$0xFFFFFFA0]  }
0x13d: {  	v6 =	vld [tilespmem:s23+$0xFFFFFD30]  }
0x13e: {  	v7 =	vld [tilespmem:s26+$0xFFFFFFB0]  }
0x13f: {  	v8 =	vld [tilespmem:s23+$0xFFFFFDC0]  }
0x140: {  	v9 =	vld [tilespmem:s26+$0xFFFFFFC0]  }
0x141: {  	v10 =	vld [tilespmem:s26+$0xFFFFFFD0]  }
0x142: {  	v58 =	vld [tilespmem:s23+$0xFFFFFEE0];
	v1 =	vadd.f32 v2, v1  }
0x143: {  	v2 =	vld [tilespmem:s23+$0xFFFFFE50]  }
0x144: {  	v14 =	vld [tilespmem:s23+$0xFFFFFC10];
	v4 =	vadd.f32 v5, v4;
	v11 =	vmul.f32 $2.000000030e-01, v1  }
0x145: {  	v5 =	vld [tilespmem:s26+$0xFFFFFFE0];
	v6 =	vadd.f32 v7, v6  }
0x146: {  	v7 =	vld [tilespmem:s23+$0xFFFFFF70];
	v8 =	vadd.f32 v9, v8;
	v1 =	vmax.f32 v1, v11;
	v11 =	vmul.f32 $2.000000030e-01, v4  }
0x147: {  	v9 =	vld [tilespmem:s26+$0xFFFFFFF0];
	v59 =	vmul.f32 $2.000000030e-01, v6;
	v1 =	vmul.f32 $1.442695020e+00, v1  }
0x148: {  	s26 =	simm.s32 $0x49A0;
	v2 =	vadd.f32 v10, v2;
	v4 =	vmax.f32 v4, v11;
	v11 =	vmul.f32 $2.000000030e-01, v8  }
0x149: {  	s1 =	simm.s32 $0xAA0;
	v10 =	vld [tilespmem:s26+$0x0];
	(erf) = vpow2.f32 v1;
	v1 =	vmax.f32 v6, v59;
	v4 =	vmul.f32 $1.442695020e+00, v4  }
0x14a: {  	v6 =	vld [tilespmem:s1+$0x0];
	v13 =	vmul.f32 $1.442695020e+00, v1;
	v8 =	vmax.f32 v8, v11;
	v11 =	vmul.f32 $2.000000030e-01, v2  }
0x14b: {  	v61 =	vld [tilespmem:s1+$0xFFFFFFB0];
	v5 =	vadd.f32 v5, v58;
	v8 =	vmul.f32 $1.442695020e+00, v8;
	(erf) = vpow2.f32 v4  }
0x14c: {  	v3 =	vadd.f32 v3, v14;
	v7 =	vadd.f32 v9, v7;
	v9 =	vld [tilespmem:s1+$0xFFFFFFA0];
	(erf) = vpow2.f32 v13  }
0x14d: {  	v4 =	vld [tilespmem:s26+$0xFFFFFCA0];
	v2 =	vmax.f32 v2, v11;
	v11 =	vmul.f32 $2.000000030e-01, v5;
	(erf) = vpow2.f32 v8  }
0x14e: {  	v15 =	vld [tilespmem:s1+$0xFFFFFFD0];
	v2 =	vmul.f32 $1.442695020e+00, v2;
	v8 =	vmul.f32 $2.000000030e-01, v7  }
0x14f: {  	v60 =	vld [tilespmem:s26+$0xFFFFFD30];
	v5 =	vmax.f32 v5, v11;
	v6 =	vadd.f32 v6, v10;
	v10 =	vmul.f32 $2.000000030e-01, v3  }
0x150: {  	v11 =	vld [tilespmem:s26+$0xFFFFFDC0];
	v5 =	vmul.f32 $1.442695020e+00, v5;
	v7 =	vmax.f32 v7, v8;
	(erf) = vpow2.f32 v2  }
0x151: {  	v8 =	vld [tilespmem:s1+$0xFFFFFFC0];
	v2 =	vmul.f32 $2.000000030e-01, v6;
	v7 =	vmul.f32 $1.442695020e+00, v7  }
0x152: {  	v62 =	vld [tilespmem:s26+$0xFFFFFE50];
	v3 =	vmax.f32 v3, v10;
	v9 =	vadd.f32 v9, v4;
	(erf) = vpow2.f32 v5  }
0x153: {  	v1 =	vld [tilespmem:s1+$0xFFFFFF90];
	v3 =	vmul.f32 $1.442695020e+00, v3;
	v4 =	vpop (erf);
	v5 =	vmax.f32 v6, v2;
	(erf) = vpow2.f32 v7  }
0x154: {  	v10 =	vadd.f32 v61, v60;
	v2 =	vld [tilespmem:s26+$0xFFFFFEE0];
	v5 =	vmul.f32 $1.442695020e+00, v5  }
0x155: {  	v6 =	vmul.f32 $2.000000030e-01, v9;
	[tilespmem:s23+$0x0] =	vst v4;
	v4 =	vld [tilespmem:s1+$0xFFFFFFE0];
	v7 =	vpop (erf);
	(erf) = vpow2.f32 v3  }
0x156: {  	v12 =	vmul.f32 $2.000000030e-01, v10;
	v3 =	vld [tilespmem:s26+$0xFFFFFF70];
	[tilespmem:s23+$0xFFFFFCA0] =	vst v7;
	v7 =	vadd.f32 v8, v11;
	v8 =	vpop (erf);
	(erf) = vpow2.f32 v5  }
0x157: {  	v9 =	vmax.f32 v9, v6;
	v5 =	vld [tilespmem:s1+$0xFFFFFFF0];
	[tilespmem:s23+$0xFFFFFD30] =	vst v8;
	v63 =	vpop (erf)  }
0x158: {  	s30 =	simm.s32 $0x4E20;
	s12 =	simm.s32 $0x8;
	v6 =	vld [tilespmem:s26+$0xFFFFFC10];
	v11 =	vmax.f32 v10, v12;
	v8 =	vadd.f32 v15, v62;
	v10 =	vmul.f32 $2.000000030e-01, v7;
	[tilespmem:s23+$0xFFFFFDC0] =	vst v63  }
.LBB2_7:
0x159: {  	v12 =	vld [tilespmem:s30+$0x0];
	v15 =	vmul.f32 $1.442695020e+00, v9;
	v11 =	vmul.f32 $1.442695020e+00, v11;
	s1 =	sadd.s32 $0x80, s1;
	v13 =	vpop (erf)  }
0x15a: {  	s12 =	sadd.s32 $0x8, s12;
	v14 =	vld [tilespmem:s1+$0x0];
	v7 =	vmax.f32 v7, v10;
	v10 =	vmul.f32 $2.000000030e-01, v8;
	v2 =	vadd.f32 v4, v2;
	[tilespmem:s23+$0xFFFFFE50] =	vst v13  }
0x15b: {  	p0 =	slt.u32 s12, $0x48;
	v4 =	vld [tilespmem:s1+$0xFFFFFF90];
	v16 =	vmul.f32 $1.442695020e+00, v7;
	(erf) = vpow2.f32 v15;
	v9 =	vpop (erf)  }
0x15c: {  	v13 =	vld [tilespmem:s30+$0xFFFFFCA0];
	v8 =	vmax.f32 v8, v10;
	v10 =	vmul.f32 $2.000000030e-01, v2;
	v3 =	vadd.f32 v5, v3;
	[tilespmem:s23+$0xFFFFFEE0] =	vst v9;
	v5 =	vpop (erf)  }
0x15d: {  	v9 =	vld [tilespmem:s1+$0xFFFFFFA0];
	v6 =	vadd.f32 v1, v6;
	v15 =	vmul.f32 $1.442695020e+00, v8;
	(erf) = vpow2.f32 v11;
	[tilespmem:s23+$0xFFFFFF70] =	vst v5  }
0x15e: {  	v5 =	vld [tilespmem:s30+$0xFFFFFD30];
	v2 =	vmax.f32 v2, v10;
	v8 =	vmul.f32 $2.000000030e-01, v3;
	(erf) = vpow2.f32 v16;
	v7 =	vpop (erf)  }
0x15f: {  	v10 =	vld [tilespmem:s1+$0xFFFFFFB0];
	v11 =	vadd.f32 v14, v12;
	v12 =	vmul.f32 $2.000000030e-01, v6;
	v2 =	vmul.f32 $1.442695020e+00, v2;
	v14 =	vpop (erf);
	[tilespmem:s23+$0xFFFFFC10] =	vst v7;
	s23 =	smov.u32 s26;
	s26 =	smov.u32 s30  }
0x160: {  	v7 =	vld [tilespmem:s30+$0xFFFFFDC0];
	v3 =	vmax.f32 v3, v8;
	[tilespmem:s23+$0x0] =	vst v14;
	(erf) = vpow2.f32 v15;
	v1 =	vmov v4  }
0x161: {  	v8 =	vld [tilespmem:s1+$0xFFFFFFC0];
	v4 =	vmul.f32 $2.000000030e-01, v11;
	v6 =	vmax.f32 v6, v12;
	v14 =	vmul.f32 $1.442695020e+00, v3  }
0x162: {  	v9 =	vadd.f32 v9, v13;
	v12 =	vld [tilespmem:s30+$0xFFFFFE50];
	v6 =	vmul.f32 $1.442695020e+00, v6;
	(erf) = vpow2.f32 v2  }
0x163: {  	v13 =	vld [tilespmem:s1+$0xFFFFFFD0];
	v4 =	vmax.f32 v11, v4;
	(erf) = vpow2.f32 v14  }
.Ltmp3:
0x164: {  	v11 =	vmul.f32 $2.000000030e-01, v9;
	v10 =	vadd.f32 v10, v5;
	v2 =	vld [tilespmem:s30+$0xFFFFFEE0];
	v5 =	vmul.f32 $1.442695020e+00, v4;
	v3 =	vpop (erf);
	(pc) =	sbr.rel @p0 .LBB2_7-.Ltmp3, $4  }
0x165: {  	v4 =	vld [tilespmem:s1+$0xFFFFFFE0];
	[tilespmem:s23+$0xFFFFFCA0] =	vst v3;
	(erf) = vpow2.f32 v6  }
0x166: {  	v14 =	vmul.f32 $2.000000030e-01, v10;
	v7 =	vadd.f32 v8, v7;
	v3 =	vld [tilespmem:s30+$0xFFFFFF70];
	(erf) = vpow2.f32 v5;
	v6 =	vpop (erf)  }
0x167: {  	v9 =	vmax.f32 v9, v11;
	v5 =	vld [tilespmem:s1+$0xFFFFFFF0];
	[tilespmem:s23+$0xFFFFFD30] =	vst v6;
	v15 =	vpop (erf)  }
0x168: {  	s30 =	sadd.s32 $0x480, s30;
	v6 =	vld [tilespmem:s26+$0xFFFFFC10];
	v11 =	vmax.f32 v10, v14;
	v10 =	vmul.f32 $2.000000030e-01, v7;
	v8 =	vadd.f32 v13, v12;
	[tilespmem:s23+$0xFFFFFDC0] =	vst v15  }
0x169: {  	_ = 	snop  }
0x16a: {  	v9 =	vmul.f32 $1.442695020e+00, v9;
	v11 =	vmul.f32 $1.442695020e+00, v11  }
0x16b: {  	v7 =	vmax.f32 v7, v10;
	v10 =	vmul.f32 $2.000000030e-01, v8;
	v2 =	vadd.f32 v4, v2  }
0x16c: {  	v4 =	vmul.f32 $1.442695020e+00, v7;
	(erf) = vpow2.f32 v9;
	v3 =	vadd.f32 v5, v3  }
0x16d: {  	v5 =	vmax.f32 v8, v10;
	v7 =	vmul.f32 $2.000000030e-01, v2;
	v1 =	vadd.f32 v1, v6  }
0x16e: {  	(erf) = vpow2.f32 v11;
	v5 =	vmul.f32 $1.442695020e+00, v5  }
0x16f: {  	v6 =	vmul.f32 $2.000000030e-01, v3;
	v2 =	vmax.f32 v2, v7;
	v7 =	vmul.f32 $2.000000030e-01, v1  }
0x170: {  	(erf) = vpow2.f32 v4;
	v2 =	vmul.f32 $1.442695020e+00, v2  }
0x171: {  	(erf) = vpow2.f32 v5;
	v3 =	vmax.f32 v3, v6;
	v1 =	vmax.f32 v1, v7  }
0x172: {  	v3 =	vmul.f32 $1.442695020e+00, v3;
	v1 =	vmul.f32 $1.442695020e+00, v1  }
0x173: {  	v4 =	vpop (erf);
	(erf) = vpow2.f32 v2  }
0x174: {  	[tilespmem:s23+$0xFFFFFE50] =	vst v4;
	v2 =	vpop (erf);
	(erf) = vpow2.f32 v3  }
0x175: {  	[tilespmem:s23+$0xFFFFFEE0] =	vst v2;
	v2 =	vpop (erf);
	(erf) = vpow2.f32 v1  }
0x176: {  	[tilespmem:s23+$0xFFFFFF70] =	vst v2;
	v1 =	vpop (erf)  }
0x177: {  	v2 =	vpop (erf);
	[tilespmem:s23+$0xFFFFFC10] =	vst v1  }
0x178: {  	v1 =	vpop (erf);
	[tilespmem:s26+$0x0] =	vst v2  }
0x179: {  	[tilespmem:s26+$0xFFFFFCA0] =	vst v1;
	v1 =	vpop (erf)  }
0x17a: {  	[tilespmem:s26+$0xFFFFFD30] =	vst v1;
	v1 =	vpop (erf)  }
0x17b: {  	[tilespmem:s26+$0xFFFFFDC0] =	vst v1;
	v1 =	vpop (erf)  }
0x17c: {  	[tilespmem:s26+$0xFFFFFE50] =	vst v1;
	v1 =	vpop (erf)  }
0x17d: {  	[tilespmem:s26+$0xFFFFFEE0] =	vst v1;
	v1 =	vpop (erf)  }
0x17e: {  	[tilespmem:s26+$0xFFFFFF70] =	vst v1;
	v1 =	vpop (erf)  }
0x17f: {  	s23 =	simm.s32 $0x40B0;
	[tilespmem:s26+$0xFFFFFC10] =	vst v1  }
0x180: {  	v2 =	vld [tilespmem:s23+$0x230]  }
0x181: {  	v3 =	vld [tilespmem:s23+$0x110]  }
0x182: {  	v4 =	vld [tilespmem:s23+$0x220]  }
0x183: {  	v5 =	vld [tilespmem:s23+$0x1A0]  }
0x184: {  	v6 =	vld [tilespmem:s23+$0x80]  }
0x185: {  	v7 =	vld [tilespmem:s23+$0x0]  }
0x186: {  	v8 =	vld [tilespmem:s23+$0x10]  }
0x187: {  	v9 =	vld [tilespmem:s23+$0x20]  }
0x188: {  	v10 =	vld [tilespmem:s23+$0x30]  }
0x189: {  	v11 =	vld [tilespmem:s23+$0x40]  }
0x18a: {  	v12 =	vld [tilespmem:s23+$0x50];
	v1 =	vbroadcast v2, $0x3  }
0x18b: {  	v14 =	vld [tilespmem:s23+$0x60];
	v13 =	vbroadcast v6, $0x0  }
0x18c: {  	v15 =	vld [tilespmem:s23+$0x70];
	v16 =	vbroadcast v6, $0x1;
	v4 =	vmul.f32 v4, v1  }
0x18d: {  	v17 =	vld [tilespmem:s23+$0x90];
	v7 =	vmul.f32 v13, v7  }
0x18e: {  	v62 =	vld [tilespmem:s23+$0x140];
	v9 =	vmul.f32 v9, v16;
	v10 =	vmul.f32 v10, v16;
	[tilespmem:s23+$0x220] =	vst v4  }
0x18f: {  	v63 =	vld [tilespmem:s23+$0x180];
	v4 =	vmul.f32 v8, v13;
	v13 =	vbroadcast v6, $0x2;
	[tilespmem:s23+$0x0] =	vst v7  }
0x190: {  	v18 =	vld [tilespmem:s23+$0x1B0];
	[tilespmem:s23+$0x20] =	vst v9  }
0x191: {  	v8 =	vld [tilespmem:s23+$0xA0];
	v6 =	vbroadcast v6, $0x3;
	[tilespmem:s23+$0x30] =	vst v10;
	v11 =	vmul.f32 v11, v13  }
0x192: {  	v7 =	vld [tilespmem:s23+$0xB0];
	[tilespmem:s23+$0x10] =	vst v4;
	v12 =	vmul.f32 v12, v13  }
0x193: {  	v4 =	vld [tilespmem:s23+$0xC0];
	v13 =	vbroadcast v3, $0x0;
	v14 =	vmul.f32 v14, v6;
	[tilespmem:s23+$0x40] =	vst v11  }
0x194: {  	v9 =	vld [tilespmem:s23+$0xD0];
	v6 =	vmul.f32 v15, v6;
	[tilespmem:s23+$0x50] =	vst v12  }
0x195: {  	v10 =	vld [tilespmem:s23+$0xE0];
	v15 =	vbroadcast v3, $0x1;
	v61 =	vmul.f32 v13, v17;
	[tilespmem:s23+$0x60] =	vst v14  }
0x196: {  	v11 =	vld [tilespmem:s23+$0xF0];
	[tilespmem:s23+$0x70] =	vst v6;
	v8 =	vmul.f32 v8, v13  }
0x197: {  	v12 =	vld [tilespmem:s23+$0x100];
	v13 =	vbroadcast v3, $0x2;
	v7 =	vmul.f32 v7, v15;
	[tilespmem:s23+$0x90] =	vst v61  }
0x198: {  	v14 =	vld [tilespmem:s23+$0x120];
	v4 =	vmul.f32 v4, v15;
	[tilespmem:s23+$0xA0] =	vst v8  }
0x199: {  	v6 =	vld [tilespmem:s23+$0x130];
	v3 =	vbroadcast v3, $0x3;
	v9 =	vmul.f32 v9, v13;
	[tilespmem:s23+$0xB0] =	vst v7  }
0x19a: {  	v8 =	vld [tilespmem:s23+$0x150];
	v15 =	vbroadcast v2, $0x0;
	v10 =	vmul.f32 v10, v13;
	[tilespmem:s23+$0xC0] =	vst v4  }
0x19b: {  	v7 =	vld [tilespmem:s23+$0x160];
	v13 =	vbroadcast v5, $0x0;
	v11 =	vmul.f32 v11, v3;
	[tilespmem:s23+$0xD0] =	vst v9  }
0x19c: {  	v4 =	vld [tilespmem:s23+$0x170];
	v9 =	vbroadcast v5, $0x1;
	v3 =	vmul.f32 v12, v3;
	[tilespmem:s23+$0xE0] =	vst v10  }
0x19d: {  	v12 =	vld [tilespmem:s23+$0x190];
	v10 =	vbroadcast v5, $0x2;
	v14 =	vmul.f32 v13, v14;
	[tilespmem:s23+$0xF0] =	vst v11  }
0x19e: {  	p0 =	por $0x1, $0x1;
	v6 =	vmul.f32 v6, v13;
	v13 =	vld [tilespmem:s23+$0x1C0];
	v11 =	vbroadcast v5, $0x3;
	[tilespmem:s23+$0x100] =	vst v3  }
.Ltmp4:
0x19f: {  	v3 =	vbroadcast v2, $0x1;
	v16 =	vmul.f32 v62, v9;
	[tilespmem:s23+$0x120] =	vst v14;
	v5 =	vld [tilespmem:s23+$0x1D0];
	(pc) =	sbr.rel @!p0 .LBB2_10-.Ltmp4, $4  }
0x1a0: {  	v2 =	vbroadcast v2, $0x2;
	[tilespmem:s23+$0x130] =	vst v6;
	v6 =	vld [tilespmem:s23+$0x1E0];
	v8 =	vmul.f32 v8, v9  }
0x1a1: {  	v14 =	vmul.f32 v7, v10;
	v7 =	vld [tilespmem:s23+$0x1F0];
	[tilespmem:s23+$0x140] =	vst v16;
	v9 =	vmul.f32 v4, v10  }
0x1a2: {  	v10 =	vmul.f32 v63, v11;
	v11 =	vmul.f32 v12, v11;
	[tilespmem:s23+$0x150] =	vst v8;
	v8 =	vld [tilespmem:s23+$0x200]  }
0x1a3: {  	s1 =	simm.s32 $0x42F0;
	s26 =	simm.s32 $0x0;
	v12 =	vmul.f32 v15, v18;
	[tilespmem:s23+$0x160] =	vst v14;
	v13 =	vmul.f32 v13, v15;
	v4 =	vld [tilespmem:s23+$0x210]  }
.LBB2_9:
0x1a4: {  	v14 =	vld [tilespmem:s1+$0x230];
	s26 =	sadd.s32 $0x4, s26;
	[tilespmem:s23+$0x170] =	vst v9;
	v5 =	vmul.f32 v5, v3  }
0x1a5: {  	v9 =	vld [tilespmem:s1+$0x110];
	p0 =	slt.u32 s26, $0x4C;
	[tilespmem:s23+$0x180] =	vst v10;
	v3 =	vmul.f32 v6, v3  }
0x1a6: {  	v6 =	vld [tilespmem:s1+$0x220];
	[tilespmem:s23+$0x190] =	vst v11;
	v7 =	vmul.f32 v7, v2  }
0x1a7: {  	v10 =	vld [tilespmem:s1+$0x1A0];
	[tilespmem:s23+$0x1B0] =	vst v12;
	v2 =	vmul.f32 v8, v2  }
0x1a8: {  	v8 =	vld [tilespmem:s1+$0x80];
	[tilespmem:s23+$0x1C0] =	vst v13;
	v11 =	vmul.f32 v4, v1  }
0x1a9: {  	v12 =	vld [tilespmem:s1+$0x0];
	v4 =	vbroadcast v14, $0x0;
	v1 =	vbroadcast v14, $0x3;
	[tilespmem:s23+$0x1D0] =	vst v5  }
0x1aa: {  	v5 =	vld [tilespmem:s1+$0x10];
	v13 =	vbroadcast v9, $0x0;
	v15 =	vbroadcast v9, $0x1;
	[tilespmem:s23+$0x1E0] =	vst v3  }
0x1ab: {  	v17 =	vbroadcast v9, $0x2;
	v16 =	vld [tilespmem:s1+$0x20];
	v3 =	vmul.f32 v6, v1;
	[tilespmem:s23+$0x1F0] =	vst v7  }
0x1ac: {  	v7 =	vbroadcast v9, $0x3;
	v6 =	vld [tilespmem:s1+$0x30];
	v9 =	vbroadcast v10, $0x0;
	[tilespmem:s23+$0x200] =	vst v2  }
0x1ad: {  	v18 =	vbroadcast v8, $0x0;
	v19 =	vbroadcast v8, $0x1;
	v20 =	vld [tilespmem:s1+$0x40];
	[tilespmem:s1+$0x220] =	vst v3  }
0x1ae: {  	v21 =	vbroadcast v8, $0x2;
	v8 =	vbroadcast v8, $0x3;
	v22 =	vld [tilespmem:s1+$0x50];
	[tilespmem:s23+$0x210] =	vst v11;
	s23 =	smov.u32 s1  }
0x1af: {  	v23 =	vbroadcast v10, $0x1;
	v24 =	vbroadcast v10, $0x2;
	v11 =	vld [tilespmem:s1+$0x60]  }
0x1b0: {  	v26 =	vbroadcast v10, $0x3;
	v3 =	vbroadcast v14, $0x1;
	v25 =	vld [tilespmem:s1+$0x70]  }
0x1b1: {  	v2 =	vbroadcast v14, $0x2;
	v10 =	vmul.f32 v18, v12;
	v12 =	vld [tilespmem:s1+$0x90]  }
0x1b2: {  	v5 =	vmul.f32 v5, v18;
	v14 =	vmul.f32 v16, v19;
	v16 =	vld [tilespmem:s1+$0xA0]  }
0x1b3: {  	v6 =	vmul.f32 v6, v19;
	[tilespmem:s1+$0x0] =	vst v10;
	v10 =	vmul.f32 v20, v21;
	v18 =	vld [tilespmem:s1+$0xB0]  }
0x1b4: {  	[tilespmem:s1+$0x10] =	vst v5;
	v5 =	vmul.f32 v22, v21;
	v11 =	vmul.f32 v11, v8;
	v19 =	vld [tilespmem:s1+$0xC0]  }
0x1b5: {  	[tilespmem:s1+$0x20] =	vst v14;
	v8 =	vmul.f32 v25, v8;
	v14 =	vld [tilespmem:s1+$0xD0]  }
0x1b6: {  	[tilespmem:s1+$0x30] =	vst v6;
	v6 =	vmul.f32 v13, v12;
	v12 =	vld [tilespmem:s1+$0xE0]  }
0x1b7: {  	[tilespmem:s1+$0x40] =	vst v10;
	v10 =	vmul.f32 v16, v13;
	v13 =	vld [tilespmem:s1+$0xF0]  }
0x1b8: {  	[tilespmem:s1+$0x50] =	vst v5;
	v5 =	vmul.f32 v18, v15;
	v16 =	vld [tilespmem:s1+$0x100]  }
0x1b9: {  	[tilespmem:s1+$0x60] =	vst v11;
	v11 =	vmul.f32 v19, v15;
	v15 =	vld [tilespmem:s1+$0x120]  }
0x1ba: {  	[tilespmem:s1+$0x70] =	vst v8;
	v8 =	vmul.f32 v14, v17;
	v14 =	vld [tilespmem:s1+$0x130]  }
0x1bb: {  	[tilespmem:s1+$0x90] =	vst v6;
	v6 =	vmul.f32 v12, v17;
	v12 =	vld [tilespmem:s1+$0x140]  }
0x1bc: {  	[tilespmem:s1+$0xA0] =	vst v10;
	v10 =	vmul.f32 v13, v7;
	v13 =	vld [tilespmem:s1+$0x150]  }
0x1bd: {  	[tilespmem:s1+$0xB0] =	vst v5;
	v5 =	vmul.f32 v16, v7;
	v7 =	vld [tilespmem:s1+$0x160]  }
0x1be: {  	[tilespmem:s1+$0xC0] =	vst v11;
	v11 =	vmul.f32 v9, v15;
	v15 =	vld [tilespmem:s1+$0x170]  }
0x1bf: {  	[tilespmem:s1+$0xD0] =	vst v8;
	v8 =	vmul.f32 v14, v9;
	v14 =	vld [tilespmem:s1+$0x180]  }
0x1c0: {  	[tilespmem:s1+$0xE0] =	vst v6;
	v12 =	vmul.f32 v12, v23;
	v16 =	vld [tilespmem:s1+$0x190]  }
0x1c1: {  	[tilespmem:s1+$0xF0] =	vst v10;
	v13 =	vmul.f32 v13, v23;
	v17 =	vld [tilespmem:s1+$0x1B0]  }
0x1c2: {  	[tilespmem:s1+$0x100] =	vst v5;
	v18 =	vmul.f32 v7, v24;
	v19 =	vld [tilespmem:s1+$0x1C0]  }
.Ltmp5:
0x1c3: {  	[tilespmem:s1+$0x120] =	vst v11;
	v9 =	vmul.f32 v15, v24;
	v5 =	vld [tilespmem:s1+$0x1D0];
	(pc) =	sbr.rel @p0 .LBB2_9-.Ltmp5, $4  }
0x1c4: {  	[tilespmem:s1+$0x130] =	vst v8;
	v10 =	vmul.f32 v14, v26;
	v6 =	vld [tilespmem:s1+$0x1E0]  }
0x1c5: {  	[tilespmem:s1+$0x140] =	vst v12;
	v11 =	vmul.f32 v16, v26;
	v7 =	vld [tilespmem:s1+$0x1F0]  }
0x1c6: {  	[tilespmem:s1+$0x150] =	vst v13;
	v12 =	vmul.f32 v4, v17;
	v8 =	vld [tilespmem:s1+$0x200]  }
0x1c7: {  	s1 =	sadd.s32 $0x240, s1;
	[tilespmem:s23+$0x160] =	vst v18;
	v13 =	vmul.f32 v19, v4;
	v4 =	vld [tilespmem:s23+$0x210]  }
.LBB2_10:
0x1c8: {  	[tilespmem:s23+$0x170] =	vst v9  }
0x1c9: {  	[tilespmem:s23+$0x180] =	vst v10  }
0x1ca: {  	[tilespmem:s23+$0x190] =	vst v11  }
0x1cb: {  	v5 =	vmul.f32 v5, v3;
	[tilespmem:s23+$0x1B0] =	vst v12  }
0x1cc: {  	v3 =	vmul.f32 v6, v3;
	[tilespmem:s23+$0x1C0] =	vst v13  }
0x1cd: {  	p0 =	sne.s32 s18, $0x53;
	v63 =	vmul.f32 v7, v2;
	[tilespmem:s23+$0x1D0] =	vst v5  }
.Ltmp6:
0x1ce: {  	v2 =	vmul.f32 v8, v2;
	[tilespmem:s23+$0x1E0] =	vst v3;
	(pc) =	sbr.rel @p0 .LBB2_12-.Ltmp6, $4  }
0x1cf: {  	v1 =	vmul.f32 v4, v1;
	[tilespmem:s23+$0x1F0] =	vst v63  }
0x1d0: {  	[tilespmem:s23+$0x200] =	vst v2  }
0x1d1: {  	s1 =	simm.s32 $0x410;
	[tilespmem:s23+$0x210] =	vst v1  }
0x1d2: {  	[spmem:s5] =	stream.indirect.scatter.add.f32 [tilespmem:s10], [sflag:$0xE], $0x90, s1, s22, $0xb8;
	[tilespmem:$0x1FE30] =	vst v63  }
.Ltmp7:
0x1d3: {  	(pc) =	sbr.rel .LBB2_13-.Ltmp7, $4  }
0x1d4: {  	_ = 	snop  }
0x1d5: {  	_ =	swait.ge [sflag:s21], $0x2D00  }
0x1d6: {  	[sflag:s21] =	ssyncset.done $0x0  }
0x1d7: {  	[sflag:s21] =	ssyncadd.s32 $0xFFFFD300  }
.LBB2_12:
0x1d8: {  	_ =	swait.ge [sflag:s24], $0x50  }
0x1d9: {  	[sflag:s24] =	ssyncset.done $0x0  }
0x1da: {  	[sflag:s24] =	ssyncadd.s32 $0xFFFFFFB0  }
0x1db: {  	_ =	swait.ge [sflag:s25], $0x50  }
0x1dc: {  	[sflag:s25] =	ssyncset.done $0x0  }
0x1dd: {  	[sflag:s25] =	ssyncadd.s32 $0xFFFFFFB0  }
0x1de: {  	_ =	swait.ge [sflag:s21], $0x2D00  }
0x1df: {  	[sflag:s21] =	ssyncset.done $0x0  }
0x1e0: {  	[sflag:s21] =	ssyncadd.s32 $0xFFFFD300  }
0x1e1: {  	v1 =	vld [tilespmem:$0x0]  }
0x1e2: {  	v3 =	vld [tilespmem:$0xF0]  }
0x1e3: {  	v2 =	vld [tilespmem:$0xF0]  }
0x1e4: {  	v4 =	vld [tilespmem:$0x10]  }
0x1e5: {  	v6 =	vld [tilespmem:$0x100]  }
0x1e6: {  	v59 =	vld [tilespmem:$0x110]  }
0x1e7: {  	v5 =	vld [tilespmem:$0x100];
	v1 =	vadd.s32 v0, v1;
	[tilespmem:$0x3C0] =	vst v3  }
0x1e8: {  	[tilespmem:$0x1E0] =	vst v1;
	v1 =	vadd.s32 v0, v2;
	v2 =	vld [tilespmem:$0x20]  }
0x1e9: {  	[tilespmem:$0x2D0] =	vst v1;
	v1 =	vld [tilespmem:$0x110]  }
0x1ea: {  	v60 =	vld [tilespmem:$0x30];
	[tilespmem:$0x3D0] =	vst v6  }
0x1eb: {  	v61 =	vld [tilespmem:$0x120];
	v3 =	vadd.s32 v0, v4;
	[tilespmem:$0x3E0] =	vst v59  }
0x1ec: {  	v63 =	vld [tilespmem:$0x130];
	[tilespmem:$0x1F0] =	vst v3;
	v3 =	vadd.s32 v0, v5  }
0x1ed: {  	[tilespmem:$0x2E0] =	vst v3;
	v3 =	vld [tilespmem:$0x120];
	v2 =	vadd.s32 v0, v2  }
0x1ee: {  	[tilespmem:$0x200] =	vst v2;
	v1 =	vadd.s32 v0, v1;
	v2 =	vld [tilespmem:$0x40]  }
0x1ef: {  	[tilespmem:$0x2F0] =	vst v1;
	v1 =	vld [tilespmem:$0x130]  }
0x1f0: {  	[tilespmem:$0x3F0] =	vst v61  }
0x1f1: {  	v62 =	vadd.s32 v0, v60;
	[tilespmem:$0x400] =	vst v63  }
0x1f2: {  	[tilespmem:$0x210] =	vst v62;
	v3 =	vadd.s32 v0, v3  }
0x1f3: {  	[tilespmem:$0x300] =	vst v3;
	v2 =	vadd.s32 v0, v2  }
0x1f4: {  	[tilespmem:$0x220] =	vst v2;
	v1 =	vadd.s32 v0, v1  }
0x1f5: {  	s1 =	simm.s32 $0x2D0;
	s12 =	simm.s32 $0x4B0;
	s23 =	rddreg [dreg:$0xc];
	[tilespmem:$0x310] =	vst v1  }
0x1f6: {  	[tilespmem:s12], [sflag:$0x7] =	stream.indirect.gather [hbm4b:s3+s22], $0x10, s1, s22, $0xb8;
	[tilespmem:$0x1FE30] =	vst v63  }
0x1f7: {  	s1 =	sadd.s32 s20, s23  }
0x1f8: {  	s26 =	simm.s32 $0x1E0;
	s30 =	simm.s32 $0x13B0;
	s1 =	sshrl.u32 s1, $0x3  }
0x1f9: {  	[tilespmem:s30], [sflag:$0xA] =	stream.indirect.gather [hbm4b:s7+s22], $0x90, s26, s22, $0xb8;
	[tilespmem:$0x1FE30] =	vst v63  }
0x1fa: {  	s26 =	sadd.s32 s0, s1  }
0x1fb: {  	[tilespmem:s22], [sflag:$0x2] =	stream.linear.gather [hbm4b:s26+s6], $0x50, $0x38;
	[tilespmem:$0x1FE30] =	vst v63  }
0x1fc: {  	s1 =	sadd.s32 s2, s1;
	s30 =	simm.s32 $0x140  }
0x1fd: {  	[tilespmem:s30], [sflag:$0x5] =	stream.linear.gather [hbm4b:s1+s6], $0x50, $0x38;
	[tilespmem:$0x1FE30] =	vst v63  }
.LBB2_13:
0x1fe: {  	_ =	swait.ge [sflag:s8], $0x500  }
0x1ff: {  	[sflag:s8] =	ssyncset.done $0x0  }
0x200: {  	[sflag:s8] =	ssyncadd.s32 $0xFFFFFB00  }
0x201: {  	_ =	swait.ge [sflag:s11], $0x2D00  }
0x202: {  	[sflag:s11] =	ssyncset.done $0x0  }
0x203: {  	s20 =	simm.s32 $0x7220;
	[sflag:s11] =	ssyncadd.s32 $0xFFFFD300  }
0x204: {  	s1 =	simm.s32 $0xF20;
	v1 =	vld [tilespmem:s20+$0x0]  }
0x205: {  	v2 =	vld [tilespmem:s1+$0x0]  }
0x206: {  	v3 =	vld [tilespmem:s1+$0xFFFFFF90]  }
0x207: {  	v4 =	vld [tilespmem:s20+$0xFFFFFCA0]  }
0x208: {  	v5 =	vld [tilespmem:s1+$0xFFFFFFA0]  }
0x209: {  	v6 =	vld [tilespmem:s20+$0xFFFFFD30]  }
0x20a: {  	v7 =	vld [tilespmem:s1+$0xFFFFFFB0]  }
0x20b: {  	v8 =	vld [tilespmem:s20+$0xFFFFFDC0]  }
0x20c: {  	v9 =	vld [tilespmem:s1+$0xFFFFFFC0]  }
0x20d: {  	v10 =	vld [tilespmem:s1+$0xFFFFFFD0]  }
0x20e: {  	v12 =	vld [tilespmem:s20+$0xFFFFFEE0];
	v1 =	vadd.f32 v2, v1  }
0x20f: {  	v2 =	vld [tilespmem:s20+$0xFFFFFE50]  }
0x210: {  	v14 =	vld [tilespmem:s20+$0xFFFFFC10];
	v4 =	vadd.f32 v5, v4;
	v11 =	vmul.f32 $2.000000030e-01, v1  }
0x211: {  	v5 =	vld [tilespmem:s1+$0xFFFFFFE0];
	v6 =	vadd.f32 v7, v6  }
0x212: {  	v7 =	vld [tilespmem:s20+$0xFFFFFF70];
	v8 =	vadd.f32 v9, v8;
	v1 =	vmax.f32 v1, v11;
	v11 =	vmul.f32 $2.000000030e-01, v4  }
0x213: {  	v9 =	vld [tilespmem:s1+$0xFFFFFFF0];
	v13 =	vmul.f32 $2.000000030e-01, v6;
	v1 =	vmul.f32 $1.442695020e+00, v1  }
0x214: {  	s23 =	simm.s32 $0x76A0;
	v2 =	vadd.f32 v10, v2;
	v4 =	vmax.f32 v4, v11;
	v11 =	vmul.f32 $2.000000030e-01, v8  }
0x215: {  	s1 =	simm.s32 $0xFA0;
	v10 =	vld [tilespmem:s23+$0x0];
	(erf) = vpow2.f32 v1;
	v1 =	vmax.f32 v6, v13;
	v4 =	vmul.f32 $1.442695020e+00, v4  }
0x216: {  	v6 =	vld [tilespmem:s1+$0x0];
	v13 =	vmul.f32 $1.442695020e+00, v1;
	v8 =	vmax.f32 v8, v11;
	v11 =	vmul.f32 $2.000000030e-01, v2  }
0x217: {  	v60 =	vld [tilespmem:s23+$0xFFFFFD30];
	v5 =	vadd.f32 v5, v12;
	v8 =	vmul.f32 $1.442695020e+00, v8;
	(erf) = vpow2.f32 v4  }
0x218: {  	v3 =	vadd.f32 v3, v14;
	v7 =	vadd.f32 v9, v7;
	v9 =	vld [tilespmem:s1+$0xFFFFFFA0];
	(erf) = vpow2.f32 v13  }
0x219: {  	v4 =	vld [tilespmem:s23+$0xFFFFFCA0];
	v2 =	vmax.f32 v2, v11;
	v11 =	vmul.f32 $2.000000030e-01, v5;
	(erf) = vpow2.f32 v8  }
0x21a: {  	v62 =	vld [tilespmem:s23+$0xFFFFFE50];
	v2 =	vmul.f32 $1.442695020e+00, v2;
	v8 =	vmul.f32 $2.000000030e-01, v7  }
0x21b: {  	v61 =	vld [tilespmem:s1+$0xFFFFFFB0];
	v5 =	vmax.f32 v5, v11;
	v6 =	vadd.f32 v6, v10;
	v10 =	vmul.f32 $2.000000030e-01, v3  }
0x21c: {  	v11 =	vld [tilespmem:s23+$0xFFFFFDC0];
	v5 =	vmul.f32 $1.442695020e+00, v5;
	v7 =	vmax.f32 v7, v8;
	(erf) = vpow2.f32 v2  }
0x21d: {  	v8 =	vld [tilespmem:s1+$0xFFFFFFC0];
	v2 =	vmul.f32 $2.000000030e-01, v6;
	v7 =	vmul.f32 $1.442695020e+00, v7  }
0x21e: {  	v15 =	vld [tilespmem:s1+$0xFFFFFFD0];
	v3 =	vmax.f32 v3, v10;
	v9 =	vadd.f32 v9, v4;
	(erf) = vpow2.f32 v5  }
0x21f: {  	v1 =	vld [tilespmem:s1+$0xFFFFFF90];
	v3 =	vmul.f32 $1.442695020e+00, v3;
	v4 =	vpop (erf);
	v5 =	vmax.f32 v6, v2;
	(erf) = vpow2.f32 v7  }
0x220: {  	v10 =	vadd.f32 v61, v60;
	v2 =	vld [tilespmem:s23+$0xFFFFFEE0];
	v5 =	vmul.f32 $1.442695020e+00, v5  }
0x221: {  	v6 =	vmul.f32 $2.000000030e-01, v9;
	[tilespmem:s20+$0x0] =	vst v4;
	v4 =	vld [tilespmem:s1+$0xFFFFFFE0];
	v7 =	vpop (erf);
	(erf) = vpow2.f32 v3  }
0x222: {  	v12 =	vmul.f32 $2.000000030e-01, v10;
	v3 =	vld [tilespmem:s23+$0xFFFFFF70];
	[tilespmem:s20+$0xFFFFFCA0] =	vst v7;
	v7 =	vadd.f32 v8, v11;
	v8 =	vpop (erf);
	(erf) = vpow2.f32 v5  }
0x223: {  	v9 =	vmax.f32 v9, v6;
	v5 =	vld [tilespmem:s1+$0xFFFFFFF0];
	[tilespmem:s20+$0xFFFFFD30] =	vst v8;
	v63 =	vpop (erf)  }
0x224: {  	s12 =	simm.s32 $0x8;
	s26 =	simm.s32 $0x7B20;
	v6 =	vld [tilespmem:s23+$0xFFFFFC10];
	v11 =	vmax.f32 v10, v12;
	v8 =	vadd.f32 v15, v62;
	v10 =	vmul.f32 $2.000000030e-01, v7;
	[tilespmem:s20+$0xFFFFFDC0] =	vst v63  }
.LBB2_14:
0x225: {  	v12 =	vld [tilespmem:s26+$0x0];
	v15 =	vmul.f32 $1.442695020e+00, v9;
	v11 =	vmul.f32 $1.442695020e+00, v11;
	s1 =	sadd.s32 $0x80, s1;
	v13 =	vpop (erf)  }
0x226: {  	s12 =	sadd.s32 $0x8, s12;
	v14 =	vld [tilespmem:s1+$0x0];
	v7 =	vmax.f32 v7, v10;
	v10 =	vmul.f32 $2.000000030e-01, v8;
	v2 =	vadd.f32 v4, v2;
	[tilespmem:s20+$0xFFFFFE50] =	vst v13  }
0x227: {  	p0 =	slt.u32 s12, $0x48;
	v4 =	vld [tilespmem:s1+$0xFFFFFF90];
	v16 =	vmul.f32 $1.442695020e+00, v7;
	(erf) = vpow2.f32 v15;
	v9 =	vpop (erf)  }
0x228: {  	v13 =	vld [tilespmem:s26+$0xFFFFFCA0];
	v8 =	vmax.f32 v8, v10;
	v10 =	vmul.f32 $2.000000030e-01, v2;
	v3 =	vadd.f32 v5, v3;
	[tilespmem:s20+$0xFFFFFEE0] =	vst v9;
	v5 =	vpop (erf)  }
0x229: {  	v9 =	vld [tilespmem:s1+$0xFFFFFFA0];
	v6 =	vadd.f32 v1, v6;
	v15 =	vmul.f32 $1.442695020e+00, v8;
	(erf) = vpow2.f32 v11;
	[tilespmem:s20+$0xFFFFFF70] =	vst v5  }
0x22a: {  	v5 =	vld [tilespmem:s26+$0xFFFFFD30];
	v2 =	vmax.f32 v2, v10;
	v8 =	vmul.f32 $2.000000030e-01, v3;
	(erf) = vpow2.f32 v16;
	v7 =	vpop (erf)  }
0x22b: {  	v10 =	vld [tilespmem:s1+$0xFFFFFFB0];
	v11 =	vadd.f32 v14, v12;
	v12 =	vmul.f32 $2.000000030e-01, v6;
	v2 =	vmul.f32 $1.442695020e+00, v2;
	v14 =	vpop (erf);
	[tilespmem:s20+$0xFFFFFC10] =	vst v7;
	s20 =	smov.u32 s23;
	s23 =	smov.u32 s26  }
0x22c: {  	v7 =	vld [tilespmem:s26+$0xFFFFFDC0];
	v3 =	vmax.f32 v3, v8;
	[tilespmem:s20+$0x0] =	vst v14;
	(erf) = vpow2.f32 v15;
	v1 =	vmov v4  }
0x22d: {  	v8 =	vld [tilespmem:s1+$0xFFFFFFC0];
	v4 =	vmul.f32 $2.000000030e-01, v11;
	v6 =	vmax.f32 v6, v12;
	v14 =	vmul.f32 $1.442695020e+00, v3  }
0x22e: {  	v9 =	vadd.f32 v9, v13;
	v12 =	vld [tilespmem:s26+$0xFFFFFE50];
	v6 =	vmul.f32 $1.442695020e+00, v6;
	(erf) = vpow2.f32 v2  }
0x22f: {  	v13 =	vld [tilespmem:s1+$0xFFFFFFD0];
	v4 =	vmax.f32 v11, v4;
	(erf) = vpow2.f32 v14  }
.Ltmp8:
0x230: {  	v11 =	vmul.f32 $2.000000030e-01, v9;
	v10 =	vadd.f32 v10, v5;
	v2 =	vld [tilespmem:s26+$0xFFFFFEE0];
	v5 =	vmul.f32 $1.442695020e+00, v4;
	v3 =	vpop (erf);
	(pc) =	sbr.rel @p0 .LBB2_14-.Ltmp8, $4  }
0x231: {  	v4 =	vld [tilespmem:s1+$0xFFFFFFE0];
	[tilespmem:s20+$0xFFFFFCA0] =	vst v3;
	(erf) = vpow2.f32 v6  }
0x232: {  	v14 =	vmul.f32 $2.000000030e-01, v10;
	v7 =	vadd.f32 v8, v7;
	v3 =	vld [tilespmem:s26+$0xFFFFFF70];
	(erf) = vpow2.f32 v5;
	v6 =	vpop (erf)  }
0x233: {  	v9 =	vmax.f32 v9, v11;
	v5 =	vld [tilespmem:s1+$0xFFFFFFF0];
	[tilespmem:s20+$0xFFFFFD30] =	vst v6;
	v15 =	vpop (erf)  }
0x234: {  	s26 =	sadd.s32 $0x480, s26;
	v6 =	vld [tilespmem:s23+$0xFFFFFC10];
	v11 =	vmax.f32 v10, v14;
	v10 =	vmul.f32 $2.000000030e-01, v7;
	v8 =	vadd.f32 v13, v12;
	[tilespmem:s20+$0xFFFFFDC0] =	vst v15  }
0x235: {  	_ = 	snop  }
0x236: {  	v9 =	vmul.f32 $1.442695020e+00, v9;
	v11 =	vmul.f32 $1.442695020e+00, v11  }
0x237: {  	v7 =	vmax.f32 v7, v10;
	v10 =	vmul.f32 $2.000000030e-01, v8;
	v2 =	vadd.f32 v4, v2  }
0x238: {  	v4 =	vmul.f32 $1.442695020e+00, v7;
	(erf) = vpow2.f32 v9;
	v3 =	vadd.f32 v5, v3  }
0x239: {  	v5 =	vmax.f32 v8, v10;
	v7 =	vmul.f32 $2.000000030e-01, v2;
	v1 =	vadd.f32 v1, v6  }
0x23a: {  	(erf) = vpow2.f32 v11;
	v5 =	vmul.f32 $1.442695020e+00, v5  }
0x23b: {  	v6 =	vmul.f32 $2.000000030e-01, v3;
	v2 =	vmax.f32 v2, v7;
	v7 =	vmul.f32 $2.000000030e-01, v1  }
0x23c: {  	(erf) = vpow2.f32 v4;
	v2 =	vmul.f32 $1.442695020e+00, v2  }
0x23d: {  	(erf) = vpow2.f32 v5;
	v3 =	vmax.f32 v3, v6;
	v1 =	vmax.f32 v1, v7  }
0x23e: {  	v3 =	vmul.f32 $1.442695020e+00, v3;
	v1 =	vmul.f32 $1.442695020e+00, v1  }
0x23f: {  	v4 =	vpop (erf);
	(erf) = vpow2.f32 v2  }
0x240: {  	[tilespmem:s20+$0xFFFFFE50] =	vst v4;
	v2 =	vpop (erf);
	(erf) = vpow2.f32 v3  }
0x241: {  	[tilespmem:s20+$0xFFFFFEE0] =	vst v2;
	v2 =	vpop (erf);
	(erf) = vpow2.f32 v1  }
0x242: {  	[tilespmem:s20+$0xFFFFFF70] =	vst v2;
	v1 =	vpop (erf)  }
0x243: {  	v2 =	vpop (erf);
	[tilespmem:s20+$0xFFFFFC10] =	vst v1  }
0x244: {  	v1 =	vpop (erf);
	[tilespmem:s23+$0x0] =	vst v2  }
0x245: {  	[tilespmem:s23+$0xFFFFFCA0] =	vst v1;
	v1 =	vpop (erf)  }
0x246: {  	[tilespmem:s23+$0xFFFFFD30] =	vst v1;
	v1 =	vpop (erf)  }
0x247: {  	[tilespmem:s23+$0xFFFFFDC0] =	vst v1;
	v1 =	vpop (erf)  }
0x248: {  	[tilespmem:s23+$0xFFFFFE50] =	vst v1;
	v1 =	vpop (erf)  }
0x249: {  	[tilespmem:s23+$0xFFFFFEE0] =	vst v1;
	v1 =	vpop (erf)  }
0x24a: {  	[tilespmem:s23+$0xFFFFFF70] =	vst v1;
	v1 =	vpop (erf)  }
0x24b: {  	s20 =	simm.s32 $0x6DB0;
	[tilespmem:s23+$0xFFFFFC10] =	vst v1  }
0x24c: {  	v2 =	vld [tilespmem:s20+$0x230]  }
0x24d: {  	v3 =	vld [tilespmem:s20+$0x110]  }
0x24e: {  	v4 =	vld [tilespmem:s20+$0x220]  }
0x24f: {  	v5 =	vld [tilespmem:s20+$0x1A0]  }
0x250: {  	v6 =	vld [tilespmem:s20+$0x80]  }
0x251: {  	v7 =	vld [tilespmem:s20+$0x0]  }
0x252: {  	v8 =	vld [tilespmem:s20+$0x10]  }
0x253: {  	v9 =	vld [tilespmem:s20+$0x20]  }
0x254: {  	v10 =	vld [tilespmem:s20+$0x30]  }
0x255: {  	v11 =	vld [tilespmem:s20+$0x40]  }
0x256: {  	v12 =	vld [tilespmem:s20+$0x50];
	v1 =	vbroadcast v2, $0x3  }
0x257: {  	v14 =	vld [tilespmem:s20+$0x60];
	v13 =	vbroadcast v6, $0x0  }
0x258: {  	v15 =	vld [tilespmem:s20+$0x70];
	v16 =	vbroadcast v6, $0x1;
	v4 =	vmul.f32 v4, v1  }
0x259: {  	v17 =	vld [tilespmem:s20+$0x90];
	v7 =	vmul.f32 v13, v7  }
0x25a: {  	v62 =	vld [tilespmem:s20+$0x140];
	v9 =	vmul.f32 v9, v16;
	v10 =	vmul.f32 v10, v16;
	[tilespmem:s20+$0x220] =	vst v4  }
0x25b: {  	v63 =	vld [tilespmem:s20+$0x180];
	v4 =	vmul.f32 v8, v13;
	v13 =	vbroadcast v6, $0x2;
	[tilespmem:s20+$0x0] =	vst v7  }
0x25c: {  	v18 =	vld [tilespmem:s20+$0x1B0];
	[tilespmem:s20+$0x20] =	vst v9  }
0x25d: {  	v8 =	vld [tilespmem:s20+$0xA0];
	v6 =	vbroadcast v6, $0x3;
	[tilespmem:s20+$0x30] =	vst v10;
	v11 =	vmul.f32 v11, v13  }
0x25e: {  	v7 =	vld [tilespmem:s20+$0xB0];
	[tilespmem:s20+$0x10] =	vst v4;
	v12 =	vmul.f32 v12, v13  }
0x25f: {  	v4 =	vld [tilespmem:s20+$0xC0];
	v13 =	vbroadcast v3, $0x0;
	v14 =	vmul.f32 v14, v6;
	[tilespmem:s20+$0x40] =	vst v11  }
0x260: {  	v9 =	vld [tilespmem:s20+$0xD0];
	v6 =	vmul.f32 v15, v6;
	[tilespmem:s20+$0x50] =	vst v12  }
0x261: {  	v10 =	vld [tilespmem:s20+$0xE0];
	v15 =	vbroadcast v3, $0x1;
	v61 =	vmul.f32 v13, v17;
	[tilespmem:s20+$0x60] =	vst v14  }
0x262: {  	v11 =	vld [tilespmem:s20+$0xF0];
	[tilespmem:s20+$0x70] =	vst v6;
	v8 =	vmul.f32 v8, v13  }
0x263: {  	v12 =	vld [tilespmem:s20+$0x100];
	v13 =	vbroadcast v3, $0x2;
	v7 =	vmul.f32 v7, v15;
	[tilespmem:s20+$0x90] =	vst v61  }
0x264: {  	v14 =	vld [tilespmem:s20+$0x120];
	v4 =	vmul.f32 v4, v15;
	[tilespmem:s20+$0xA0] =	vst v8  }
0x265: {  	v6 =	vld [tilespmem:s20+$0x130];
	v3 =	vbroadcast v3, $0x3;
	v9 =	vmul.f32 v9, v13;
	[tilespmem:s20+$0xB0] =	vst v7  }
0x266: {  	v8 =	vld [tilespmem:s20+$0x150];
	v15 =	vbroadcast v2, $0x0;
	v10 =	vmul.f32 v10, v13;
	[tilespmem:s20+$0xC0] =	vst v4  }
0x267: {  	v7 =	vld [tilespmem:s20+$0x160];
	v13 =	vbroadcast v5, $0x0;
	v11 =	vmul.f32 v11, v3;
	[tilespmem:s20+$0xD0] =	vst v9  }
0x268: {  	v4 =	vld [tilespmem:s20+$0x170];
	v9 =	vbroadcast v5, $0x1;
	v3 =	vmul.f32 v12, v3;
	[tilespmem:s20+$0xE0] =	vst v10  }
0x269: {  	v12 =	vld [tilespmem:s20+$0x190];
	v10 =	vbroadcast v5, $0x2;
	v14 =	vmul.f32 v13, v14;
	[tilespmem:s20+$0xF0] =	vst v11  }
0x26a: {  	p0 =	por $0x1, $0x1;
	v6 =	vmul.f32 v6, v13;
	v13 =	vld [tilespmem:s20+$0x1C0];
	v11 =	vbroadcast v5, $0x3;
	[tilespmem:s20+$0x100] =	vst v3  }
.Ltmp9:
0x26b: {  	v3 =	vbroadcast v2, $0x1;
	v16 =	vmul.f32 v62, v9;
	[tilespmem:s20+$0x120] =	vst v14;
	v5 =	vld [tilespmem:s20+$0x1D0];
	(pc) =	sbr.rel @!p0 .LBB2_17-.Ltmp9, $4  }
0x26c: {  	v2 =	vbroadcast v2, $0x2;
	[tilespmem:s20+$0x130] =	vst v6;
	v6 =	vld [tilespmem:s20+$0x1E0];
	v8 =	vmul.f32 v8, v9  }
0x26d: {  	v14 =	vmul.f32 v7, v10;
	v7 =	vld [tilespmem:s20+$0x1F0];
	[tilespmem:s20+$0x140] =	vst v16;
	v9 =	vmul.f32 v4, v10  }
0x26e: {  	v10 =	vmul.f32 v63, v11;
	v11 =	vmul.f32 v12, v11;
	[tilespmem:s20+$0x150] =	vst v8;
	v8 =	vld [tilespmem:s20+$0x200]  }
0x26f: {  	s1 =	simm.s32 $0x6FF0;
	s23 =	simm.s32 $0x0;
	v12 =	vmul.f32 v15, v18;
	[tilespmem:s20+$0x160] =	vst v14;
	v13 =	vmul.f32 v13, v15;
	v4 =	vld [tilespmem:s20+$0x210]  }
.LBB2_16:
0x270: {  	v14 =	vld [tilespmem:s1+$0x230];
	s23 =	sadd.s32 $0x4, s23;
	[tilespmem:s20+$0x170] =	vst v9;
	v5 =	vmul.f32 v5, v3  }
0x271: {  	v9 =	vld [tilespmem:s1+$0x110];
	p0 =	slt.u32 s23, $0x4C;
	[tilespmem:s20+$0x180] =	vst v10;
	v3 =	vmul.f32 v6, v3  }
0x272: {  	v6 =	vld [tilespmem:s1+$0x220];
	[tilespmem:s20+$0x190] =	vst v11;
	v7 =	vmul.f32 v7, v2  }
0x273: {  	v10 =	vld [tilespmem:s1+$0x1A0];
	[tilespmem:s20+$0x1B0] =	vst v12;
	v2 =	vmul.f32 v8, v2  }
0x274: {  	v8 =	vld [tilespmem:s1+$0x80];
	[tilespmem:s20+$0x1C0] =	vst v13;
	v11 =	vmul.f32 v4, v1  }
0x275: {  	v12 =	vld [tilespmem:s1+$0x0];
	v4 =	vbroadcast v14, $0x0;
	v1 =	vbroadcast v14, $0x3;
	[tilespmem:s20+$0x1D0] =	vst v5  }
0x276: {  	v5 =	vld [tilespmem:s1+$0x10];
	v13 =	vbroadcast v9, $0x0;
	v15 =	vbroadcast v9, $0x1;
	[tilespmem:s20+$0x1E0] =	vst v3  }
0x277: {  	v17 =	vbroadcast v9, $0x2;
	v16 =	vld [tilespmem:s1+$0x20];
	v3 =	vmul.f32 v6, v1;
	[tilespmem:s20+$0x1F0] =	vst v7  }
0x278: {  	v7 =	vbroadcast v9, $0x3;
	v6 =	vld [tilespmem:s1+$0x30];
	v9 =	vbroadcast v10, $0x0;
	[tilespmem:s20+$0x200] =	vst v2  }
0x279: {  	v18 =	vbroadcast v8, $0x0;
	v19 =	vbroadcast v8, $0x1;
	v20 =	vld [tilespmem:s1+$0x40];
	[tilespmem:s1+$0x220] =	vst v3  }
0x27a: {  	v21 =	vbroadcast v8, $0x2;
	v8 =	vbroadcast v8, $0x3;
	v22 =	vld [tilespmem:s1+$0x50];
	[tilespmem:s20+$0x210] =	vst v11;
	s20 =	smov.u32 s1  }
0x27b: {  	v23 =	vbroadcast v10, $0x1;
	v24 =	vbroadcast v10, $0x2;
	v11 =	vld [tilespmem:s1+$0x60]  }
0x27c: {  	v26 =	vbroadcast v10, $0x3;
	v3 =	vbroadcast v14, $0x1;
	v25 =	vld [tilespmem:s1+$0x70]  }
0x27d: {  	v2 =	vbroadcast v14, $0x2;
	v10 =	vmul.f32 v18, v12;
	v12 =	vld [tilespmem:s1+$0x90]  }
0x27e: {  	v5 =	vmul.f32 v5, v18;
	v14 =	vmul.f32 v16, v19;
	v16 =	vld [tilespmem:s1+$0xA0]  }
0x27f: {  	v6 =	vmul.f32 v6, v19;
	[tilespmem:s1+$0x0] =	vst v10;
	v10 =	vmul.f32 v20, v21;
	v18 =	vld [tilespmem:s1+$0xB0]  }
0x280: {  	[tilespmem:s1+$0x10] =	vst v5;
	v5 =	vmul.f32 v22, v21;
	v11 =	vmul.f32 v11, v8;
	v19 =	vld [tilespmem:s1+$0xC0]  }
0x281: {  	[tilespmem:s1+$0x20] =	vst v14;
	v8 =	vmul.f32 v25, v8;
	v14 =	vld [tilespmem:s1+$0xD0]  }
0x282: {  	[tilespmem:s1+$0x30] =	vst v6;
	v6 =	vmul.f32 v13, v12;
	v12 =	vld [tilespmem:s1+$0xE0]  }
0x283: {  	[tilespmem:s1+$0x40] =	vst v10;
	v10 =	vmul.f32 v16, v13;
	v13 =	vld [tilespmem:s1+$0xF0]  }
0x284: {  	[tilespmem:s1+$0x50] =	vst v5;
	v5 =	vmul.f32 v18, v15;
	v16 =	vld [tilespmem:s1+$0x100]  }
0x285: {  	[tilespmem:s1+$0x60] =	vst v11;
	v11 =	vmul.f32 v19, v15;
	v15 =	vld [tilespmem:s1+$0x120]  }
0x286: {  	[tilespmem:s1+$0x70] =	vst v8;
	v8 =	vmul.f32 v14, v17;
	v14 =	vld [tilespmem:s1+$0x130]  }
0x287: {  	[tilespmem:s1+$0x90] =	vst v6;
	v6 =	vmul.f32 v12, v17;
	v12 =	vld [tilespmem:s1+$0x140]  }
0x288: {  	[tilespmem:s1+$0xA0] =	vst v10;
	v10 =	vmul.f32 v13, v7;
	v13 =	vld [tilespmem:s1+$0x150]  }
0x289: {  	[tilespmem:s1+$0xB0] =	vst v5;
	v5 =	vmul.f32 v16, v7;
	v7 =	vld [tilespmem:s1+$0x160]  }
0x28a: {  	[tilespmem:s1+$0xC0] =	vst v11;
	v11 =	vmul.f32 v9, v15;
	v15 =	vld [tilespmem:s1+$0x170]  }
0x28b: {  	[tilespmem:s1+$0xD0] =	vst v8;
	v8 =	vmul.f32 v14, v9;
	v14 =	vld [tilespmem:s1+$0x180]  }
0x28c: {  	[tilespmem:s1+$0xE0] =	vst v6;
	v12 =	vmul.f32 v12, v23;
	v16 =	vld [tilespmem:s1+$0x190]  }
0x28d: {  	[tilespmem:s1+$0xF0] =	vst v10;
	v13 =	vmul.f32 v13, v23;
	v17 =	vld [tilespmem:s1+$0x1B0]  }
0x28e: {  	[tilespmem:s1+$0x100] =	vst v5;
	v18 =	vmul.f32 v7, v24;
	v19 =	vld [tilespmem:s1+$0x1C0]  }
.Ltmp10:
0x28f: {  	[tilespmem:s1+$0x120] =	vst v11;
	v9 =	vmul.f32 v15, v24;
	v5 =	vld [tilespmem:s1+$0x1D0];
	(pc) =	sbr.rel @p0 .LBB2_16-.Ltmp10, $4  }
0x290: {  	[tilespmem:s1+$0x130] =	vst v8;
	v10 =	vmul.f32 v14, v26;
	v6 =	vld [tilespmem:s1+$0x1E0]  }
0x291: {  	[tilespmem:s1+$0x140] =	vst v12;
	v11 =	vmul.f32 v16, v26;
	v7 =	vld [tilespmem:s1+$0x1F0]  }
0x292: {  	[tilespmem:s1+$0x150] =	vst v13;
	v12 =	vmul.f32 v4, v17;
	v8 =	vld [tilespmem:s1+$0x200]  }
0x293: {  	s1 =	sadd.s32 $0x240, s1;
	[tilespmem:s20+$0x160] =	vst v18;
	v13 =	vmul.f32 v19, v4;
	v4 =	vld [tilespmem:s20+$0x210]  }
.LBB2_17:
0x294: {  	[tilespmem:s20+$0x170] =	vst v9  }
0x295: {  	[tilespmem:s20+$0x180] =	vst v10  }
0x296: {  	[tilespmem:s20+$0x190] =	vst v11  }
0x297: {  	v5 =	vmul.f32 v5, v3;
	[tilespmem:s20+$0x1B0] =	vst v12  }
0x298: {  	s18 =	sadd.s32 $0x1, s18;
	v3 =	vmul.f32 v6, v3;
	[tilespmem:s20+$0x1C0] =	vst v13  }
0x299: {  	p0 =	sne.s32 s18, $0x54;
	v63 =	vmul.f32 v7, v2;
	[tilespmem:s20+$0x1D0] =	vst v5  }
.Ltmp11:
0x29a: {  	v2 =	vmul.f32 v8, v2;
	[tilespmem:s20+$0x1E0] =	vst v3;
	(pc) =	sbr.rel @p0 .LBB2_2-.Ltmp11, $4  }
0x29b: {  	v1 =	vmul.f32 v4, v1;
	[tilespmem:s20+$0x1F0] =	vst v63  }
0x29c: {  	[tilespmem:s20+$0x200] =	vst v2  }
0x29d: {  	s1 =	simm.s32 $0x460;
	[tilespmem:s20+$0x210] =	vst v1  }
0x29e: {  	[spmem:s5] =	stream.indirect.scatter.add.f32 [tilespmem:s28], [sflag:$0xF], $0x90, s1, s22, $0xb8;
	[tilespmem:$0x1FE30] =	vst v63  }
0x29f: {  	s1 =	simm.s32 $0xE  }
0x2a0: {  	_ =	swait.ge [sflag:s1], $0x2D00  }
0x2a1: {  	[sflag:s1] =	ssyncset.done $0x0  }
0x2a2: {  	s23 =	simm.s32 $0xF;
	[sflag:s1] =	ssyncadd.s32 $0xFFFFD300  }
0x2a3: {  	_ =	swait.ge [sflag:s23], $0x2D00  }
0x2a4: {  	[sflag:s23] =	ssyncset.done $0x0  }
0x2a5: {  	[sflag:s23] =	ssyncadd.s32 $0xFFFFD300  }
0x2a6: {  	[bflag:$0x0] =	sbarrier.arrive $0xFFFF  }
0x2a7: {  	s12 =	rddreg [dreg:$0x7]  }
0x2a8: {  	s26 =	rddreg [dreg:$0xd]  }
0x2a9: {  	s20 =	simm.s32 $0x10;
	s18 =	rddreg [dreg:$0xf]  }
0x2aa: {  	[hbm:s26], [sflag:s12] =	dma.local [spmem:s18], $0x2C70  }
0x2ab: {  	_ =	swait.ge [sflag:s20], $0x2C70  }
0x2ac: {  	s23 =	rddreg [dreg:$0x10]  }
0x2ad: {  	s30 =	rddreg [dreg:$0xe];
	s23 =	sadd.s32 $0x1, s23  }
0x2ae: {  	p0 =	sne.s32 s23, s30  }
.Ltmp12:
0x2af: {  	_ = 	snop;
	(pc) =	sbr.rel @p0 .LBB2_1-.Ltmp12, $3  }
0x2b0: {  	_ =	sdelay $0x1  }
0x2b1: {  	[sflag:s20] =	ssyncset.done $0x0  }
0x2b2: {  	[sflag:s20] =	ssyncadd.s32 $0xFFFFD390  }
0x2b3: {  	_ =	sfence.sel $0x180000  }
0x2b4: {  	[bflag:$0x0] =	sbarrier.arrive $0xFFFF  }
0x2b5: {  	_ =	strace $0x90000047  }
0x2b6: {  	s0 =	stileid.u32;
	[bflag:$0x2] =	sbarrier.arrive $0xFFFF  }
0x2b7: {  	p0 =	sne.s32 s0, $0x0;
	s0 =	rddreg [dreg:$0x5]  }
0x2b8: {  	s0 =	sadd.s32 @!p0 $0x100000, s0  }
0x2b9: {  	[sflag:s0] =	ssyncadd.tile.s32 @!p0 $0x1;
	_ =	shalt  }
.Lfunc_end2:
_tile_overlayer_lowered:
.L_overlay_start_2:
0x2ba: {  	(tag) =	ssettag $0x2  }
0x2bb: {  	s0 =	rddreg [dreg:$0x0];
	s2 =	stileid.u32  }
0x2bc: {  	s1 =	rddreg [dreg:$0x1];
	p0 =	sne.s32 s2, $0x0  }
0x2bd: {  	s3 =	rddreg [dreg:$0x2];
	[bflag:$0x3] =	sbarrier.arrive $0xFFFF;
	s2 =	simm.s32 @!p0 $0x1C10  }
0x2be: {  	[timem:s3], [sflag:s2] =	dma.local @!p0 [hbm:s0], s1  }
0x2bf: {  	s0 =	simm.s32 @!p0 $0x10  }
0x2c0: {  	_ =	swait.ge @!p0 [sflag:s0], s1  }
0x2c1: {  	s1 =	ssub.s32 @!p0 $0x0, s1;
	[sflag:s0] =	ssyncset.done @!p0 $0x0  }
0x2c2: {  	[sflag:s0] =	ssyncadd.s32 @!p0 s1  }
0x2c3: {  	[bflag:$0x3] =	sbarrier.arrive $0xFFFF  }
0x2c4: {  	_ =	shalt  }

</sc_bundles>
